<compile_context>
chip_gen: v7x
topology: tpu7x:2x2x1
jax: 0.10.2.dev20260603
libtpu: 0.0.44.dev20260713+nightly
codegen_flags: <defaults>
</compile_context>

<pallas_src>
import jax
import jax.numpy as jnp
from jax import lax
from jax.experimental import pallas as pl
from jax.experimental.pallas import tpu as pltpu
from jax.experimental.pallas import tpu_sc as plsc

_NC = 2
_NS = 16
_CH = 128
_L = 16


def _round_up(a, b):
    return (a + b - 1) // b * b



def _sc_aggregate(y, src2d, dst2d, z_feat, z_cnt, idn, with_cnt):
    feat = y.shape[1]
    n_rows = y.shape[0]
    n_chunks = src2d.shape[2]
    n_acc = z_feat.shape[0]
    rpt = n_acc // _NS

    out_type = [jax.ShapeDtypeStruct((_NC, n_acc, feat), jnp.float32)]
    scratch = [
        pltpu.VMEM((n_chunks, _CH), jnp.int32),
        pltpu.VMEM((n_chunks, _CH), jnp.int32),
        pltpu.VMEM((_CH, feat), jnp.float32),
        pltpu.VMEM((_CH, feat), jnp.float32),
        pltpu.VMEM((_CH, feat), jnp.float32),
        pltpu.VMEM((_CH, feat), jnp.float32),
        pltpu.VMEM_SHARED((n_acc, feat), jnp.float32),
        pltpu.VMEM_SHARED((n_acc, feat), jnp.float32),
        pltpu.SemaphoreType.DMA,
        pltpu.SemaphoreType.DMA,
        pltpu.SemaphoreType.DMA,
        pltpu.SemaphoreType.DMA,
        pltpu.SemaphoreType.DMA,
        pltpu.SemaphoreType.DMA,
        pltpu.SemaphoreType.DMA,
        pltpu.SemaphoreType.DMA,
    ]
    if with_cnt:
        n_cnt = z_cnt.shape[0]
        out_type.append(jax.ShapeDtypeStruct((_NC, n_cnt, _L), jnp.float32))
        scratch += [
            pltpu.VMEM((n_cnt, _L), jnp.float32),
            pltpu.VMEM((n_cnt // _CH, _CH), jnp.int32),
            pltpu.VMEM_SHARED((n_cnt, _L), jnp.float32),
        ]

    mesh = plsc.VectorSubcoreMesh(core_axis_name="c", subcore_axis_name="s")

    def body(*refs):
        if with_cnt:
            (y_h, src_h, dst_h, zf_h, zc_h, idn_h,
             acc_o, cnt_o,
             src_v, dst_v, r0b, r1b, r2b, r3b, acc_sh, y_sh,
             g0, g1, g2, g3, s0, s1, s2, s3,
             cntp_v, idn_v, cnt_sh) = refs
        else:
            (y_h, src_h, dst_h, zf_h,
             acc_o,
             src_v, dst_v, r0b, r1b, r2b, r3b, acc_sh, y_sh,
             g0, g1, g2, g3, s0, s1, s2, s3) = refs
        rows_bufs = (r0b, r1b, r2b, r3b)
        gsems = (g0, g1, g2, g3)
        ssems = (s0, s1, s2, s3)
        c = lax.axis_index("c")
        s = lax.axis_index("s")
        r0 = s * rpt
        pltpu.sync_copy(zf_h.at[pl.ds(r0, rpt)], acc_sh.at[pl.ds(r0, rpt)])
        if with_cnt:
            cpt = z_cnt.shape[0] // _NS
            pltpu.sync_copy(zc_h.at[pl.ds(s * cpt, cpt)],
                            cnt_sh.at[pl.ds(s * cpt, cpt)])
            pltpu.sync_copy(zc_h, cntp_v)
            pltpu.sync_copy(idn_h, idn_v)
        b8 = (n_rows // _NS) & ~7
        last = n_rows - (_NS - 1) * b8
        ty0 = s * b8

        @pl.when(s < _NS - 1)
        def _():
            pltpu.sync_copy(y_h.at[pl.ds(ty0, b8)], y_sh.at[pl.ds(ty0, b8)])

        @pl.when(s == _NS - 1)
        def _():
            t1 = (_NS - 1) * b8
            pltpu.sync_copy(y_h.at[pl.ds(t1, last)], y_sh.at[pl.ds(t1, last)])

        pltpu.sync_copy(src_h.at[c, s], src_v)
        pltpu.sync_copy(dst_h.at[c, s], dst_v)

        plsc.subcore_barrier()

        for p in range(3):
            pltpu.async_copy(y_sh.at[src_v.at[p]], rows_bufs[p], gsems[p])

        def do_chunk(j, b):
            la = j + 3
            bn = (b + 3) % 4

            @pl.when(la < n_chunks)
            def _():
                @pl.when(la >= 4)
                def _():
                    pltpu.make_async_copy(
                        rows_bufs[bn], acc_sh.at[dst_v.at[0]],
                        ssems[bn]).wait()
                pltpu.async_copy(y_sh.at[src_v.at[la]], rows_bufs[bn],
                                 gsems[bn])

            if with_cnt:
                ones16 = jnp.ones((_L,), jnp.float32)
                for kk in range(_CH // _L):
                    d = dst_v[j, pl.ds(kk * _L, _L)]
                    plsc.addupdate_scatter(
                        cntp_v, [jnp.right_shift(d, 4),
                                 jnp.bitwise_and(d, 15)], ones16)

            pltpu.make_async_copy(y_sh.at[src_v.at[j]], rows_bufs[b],
                                  gsems[b]).wait()
            pltpu.async_copy(rows_bufs[b], acc_sh.at[dst_v.at[j]], ssems[b],
                             add=True)

        def quad(t, carry):
            for q in range(4):
                do_chunk(4 * t + q, q)
            return carry

        lax.fori_loop(0, n_chunks // 4, quad, 0)
        for b in range(4):
            pltpu.make_async_copy(rows_bufs[b], acc_sh.at[dst_v.at[0]],
                                  ssems[b]).wait()

        if with_cnt:
            for jj in range(z_cnt.shape[0] // _CH):
                pltpu.sync_copy(cntp_v.at[pl.ds(jj * _CH, _CH)],
                                cnt_sh.at[idn_v.at[jj]], add=True)

        plsc.subcore_barrier()
        pltpu.sync_copy(acc_sh.at[pl.ds(r0, rpt)], acc_o.at[c, pl.ds(r0, rpt)])
        if with_cnt:
            cpt = z_cnt.shape[0] // _NS
            pltpu.sync_copy(cnt_sh.at[pl.ds(s * cpt, cpt)],
                            cnt_o.at[c, pl.ds(s * cpt, cpt)])

    kern = pl.kernel(
        body, out_type=out_type, mesh=mesh, scratch_types=scratch,
        compiler_params=pltpu.CompilerParams(use_tc_tiling_on_sc=False,
                                             needs_layout_passes=False))
    if with_cnt:
        return kern(y, src2d, dst2d, z_feat, z_cnt, idn)
    return kern(y, src2d, dst2d, z_feat)[0]



_DN = (((1,), (1,)), ((), ()))


def _tc_in(x, wl, wr):
    n = x.shape[0]
    h = wl.shape[0]

    def body(x_ref, wl_ref, wr_ref, y_ref, z_ref):
        xv = x_ref[...]
        y_ref[...] = lax.dot_general(xv, wl_ref[...], _DN,
                                     preferred_element_type=jnp.float32)
        z_ref[...] = lax.dot_general(xv, wr_ref[...], _DN,
                                     preferred_element_type=jnp.float32)

    return pl.pallas_call(
        body,
        out_shape=[jax.ShapeDtypeStruct((n, h), jnp.float32),
                   jax.ShapeDtypeStruct((n, h), jnp.float32)],
    )(x, wl, wr)


def _norm_h(acc_ref, cnt_ref, z_ref, b_ref, g_ref, be_ref, n):
    ssum = acc_ref[0, :n, :] + acc_ref[1, :n, :]
    cv = cnt_ref[:, 0:1] + cnt_ref[:, 1:2]
    mean = ssum / jnp.maximum(cv, 1.0)
    hv = mean + b_ref[...] + z_ref[...]
    mu = jnp.mean(hv, axis=0, keepdims=True)
    var = jnp.mean((hv - mu) ** 2, axis=0, keepdims=True)
    hn = (hv - mu) * lax.rsqrt(var + 1e-5) * g_ref[...] + be_ref[...]
    return jnp.maximum(hn, 0.0)


def _tc_mid(n, acc, cnt2, z, b, g, be, wl, wr):
    h = wl.shape[0]

    def body(acc_ref, cnt_ref, z_ref, b_ref, g_ref, be_ref, wl_ref, wr_ref,
             y_ref, z2_ref):
        hn = _norm_h(acc_ref, cnt_ref, z_ref, b_ref, g_ref, be_ref, n)
        y_ref[...] = lax.dot_general(hn, wl_ref[...], _DN,
                                     preferred_element_type=jnp.float32)
        z2_ref[...] = lax.dot_general(hn, wr_ref[...], _DN,
                                      preferred_element_type=jnp.float32)

    return pl.pallas_call(
        body,
        out_shape=[jax.ShapeDtypeStruct((n, h), jnp.float32),
                   jax.ShapeDtypeStruct((n, h), jnp.float32)],
    )(acc, cnt2, z, b, g, be, wl, wr)


def _tc_out(n, acc, cnt2, z, b, g, be, wo, bo):
    o = wo.shape[0]

    def body(acc_ref, cnt_ref, z_ref, b_ref, g_ref, be_ref, wo_ref, bo_ref,
             o_ref):
        hn = _norm_h(acc_ref, cnt_ref, z_ref, b_ref, g_ref, be_ref, n)
        o_ref[...] = lax.dot_general(hn, wo_ref[...], _DN,
                                     preferred_element_type=jnp.float32) + bo_ref[...]

    return pl.pallas_call(
        body,
        out_shape=jax.ShapeDtypeStruct((n, o), jnp.float32),
    )(acc, cnt2, z, b, g, be, wo, bo)



def kernel(x, edge_index, W1l, b1l, W1r, g1, be1, W2l, b2l, W2r, g2, be2,
           Wo, bo):
    n, _ = x.shape
    e = edge_index.shape[1]

    ep = _round_up(e, _NC * _NS * _CH * 2)
    pad = ep - e
    src = jnp.concatenate([edge_index[0], jnp.zeros((pad,), jnp.int32)])
    dst = jnp.concatenate([edge_index[1], jnp.full((pad,), n, jnp.int32)])
    n_chunks = ep // (_NC * _NS * _CH)
    src2d = src.reshape(_NC, _NS, n_chunks, _CH)
    dst2d = dst.reshape(_NC, _NS, n_chunks, _CH)

    n_acc = _round_up(n + 1, _NS * 8)
    n_cnt = _round_up(n_acc, _L * _CH) // _L
    z48 = jnp.zeros((n_acc, 48), jnp.float32)
    zc = jnp.zeros((n_cnt, _L), jnp.float32)
    idn = jnp.arange(n_cnt, dtype=jnp.int32).reshape(n_cnt // _CH, _CH)

    b1 = b1l.reshape(1, -1)
    g1r = g1.reshape(1, -1)
    be1r = be1.reshape(1, -1)
    b2 = b2l.reshape(1, -1)
    g2r = g2.reshape(1, -1)
    be2r = be2.reshape(1, -1)
    bor = bo.reshape(1, -1)

    y1, z1 = _tc_in(x, W1l, W1r)
    acc1, cnt = _sc_aggregate(y1, src2d, dst2d, z48, zc, idn, True)
    cnt2 = cnt.reshape(_NC, n_cnt * _L)[:, :n].T
    y2, z2 = _tc_mid(n, acc1, cnt2, z1, b1, g1r, be1r, W2l, W2r)
    acc2 = _sc_aggregate(y2, src2d, dst2d, z48, None, None, False)
    return _tc_out(n, acc2, cnt2, z2, b2, g2r, be2r, Wo, bor)

# --- scband reference (transcript-rebuilt; emitter-appended) ---
"""Pipeline reference for scband-sage-net-34849364640442 (READ-ONLY COPY).

The authoritative reference and input builder live on the scoring server;
editing this copy changes nothing except your own understanding.
"""

import jax, jax.numpy as jnp
import numpy as np

N = 10000
E = 320000
D = 128
H = 48
O = 4


def setup_inputs(seed: int = 0) -> dict:
    key = jax.random.key(seed)
    ks = jax.random.split(key, 16)
    x = jax.random.normal(ks[0], (N, D), dtype=jnp.float32)
    edge_index = jax.random.randint(ks[1], (2, E), 0, N, dtype=jnp.int32)
    # SAGEConv1: lin_l (neighbor aggregate, with bias), lin_r (root, no bias)
    W1l = jax.random.normal(ks[2], (H, D), dtype=jnp.float32) * 0.05
    b1l = jnp.zeros((H,), dtype=jnp.float32)
    W1r = jax.random.normal(ks[3], (H, D), dtype=jnp.float32) * 0.05
    g1 = jnp.ones((H,), dtype=jnp.float32)
    be1 = jnp.zeros((H,), dtype=jnp.float32)
    # SAGEConv2
    W2l = jax.random.normal(ks[4], (H, H), dtype=jnp.float32) * 0.1
    b2l = jnp.zeros((H,), dtype=jnp.float32)
    W2r = jax.random.normal(ks[5], (H, H), dtype=jnp.float32) * 0.1
    g2 = jnp.ones((H,), dtype=jnp.float32)
    be2 = jnp.zeros((H,), dtype=jnp.float32)
    # output linear
    Wo = jax.random.normal(ks[6], (O, H), dtype=jnp.float32) * 0.1
    bo = jnp.zeros((O,), dtype=jnp.float32)
    return {"x": x, "edge_index": edge_index, "W1l": W1l, "b1l": b1l, "W1r": W1r,
            "g1": g1, "be1": be1, "W2l": W2l, "b2l": b2l, "W2r": W2r,
            "g2": g2, "be2": be2, "Wo": Wo, "bo": bo}


def _sage_conv(x, src, dst, Wl, bl, Wr):
    # PyG SAGEConv with mean aggregation: out = lin_l(mean_j x_j) + lin_r(x_i)
    msg = jnp.take(x, src, axis=0)
    agg = jax.ops.segment_sum(msg, dst, num_segments=N)
    cnt = jax.ops.segment_sum(jnp.ones((src.shape[0],), dtype=x.dtype), dst, num_segments=N)
    mean = agg / jnp.clip(cnt, 1.0, None)[:, None]
    return mean @ Wl.T + bl + x @ Wr.T


def _batch_norm(h, g, b, eps=1e-5):
    mu = jnp.mean(h, axis=0, keepdims=True)
    var = jnp.var(h, axis=0, keepdims=True)
    return (h - mu) / jnp.sqrt(var + eps) * g + b


def reference(x, edge_index, W1l, b1l, W1r, g1, be1, W2l, b2l, W2r, g2, be2, Wo, bo):
    src = edge_index[0]
    dst = edge_index[1]
    h = _sage_conv(x, src, dst, W1l, b1l, W1r)
    h = jax.nn.relu(_batch_norm(h, g1, be1))
    # dropout is identity in eval mode
    h = _sage_conv(h, src, dst, W2l, b2l, W2r)
    h = jax.nn.relu(_batch_norm(h, g2, be2))
    return h @ Wo.T + bo

if __name__ == "__main__":
    import jax
    _d = setup_inputs()
    print(jax.jit(kernel)(*tuple(_d.values())))

</pallas_src>

<mosaic_0001>
#map = affine_map<(d0, d1) -> (0, 0)>
#map1 = affine_map<(d0, d1) -> (0, 0, 0, 0)>
#map2 = affine_map<(d0, d1) -> (0, 0, 0)>
module attributes {stable_mosaic.version = 14 : i64} {
  func.func @body(%arg0: i32, %arg1: i32, %arg2: memref<10000x48xf32, #tpu.memory_space<hbm>>, %arg3: memref<2x16x80x128xi32, #tpu.memory_space<hbm>>, %arg4: memref<2x16x80x128xi32, #tpu.memory_space<hbm>>, %arg5: memref<10112x48xf32, #tpu.memory_space<hbm>>, %arg6: memref<640x16xf32, #tpu.memory_space<hbm>>, %arg7: memref<5x128xi32, #tpu.memory_space<hbm>>, %arg8: memref<2x10112x48xf32, #tpu.memory_space<hbm>>, %arg9: memref<2x640x16xf32, #tpu.memory_space<hbm>>, %arg10: memref<80x128xi32, #tpu.memory_space<vmem>>, %arg11: memref<80x128xi32, #tpu.memory_space<vmem>>, %arg12: memref<128x48xf32, #tpu.memory_space<vmem>>, %arg13: memref<128x48xf32, #tpu.memory_space<vmem>>, %arg14: memref<128x48xf32, #tpu.memory_space<vmem>>, %arg15: memref<128x48xf32, #tpu.memory_space<vmem>>, %arg16: memref<10112x48xf32, #tpu.memory_space<vmem_shared>>, %arg17: memref<10112x48xf32, #tpu.memory_space<vmem_shared>>, %arg18: memref<!tpu.dma_semaphore, #tpu.memory_space<semaphore_mem>>, %arg19: memref<!tpu.dma_semaphore, #tpu.memory_space<semaphore_mem>>, %arg20: memref<!tpu.dma_semaphore, #tpu.memory_space<semaphore_mem>>, %arg21: memref<!tpu.dma_semaphore, #tpu.memory_space<semaphore_mem>>, %arg22: memref<!tpu.dma_semaphore, #tpu.memory_space<semaphore_mem>>, %arg23: memref<!tpu.dma_semaphore, #tpu.memory_space<semaphore_mem>>, %arg24: memref<!tpu.dma_semaphore, #tpu.memory_space<semaphore_mem>>, %arg25: memref<!tpu.dma_semaphore, #tpu.memory_space<semaphore_mem>>, %arg26: memref<640x16xf32, #tpu.memory_space<vmem>>, %arg27: memref<5x128xi32, #tpu.memory_space<vmem>>, %arg28: memref<640x16xf32, #tpu.memory_space<vmem_shared>>) attributes {dimension_semantics = [#tpu.dimension_semantics<core_parallel>, #tpu.dimension_semantics<subcore_parallel>], iteration_bounds = array<i64: 2, 16>, scalar_prefetch = 0 : i64, scratch_operands = 19 : i64, tpu.core_type = #tpu.core_type<sc_vector_subcore>, window_params = [{transform_indices = #map}, {transform_indices = #map1}, {transform_indices = #map1}, {transform_indices = #map}, {transform_indices = #map}, {transform_indices = #map}, {transform_indices = #map2}, {transform_indices = #map2}]} {
    %mul3A = arith.constant 632 : i32
    %mul3A_0 = arith.muli %arg1, %mul3A : i32
    "tpu.region"() ({
      %run_scoped3A_74 = tpu.sem_alloc : memref<!tpu.dma_semaphore, #tpu.memory_space<semaphore_mem>>
      %dma_start3A_75 = arith.constant 0 : i32
      %dma_start3A_76 = tpu.memref_slice %arg16[%mul3A_0, %dma_start3A_75] : memref<10112x48xf32, #tpu.memory_space<vmem_shared>> -> memref<632x48xf32, #tpu.memory_space<vmem_shared>>
      %dma_start3A_77 = arith.constant 0 : i32
      %dma_start3A_78 = tpu.memref_slice %arg5[%mul3A_0, %dma_start3A_77] : memref<10112x48xf32, #tpu.memory_space<hbm>> -> memref<632x48xf32, #tpu.memory_space<hbm>>
      tpu.enqueue_dma source(%dma_start3A_78 : memref<632x48xf32, #tpu.memory_space<hbm>>) target(%dma_start3A_76 : memref<632x48xf32, #tpu.memory_space<vmem_shared>>) target_semaphore(%run_scoped3A_74 : memref<!tpu.dma_semaphore, #tpu.memory_space<semaphore_mem>>)
      %dma_wait3A_79 = arith.constant 0 : i32
      %dma_wait3A_80 = tpu.memref_slice %arg16[%mul3A_0, %dma_wait3A_79] : memref<10112x48xf32, #tpu.memory_space<vmem_shared>> -> memref<632x48xf32, #tpu.memory_space<vmem_shared>>
      %dma_wait3A_81 = arith.constant 0 : i32
      %dma_wait3A_82 = tpu.memref_slice %arg5[%mul3A_0, %dma_wait3A_81] : memref<10112x48xf32, #tpu.memory_space<hbm>> -> memref<632x48xf32, #tpu.memory_space<hbm>>
      tpu.wait_dma2 semaphore(%run_scoped3A_74 : memref<!tpu.dma_semaphore, #tpu.memory_space<semaphore_mem>>) src(%dma_wait3A_82 : memref<632x48xf32, #tpu.memory_space<hbm>>) dst(%dma_wait3A_80 : memref<632x48xf32, #tpu.memory_space<vmem_shared>>)
      tpu.yield
    }) : () -> ()
    %mul3A_1 = arith.constant 40 : i32
    %mul3A_2 = arith.muli %arg1, %mul3A_1 : i32
    %mul3A_3 = arith.constant 40 : i32
    %mul3A_4 = arith.muli %arg1, %mul3A_3 : i32
    "tpu.region"() ({
      %run_scoped3A_74 = tpu.sem_alloc : memref<!tpu.dma_semaphore, #tpu.memory_space<semaphore_mem>>
      %dma_start3A_75 = arith.constant 0 : i32
      %dma_start3A_76 = tpu.memref_slice %arg28[%mul3A_4, %dma_start3A_75] : memref<640x16xf32, #tpu.memory_space<vmem_shared>> -> memref<40x16xf32, #tpu.memory_space<vmem_shared>>
      %dma_start3A_77 = arith.constant 0 : i32
      %dma_start3A_78 = tpu.memref_slice %arg6[%mul3A_2, %dma_start3A_77] : memref<640x16xf32, #tpu.memory_space<hbm>> -> memref<40x16xf32, #tpu.memory_space<hbm>>
      tpu.enqueue_dma source(%dma_start3A_78 : memref<40x16xf32, #tpu.memory_space<hbm>>) target(%dma_start3A_76 : memref<40x16xf32, #tpu.memory_space<vmem_shared>>) target_semaphore(%run_scoped3A_74 : memref<!tpu.dma_semaphore, #tpu.memory_space<semaphore_mem>>)
      %dma_wait3A_79 = arith.constant 0 : i32
      %dma_wait3A_80 = tpu.memref_slice %arg28[%mul3A_4, %dma_wait3A_79] : memref<640x16xf32, #tpu.memory_space<vmem_shared>> -> memref<40x16xf32, #tpu.memory_space<vmem_shared>>
      %dma_wait3A_81 = arith.constant 0 : i32
      %dma_wait3A_82 = tpu.memref_slice %arg6[%mul3A_2, %dma_wait3A_81] : memref<640x16xf32, #tpu.memory_space<hbm>> -> memref<40x16xf32, #tpu.memory_space<hbm>>
      tpu.wait_dma2 semaphore(%run_scoped3A_74 : memref<!tpu.dma_semaphore, #tpu.memory_space<semaphore_mem>>) src(%dma_wait3A_82 : memref<40x16xf32, #tpu.memory_space<hbm>>) dst(%dma_wait3A_80 : memref<40x16xf32, #tpu.memory_space<vmem_shared>>)
      tpu.yield
    }) : () -> ()
    "tpu.region"() ({
      %run_scoped3A_74 = tpu.sem_alloc : memref<!tpu.dma_semaphore, #tpu.memory_space<semaphore_mem>>
      tpu.enqueue_dma source(%arg6 : memref<640x16xf32, #tpu.memory_space<hbm>>) target(%arg26 : memref<640x16xf32, #tpu.memory_space<vmem>>) target_semaphore(%run_scoped3A_74 : memref<!tpu.dma_semaphore, #tpu.memory_space<semaphore_mem>>)
      tpu.wait_dma2 semaphore(%run_scoped3A_74 : memref<!tpu.dma_semaphore, #tpu.memory_space<semaphore_mem>>) src(%arg6 : memref<640x16xf32, #tpu.memory_space<hbm>>) dst(%arg26 : memref<640x16xf32, #tpu.memory_space<vmem>>)
      tpu.yield
    }) : () -> ()
    "tpu.region"() ({
      %run_scoped3A_74 = tpu.sem_alloc : memref<!tpu.dma_semaphore, #tpu.memory_space<semaphore_mem>>
      tpu.enqueue_dma source(%arg7 : memref<5x128xi32, #tpu.memory_space<hbm>>) target(%arg27 : memref<5x128xi32, #tpu.memory_space<vmem>>) target_semaphore(%run_scoped3A_74 : memref<!tpu.dma_semaphore, #tpu.memory_space<semaphore_mem>>)
      tpu.wait_dma2 semaphore(%run_scoped3A_74 : memref<!tpu.dma_semaphore, #tpu.memory_space<semaphore_mem>>) src(%arg7 : memref<5x128xi32, #tpu.memory_space<hbm>>) dst(%arg27 : memref<5x128xi32, #tpu.memory_space<vmem>>)
      tpu.yield
    }) : () -> ()
    %mul3A_5 = arith.constant 624 : i32
    %mul3A_6 = arith.muli %arg1, %mul3A_5 : i32
    %lt3A = arith.constant 15 : i32
    %lt3A_7 = arith.cmpi slt, %arg1, %lt3A : i32
    %convert_element_type3A = arith.extui %lt3A_7 : i1 to i32
    %cond3A = arith.constant 0 : i32
    %cond3A_8 = arith.cmpi ne, %convert_element_type3A, %cond3A : i32
    scf.if %cond3A_8 {
      "tpu.region"() ({
        %run_scoped3A_74 = tpu.sem_alloc : memref<!tpu.dma_semaphore, #tpu.memory_space<semaphore_mem>>
        %dma_start3A_75 = arith.constant 0 : i32
        %dma_start3A_76 = tpu.memref_slice %arg17[%mul3A_6, %dma_start3A_75] : memref<10112x48xf32, #tpu.memory_space<vmem_shared>> -> memref<624x48xf32, #tpu.memory_space<vmem_shared>>
        %dma_start3A_77 = arith.constant 0 : i32
        %dma_start3A_78 = tpu.memref_slice %arg2[%mul3A_6, %dma_start3A_77] : memref<10000x48xf32, #tpu.memory_space<hbm>> -> memref<624x48xf32, #tpu.memory_space<hbm>>
        tpu.enqueue_dma source(%dma_start3A_78 : memref<624x48xf32, #tpu.memory_space<hbm>>) target(%dma_start3A_76 : memref<624x48xf32, #tpu.memory_space<vmem_shared>>) target_semaphore(%run_scoped3A_74 : memref<!tpu.dma_semaphore, #tpu.memory_space<semaphore_mem>>)
        %dma_wait3A_79 = arith.constant 0 : i32
        %dma_wait3A_80 = tpu.memref_slice %arg17[%mul3A_6, %dma_wait3A_79] : memref<10112x48xf32, #tpu.memory_space<vmem_shared>> -> memref<624x48xf32, #tpu.memory_space<vmem_shared>>
        %dma_wait3A_81 = arith.constant 0 : i32
        %dma_wait3A_82 = tpu.memref_slice %arg2[%mul3A_6, %dma_wait3A_81] : memref<10000x48xf32, #tpu.memory_space<hbm>> -> memref<624x48xf32, #tpu.memory_space<hbm>>
        tpu.wait_dma2 semaphore(%run_scoped3A_74 : memref<!tpu.dma_semaphore, #tpu.memory_space<semaphore_mem>>) src(%dma_wait3A_82 : memref<624x48xf32, #tpu.memory_space<hbm>>) dst(%dma_wait3A_80 : memref<624x48xf32, #tpu.memory_space<vmem_shared>>)
        tpu.yield
      }) : () -> ()
    } else {
    }
    %eq3A = arith.constant 15 : i32
    %eq3A_9 = arith.cmpi eq, %arg1, %eq3A : i32
    %convert_element_type3A_10 = arith.extui %eq3A_9 : i1 to i32
    %cond3A_11 = arith.constant 0 : i32
    %cond3A_12 = arith.cmpi ne, %convert_element_type3A_10, %cond3A_11 : i32
    scf.if %cond3A_12 {
      "tpu.region"() ({
        %run_scoped3A_74 = tpu.sem_alloc : memref<!tpu.dma_semaphore, #tpu.memory_space<semaphore_mem>>
        %dma_start3A_75 = arith.constant 9360 : i32
        %dma_start3A_76 = arith.constant 0 : i32
        %dma_start3A_77 = tpu.memref_slice %arg17[%dma_start3A_75, %dma_start3A_76] : memref<10112x48xf32, #tpu.memory_space<vmem_shared>> -> memref<640x48xf32, #tpu.memory_space<vmem_shared>>
        %dma_start3A_78 = arith.constant 9360 : i32
        %dma_start3A_79 = arith.constant 0 : i32
        %dma_start3A_80 = tpu.memref_slice %arg2[%dma_start3A_78, %dma_start3A_79] : memref<10000x48xf32, #tpu.memory_space<hbm>> -> memref<640x48xf32, #tpu.memory_space<hbm>>
        tpu.enqueue_dma source(%dma_start3A_80 : memref<640x48xf32, #tpu.memory_space<hbm>>) target(%dma_start3A_77 : memref<640x48xf32, #tpu.memory_space<vmem_shared>>) target_semaphore(%run_scoped3A_74 : memref<!tpu.dma_semaphore, #tpu.memory_space<semaphore_mem>>)
        %dma_wait3A_81 = arith.constant 9360 : i32
        %dma_wait3A_82 = arith.constant 0 : i32
        %dma_wait3A_83 = tpu.memref_slice %arg17[%dma_wait3A_81, %dma_wait3A_82] : memref<10112x48xf32, #tpu.memory_space<vmem_shared>> -> memref<640x48xf32, #tpu.memory_space<vmem_shared>>
        %dma_wait3A_84 = arith.constant 9360 : i32
        %dma_wait3A_85 = arith.constant 0 : i32
        %dma_wait3A_86 = tpu.memref_slice %arg2[%dma_wait3A_84, %dma_wait3A_85] : memref<10000x48xf32, #tpu.memory_space<hbm>> -> memref<640x48xf32, #tpu.memory_space<hbm>>
        tpu.wait_dma2 semaphore(%run_scoped3A_74 : memref<!tpu.dma_semaphore, #tpu.memory_space<semaphore_mem>>) src(%dma_wait3A_86 : memref<640x48xf32, #tpu.memory_space<hbm>>) dst(%dma_wait3A_83 : memref<640x48xf32, #tpu.memory_space<vmem_shared>>)
        tpu.yield
      }) : () -> ()
    } else {
    }
    "tpu.region"() ({
      %run_scoped3A_74 = tpu.sem_alloc : memref<!tpu.dma_semaphore, #tpu.memory_space<semaphore_mem>>
      %dma_start3A_75 = arith.constant 0 : i32
      %dma_start3A_76 = arith.constant 0 : i32
      %dma_start3A_77 = tpu.memref_slice %arg3[%arg0, %arg1, %dma_start3A_75, %dma_start3A_76] : memref<2x16x80x128xi32, #tpu.memory_space<hbm>> -> memref<1x1x80x128xi32, #tpu.memory_space<hbm>>
      %dma_start3A_78 = tpu.memref_squeeze %dma_start3A_77 : memref<1x1x80x128xi32, #tpu.memory_space<hbm>> -> memref<80x128xi32, #tpu.memory_space<hbm>>
      %dma_start3A_79 = arith.constant 0 : i32
      %dma_start3A_80 = arith.constant 0 : i32
      %dma_start3A_81 = tpu.memref_slice %arg3[%arg0, %arg1, %dma_start3A_79, %dma_start3A_80] : memref<2x16x80x128xi32, #tpu.memory_space<hbm>> -> memref<1x1x80x128xi32, #tpu.memory_space<hbm>>
      %dma_start3A_82 = tpu.memref_squeeze %dma_start3A_81 : memref<1x1x80x128xi32, #tpu.memory_space<hbm>> -> memref<80x128xi32, #tpu.memory_space<hbm>>
      tpu.enqueue_dma source(%dma_start3A_82 : memref<80x128xi32, #tpu.memory_space<hbm>>) target(%arg10 : memref<80x128xi32, #tpu.memory_space<vmem>>) target_semaphore(%run_scoped3A_74 : memref<!tpu.dma_semaphore, #tpu.memory_space<semaphore_mem>>)
      %dma_wait3A_83 = arith.constant 0 : i32
      %dma_wait3A_84 = arith.constant 0 : i32
      %dma_wait3A_85 = tpu.memref_slice %arg3[%arg0, %arg1, %dma_wait3A_83, %dma_wait3A_84] : memref<2x16x80x128xi32, #tpu.memory_space<hbm>> -> memref<1x1x80x128xi32, #tpu.memory_space<hbm>>
      %dma_wait3A_86 = tpu.memref_squeeze %dma_wait3A_85 : memref<1x1x80x128xi32, #tpu.memory_space<hbm>> -> memref<80x128xi32, #tpu.memory_space<hbm>>
      %dma_wait3A_87 = arith.constant 0 : i32
      %dma_wait3A_88 = arith.constant 0 : i32
      %dma_wait3A_89 = tpu.memref_slice %arg3[%arg0, %arg1, %dma_wait3A_87, %dma_wait3A_88] : memref<2x16x80x128xi32, #tpu.memory_space<hbm>> -> memref<1x1x80x128xi32, #tpu.memory_space<hbm>>
      %dma_wait3A_90 = tpu.memref_squeeze %dma_wait3A_89 : memref<1x1x80x128xi32, #tpu.memory_space<hbm>> -> memref<80x128xi32, #tpu.memory_space<hbm>>
      tpu.wait_dma2 semaphore(%run_scoped3A_74 : memref<!tpu.dma_semaphore, #tpu.memory_space<semaphore_mem>>) src(%dma_wait3A_90 : memref<80x128xi32, #tpu.memory_space<hbm>>) dst(%arg10 : memref<80x128xi32, #tpu.memory_space<vmem>>)
      tpu.yield
    }) : () -> ()
    "tpu.region"() ({
      %run_scoped3A_74 = tpu.sem_alloc : memref<!tpu.dma_semaphore, #tpu.memory_space<semaphore_mem>>
      %dma_start3A_75 = arith.constant 0 : i32
      %dma_start3A_76 = arith.constant 0 : i32
      %dma_start3A_77 = tpu.memref_slice %arg4[%arg0, %arg1, %dma_start3A_75, %dma_start3A_76] : memref<2x16x80x128xi32, #tpu.memory_space<hbm>> -> memref<1x1x80x128xi32, #tpu.memory_space<hbm>>
      %dma_start3A_78 = tpu.memref_squeeze %dma_start3A_77 : memref<1x1x80x128xi32, #tpu.memory_space<hbm>> -> memref<80x128xi32, #tpu.memory_space<hbm>>
      %dma_start3A_79 = arith.constant 0 : i32
      %dma_start3A_80 = arith.constant 0 : i32
      %dma_start3A_81 = tpu.memref_slice %arg4[%arg0, %arg1, %dma_start3A_79, %dma_start3A_80] : memref<2x16x80x128xi32, #tpu.memory_space<hbm>> -> memref<1x1x80x128xi32, #tpu.memory_space<hbm>>
      %dma_start3A_82 = tpu.memref_squeeze %dma_start3A_81 : memref<1x1x80x128xi32, #tpu.memory_space<hbm>> -> memref<80x128xi32, #tpu.memory_space<hbm>>
      tpu.enqueue_dma source(%dma_start3A_82 : memref<80x128xi32, #tpu.memory_space<hbm>>) target(%arg11 : memref<80x128xi32, #tpu.memory_space<vmem>>) target_semaphore(%run_scoped3A_74 : memref<!tpu.dma_semaphore, #tpu.memory_space<semaphore_mem>>)
      %dma_wait3A_83 = arith.constant 0 : i32
      %dma_wait3A_84 = arith.constant 0 : i32
      %dma_wait3A_85 = tpu.memref_slice %arg4[%arg0, %arg1, %dma_wait3A_83, %dma_wait3A_84] : memref<2x16x80x128xi32, #tpu.memory_space<hbm>> -> memref<1x1x80x128xi32, #tpu.memory_space<hbm>>
      %dma_wait3A_86 = tpu.memref_squeeze %dma_wait3A_85 : memref<1x1x80x128xi32, #tpu.memory_space<hbm>> -> memref<80x128xi32, #tpu.memory_space<hbm>>
      %dma_wait3A_87 = arith.constant 0 : i32
      %dma_wait3A_88 = arith.constant 0 : i32
      %dma_wait3A_89 = tpu.memref_slice %arg4[%arg0, %arg1, %dma_wait3A_87, %dma_wait3A_88] : memref<2x16x80x128xi32, #tpu.memory_space<hbm>> -> memref<1x1x80x128xi32, #tpu.memory_space<hbm>>
      %dma_wait3A_90 = tpu.memref_squeeze %dma_wait3A_89 : memref<1x1x80x128xi32, #tpu.memory_space<hbm>> -> memref<80x128xi32, #tpu.memory_space<hbm>>
      tpu.wait_dma2 semaphore(%run_scoped3A_74 : memref<!tpu.dma_semaphore, #tpu.memory_space<semaphore_mem>>) src(%dma_wait3A_90 : memref<80x128xi32, #tpu.memory_space<hbm>>) dst(%arg11 : memref<80x128xi32, #tpu.memory_space<vmem>>)
      tpu.yield
    }) : () -> ()
    %barrier3A = arith.constant 0 : index
    tpu.barrier barrier_id(%barrier3A)
    %dma_start3A = arith.constant 0 : i32
    %dma_start3A_13 = arith.constant 0 : i32
    %dma_start3A_14 = tpu.memref_slice %arg10[%dma_start3A, %dma_start3A_13] : memref<80x128xi32, #tpu.memory_space<vmem>> -> memref<1x128xi32, #tpu.memory_space<vmem>>
    %dma_start3A_15 = tpu.memref_squeeze %dma_start3A_14 : memref<1x128xi32, #tpu.memory_space<vmem>> -> memref<128xi32, #tpu.memory_space<vmem>>
    %dma_start3A_16 = arith.constant 0 : i32
    %dma_start3A_17 = arith.constant 0 : i32
    %dma_start3A_18 = tpu.memref_slice %arg17[%dma_start3A_16, %dma_start3A_17] : memref<10112x48xf32, #tpu.memory_space<vmem_shared>> -> memref<10112x48xf32, #tpu.memory_space<vmem_shared>>
    tpu.enqueue_indirect_dma source(%dma_start3A_18 : memref<10112x48xf32, #tpu.memory_space<vmem_shared>>) target(%arg12 : memref<128x48xf32, #tpu.memory_space<vmem>>) offsets(%dma_start3A_15 : memref<128xi32, #tpu.memory_space<vmem>>) semaphore(%arg18 : memref<!tpu.dma_semaphore, #tpu.memory_space<semaphore_mem>>)
    %dma_start3A_19 = arith.constant 1 : i32
    %dma_start3A_20 = arith.constant 0 : i32
    %dma_start3A_21 = tpu.memref_slice %arg10[%dma_start3A_19, %dma_start3A_20] : memref<80x128xi32, #tpu.memory_space<vmem>> -> memref<1x128xi32, #tpu.memory_space<vmem>>
    %dma_start3A_22 = tpu.memref_squeeze %dma_start3A_21 : memref<1x128xi32, #tpu.memory_space<vmem>> -> memref<128xi32, #tpu.memory_space<vmem>>
    %dma_start3A_23 = arith.constant 0 : i32
    %dma_start3A_24 = arith.constant 0 : i32
    %dma_start3A_25 = tpu.memref_slice %arg17[%dma_start3A_23, %dma_start3A_24] : memref<10112x48xf32, #tpu.memory_space<vmem_shared>> -> memref<10112x48xf32, #tpu.memory_space<vmem_shared>>
    tpu.enqueue_indirect_dma source(%dma_start3A_25 : memref<10112x48xf32, #tpu.memory_space<vmem_shared>>) target(%arg13 : memref<128x48xf32, #tpu.memory_space<vmem>>) offsets(%dma_start3A_22 : memref<128xi32, #tpu.memory_space<vmem>>) semaphore(%arg19 : memref<!tpu.dma_semaphore, #tpu.memory_space<semaphore_mem>>)
    %dma_start3A_26 = arith.constant 2 : i32
    %dma_start3A_27 = arith.constant 0 : i32
    %dma_start3A_28 = tpu.memref_slice %arg10[%dma_start3A_26, %dma_start3A_27] : memref<80x128xi32, #tpu.memory_space<vmem>> -> memref<1x128xi32, #tpu.memory_space<vmem>>
    %dma_start3A_29 = tpu.memref_squeeze %dma_start3A_28 : memref<1x128xi32, #tpu.memory_space<vmem>> -> memref<128xi32, #tpu.memory_space<vmem>>
    %dma_start3A_30 = arith.constant 0 : i32
    %dma_start3A_31 = arith.constant 0 : i32
    %dma_start3A_32 = tpu.memref_slice %arg17[%dma_start3A_30, %dma_start3A_31] : memref<10112x48xf32, #tpu.memory_space<vmem_shared>> -> memref<10112x48xf32, #tpu.memory_space<vmem_shared>>
    tpu.enqueue_indirect_dma source(%dma_start3A_32 : memref<10112x48xf32, #tpu.memory_space<vmem_shared>>) target(%arg14 : memref<128x48xf32, #tpu.memory_space<vmem>>) offsets(%dma_start3A_29 : memref<128xi32, #tpu.memory_space<vmem>>) semaphore(%arg20 : memref<!tpu.dma_semaphore, #tpu.memory_space<semaphore_mem>>)
    %scan3A = arith.constant 0 : i32
    %scan3A_33 = arith.constant 0 : i32
    %scan3A_34 = arith.constant 20 : i32
    %scan3A_35 = arith.addi %scan3A_33, %scan3A_34 : i32
    %scan3A_36 = arith.constant 1 : i32
    scf.for %scan3A_74 = %scan3A_33 to %scan3A_35 step %scan3A_36  : i32 {
      %mul3A_75 = arith.constant 4 : i32
      %mul3A_76 = arith.muli %mul3A_75, %scan3A_74 : i32
      %add3A = arith.constant 0 : i32
      %add3A_77 = arith.addi %mul3A_76, %add3A : i32
      %add3A_78 = arith.constant 3 : i32
      %add3A_79 = arith.addi %add3A_77, %add3A_78 : i32
      %lt3A_80 = arith.constant 80 : i32
      %lt3A_81 = arith.cmpi slt, %add3A_79, %lt3A_80 : i32
      %convert_element_type3A_82 = arith.extui %lt3A_81 : i1 to i32
      %cond3A_83 = arith.constant 0 : i32
      %cond3A_84 = arith.cmpi ne, %convert_element_type3A_82, %cond3A_83 : i32
      scf.if %cond3A_84 {
        %ge3A = arith.constant 4 : i32
        %ge3A_458 = arith.cmpi sge, %add3A_79, %ge3A : i32
        %convert_element_type3A_459 = arith.extui %ge3A_458 : i1 to i32
        %cond3A_460 = arith.constant 0 : i32
        %cond3A_461 = arith.cmpi ne, %convert_element_type3A_459, %cond3A_460 : i32
        scf.if %cond3A_461 {
          %dma_wait3A_468 = arith.constant 0 : i32
          %dma_wait3A_469 = arith.constant 0 : i32
          %dma_wait3A_470 = tpu.memref_slice %arg11[%dma_wait3A_468, %dma_wait3A_469] : memref<80x128xi32, #tpu.memory_space<vmem>> -> memref<1x128xi32, #tpu.memory_space<vmem>>
          %dma_wait3A_471 = tpu.memref_squeeze %dma_wait3A_470 : memref<1x128xi32, #tpu.memory_space<vmem>> -> memref<128xi32, #tpu.memory_space<vmem>>
          %dma_wait3A_472 = arith.constant 0 : i32
          %dma_wait3A_473 = arith.constant 0 : i32
          %dma_wait3A_474 = tpu.memref_slice %arg16[%dma_wait3A_472, %dma_wait3A_473] : memref<10112x48xf32, #tpu.memory_space<vmem_shared>> -> memref<10112x48xf32, #tpu.memory_space<vmem_shared>>
          tpu.wait_indirect_dma semaphore(%arg25 : memref<!tpu.dma_semaphore, #tpu.memory_space<semaphore_mem>>) src(%arg15 : memref<128x48xf32, #tpu.memory_space<vmem>>) dst(%dma_wait3A_474 : memref<10112x48xf32, #tpu.memory_space<vmem_shared>>)
        } else {
        }
        %dma_start3A_462 = arith.constant 0 : i32
        %dma_start3A_463 = tpu.memref_slice %arg10[%add3A_79, %dma_start3A_462] : memref<80x128xi32, #tpu.memory_space<vmem>> -> memref<1x128xi32, #tpu.memory_space<vmem>>
        %dma_start3A_464 = tpu.memref_squeeze %dma_start3A_463 : memref<1x128xi32, #tpu.memory_space<vmem>> -> memref<128xi32, #tpu.memory_space<vmem>>
        %dma_start3A_465 = arith.constant 0 : i32
        %dma_start3A_466 = arith.constant 0 : i32
        %dma_start3A_467 = tpu.memref_slice %arg17[%dma_start3A_465, %dma_start3A_466] : memref<10112x48xf32, #tpu.memory_space<vmem_shared>> -> memref<10112x48xf32, #tpu.memory_space<vmem_shared>>
        tpu.enqueue_indirect_dma source(%dma_start3A_467 : memref<10112x48xf32, #tpu.memory_space<vmem_shared>>) target(%arg15 : memref<128x48xf32, #tpu.memory_space<vmem>>) offsets(%dma_start3A_464 : memref<128xi32, #tpu.memory_space<vmem>>) semaphore(%arg21 : memref<!tpu.dma_semaphore, #tpu.memory_space<semaphore_mem>>)
      } else {
      }
      %broadcast_in_dim3A = arith.constant 1.000000e+00 : f32
      %broadcast_in_dim3A_85 = vector.broadcast %broadcast_in_dim3A : f32 to vector<16xf32>
      %get3A = arith.index_cast %add3A_77 : i32 to index
      %get3A_86 = arith.constant 0 : index
      %get3A_87 = tpu.vector_load %arg11[%get3A, %get3A_86] {strides = array<i32>} : memref<80x128xi32, #tpu.memory_space<vmem>>, vector<16xi32>,
      %shift_right_arithmetic3A = arith.constant 4 : i32
      %shift_right_arithmetic3A_88 = vector.broadcast %shift_right_arithmetic3A : i32 to vector<16xi32>
      %shift_right_arithmetic3A_89 = arith.shrsi %get3A_87, %shift_right_arithmetic3A_88 : vector<16xi32>
      %and3A = arith.constant 15 : i32
      %and3A_90 = vector.broadcast %and3A : i32 to vector<16xi32>
      %and3A_91 = arith.andi %get3A_87, %and3A_90 : vector<16xi32>
      tpu.vector_store_idx %arg26[%shift_right_arithmetic3A_89, %and3A_91], %broadcast_in_dim3A_85 {add = true} : memref<640x16xf32, #tpu.memory_space<vmem>>[vector<16xi32>, vector<16xi32>], vector<16xf32>,
      %get3A_92 = arith.index_cast %add3A_77 : i32 to index
      %get3A_93 = arith.constant 16 : index
      %get3A_94 = tpu.vector_load %arg11[%get3A_92, %get3A_93] {strides = array<i32>} : memref<80x128xi32, #tpu.memory_space<vmem>>, vector<16xi32>,
      %shift_right_arithmetic3A_95 = arith.constant 4 : i32
      %shift_right_arithmetic3A_96 = vector.broadcast %shift_right_arithmetic3A_95 : i32 to vector<16xi32>
      %shift_right_arithmetic3A_97 = arith.shrsi %get3A_94, %shift_right_arithmetic3A_96 : vector<16xi32>
      %and3A_98 = arith.constant 15 : i32
      %and3A_99 = vector.broadcast %and3A_98 : i32 to vector<16xi32>
      %and3A_100 = arith.andi %get3A_94, %and3A_99 : vector<16xi32>
      tpu.vector_store_idx %arg26[%shift_right_arithmetic3A_97, %and3A_100], %broadcast_in_dim3A_85 {add = true} : memref<640x16xf32, #tpu.memory_space<vmem>>[vector<16xi32>, vector<16xi32>], vector<16xf32>,
      %get3A_101 = arith.index_cast %add3A_77 : i32 to index
      %get3A_102 = arith.constant 32 : index
      %get3A_103 = tpu.vector_load %arg11[%get3A_101, %get3A_102] {strides = array<i32>} : memref<80x128xi32, #tpu.memory_space<vmem>>, vector<16xi32>,
      %shift_right_arithmetic3A_104 = arith.constant 4 : i32
      %shift_right_arithmetic3A_105 = vector.broadcast %shift_right_arithmetic3A_104 : i32 to vector<16xi32>
      %shift_right_arithmetic3A_106 = arith.shrsi %get3A_103, %shift_right_arithmetic3A_105 : vector<16xi32>
      %and3A_107 = arith.constant 15 : i32
      %and3A_108 = vector.broadcast %and3A_107 : i32 to vector<16xi32>
      %and3A_109 = arith.andi %get3A_103, %and3A_108 : vector<16xi32>
      tpu.vector_store_idx %arg26[%shift_right_arithmetic3A_106, %and3A_109], %broadcast_in_dim3A_85 {add = true} : memref<640x16xf32, #tpu.memory_space<vmem>>[vector<16xi32>, vector<16xi32>], vector<16xf32>,
      %get3A_110 = arith.index_cast %add3A_77 : i32 to index
      %get3A_111 = arith.constant 48 : index
      %get3A_112 = tpu.vector_load %arg11[%get3A_110, %get3A_111] {strides = array<i32>} : memref<80x128xi32, #tpu.memory_space<vmem>>, vector<16xi32>,
      %shift_right_arithmetic3A_113 = arith.constant 4 : i32
      %shift_right_arithmetic3A_114 = vector.broadcast %shift_right_arithmetic3A_113 : i32 to vector<16xi32>
      %shift_right_arithmetic3A_115 = arith.shrsi %get3A_112, %shift_right_arithmetic3A_114 : vector<16xi32>
      %and3A_116 = arith.constant 15 : i32
      %and3A_117 = vector.broadcast %and3A_116 : i32 to vector<16xi32>
      %and3A_118 = arith.andi %get3A_112, %and3A_117 : vector<16xi32>
      tpu.vector_store_idx %arg26[%shift_right_arithmetic3A_115, %and3A_118], %broadcast_in_dim3A_85 {add = true} : memref<640x16xf32, #tpu.memory_space<vmem>>[vector<16xi32>, vector<16xi32>], vector<16xf32>,
      %get3A_119 = arith.index_cast %add3A_77 : i32 to index
      %get3A_120 = arith.constant 64 : index
      %get3A_121 = tpu.vector_load %arg11[%get3A_119, %get3A_120] {strides = array<i32>} : memref<80x128xi32, #tpu.memory_space<vmem>>, vector<16xi32>,
      %shift_right_arithmetic3A_122 = arith.constant 4 : i32
      %shift_right_arithmetic3A_123 = vector.broadcast %shift_right_arithmetic3A_122 : i32 to vector<16xi32>
      %shift_right_arithmetic3A_124 = arith.shrsi %get3A_121, %shift_right_arithmetic3A_123 : vector<16xi32>
      %and3A_125 = arith.constant 15 : i32
      %and3A_126 = vector.broadcast %and3A_125 : i32 to vector<16xi32>
      %and3A_127 = arith.andi %get3A_121, %and3A_126 : vector<16xi32>
      tpu.vector_store_idx %arg26[%shift_right_arithmetic3A_124, %and3A_127], %broadcast_in_dim3A_85 {add = true} : memref<640x16xf32, #tpu.memory_space<vmem>>[vector<16xi32>, vector<16xi32>], vector<16xf32>,
      %get3A_128 = arith.index_cast %add3A_77 : i32 to index
      %get3A_129 = arith.constant 80 : index
      %get3A_130 = tpu.vector_load %arg11[%get3A_128, %get3A_129] {strides = array<i32>} : memref<80x128xi32, #tpu.memory_space<vmem>>, vector<16xi32>,
      %shift_right_arithmetic3A_131 = arith.constant 4 : i32
      %shift_right_arithmetic3A_132 = vector.broadcast %shift_right_arithmetic3A_131 : i32 to vector<16xi32>
      %shift_right_arithmetic3A_133 = arith.shrsi %get3A_130, %shift_right_arithmetic3A_132 : vector<16xi32>
      %and3A_134 = arith.constant 15 : i32
      %and3A_135 = vector.broadcast %and3A_134 : i32 to vector<16xi32>
      %and3A_136 = arith.andi %get3A_130, %and3A_135 : vector<16xi32>
      tpu.vector_store_idx %arg26[%shift_right_arithmetic3A_133, %and3A_136], %broadcast_in_dim3A_85 {add = true} : memref<640x16xf32, #tpu.memory_space<vmem>>[vector<16xi32>, vector<16xi32>], vector<16xf32>,
      %get3A_137 = arith.index_cast %add3A_77 : i32 to index
      %get3A_138 = arith.constant 96 : index
      %get3A_139 = tpu.vector_load %arg11[%get3A_137, %get3A_138] {strides = array<i32>} : memref<80x128xi32, #tpu.memory_space<vmem>>, vector<16xi32>,
      %shift_right_arithmetic3A_140 = arith.constant 4 : i32
      %shift_right_arithmetic3A_141 = vector.broadcast %shift_right_arithmetic3A_140 : i32 to vector<16xi32>
      %shift_right_arithmetic3A_142 = arith.shrsi %get3A_139, %shift_right_arithmetic3A_141 : vector<16xi32>
      %and3A_143 = arith.constant 15 : i32
      %and3A_144 = vector.broadcast %and3A_143 : i32 to vector<16xi32>
      %and3A_145 = arith.andi %get3A_139, %and3A_144 : vector<16xi32>
      tpu.vector_store_idx %arg26[%shift_right_arithmetic3A_142, %and3A_145], %broadcast_in_dim3A_85 {add = true} : memref<640x16xf32, #tpu.memory_space<vmem>>[vector<16xi32>, vector<16xi32>], vector<16xf32>,
      %get3A_146 = arith.index_cast %add3A_77 : i32 to index
      %get3A_147 = arith.constant 112 : index
      %get3A_148 = tpu.vector_load %arg11[%get3A_146, %get3A_147] {strides = array<i32>} : memref<80x128xi32, #tpu.memory_space<vmem>>, vector<16xi32>,
      %shift_right_arithmetic3A_149 = arith.constant 4 : i32
      %shift_right_arithmetic3A_150 = vector.broadcast %shift_right_arithmetic3A_149 : i32 to vector<16xi32>
      %shift_right_arithmetic3A_151 = arith.shrsi %get3A_148, %shift_right_arithmetic3A_150 : vector<16xi32>
      %and3A_152 = arith.constant 15 : i32
      %and3A_153 = vector.broadcast %and3A_152 : i32 to vector<16xi32>
      %and3A_154 = arith.andi %get3A_148, %and3A_153 : vector<16xi32>
      tpu.vector_store_idx %arg26[%shift_right_arithmetic3A_151, %and3A_154], %broadcast_in_dim3A_85 {add = true} : memref<640x16xf32, #tpu.memory_space<vmem>>[vector<16xi32>, vector<16xi32>], vector<16xf32>,
      %dma_wait3A_155 = arith.constant 0 : i32
      %dma_wait3A_156 = tpu.memref_slice %arg10[%add3A_77, %dma_wait3A_155] : memref<80x128xi32, #tpu.memory_space<vmem>> -> memref<1x128xi32, #tpu.memory_space<vmem>>
      %dma_wait3A_157 = tpu.memref_squeeze %dma_wait3A_156 : memref<1x128xi32, #tpu.memory_space<vmem>> -> memref<128xi32, #tpu.memory_space<vmem>>
      %dma_wait3A_158 = arith.constant 0 : i32
      %dma_wait3A_159 = arith.constant 0 : i32
      %dma_wait3A_160 = tpu.memref_slice %arg17[%dma_wait3A_158, %dma_wait3A_159] : memref<10112x48xf32, #tpu.memory_space<vmem_shared>> -> memref<10112x48xf32, #tpu.memory_space<vmem_shared>>
      tpu.wait_indirect_dma semaphore(%arg18 : memref<!tpu.dma_semaphore, #tpu.memory_space<semaphore_mem>>) src(%dma_wait3A_160 : memref<10112x48xf32, #tpu.memory_space<vmem_shared>>) dst(%arg12 : memref<128x48xf32, #tpu.memory_space<vmem>>)
      %dma_start3A_161 = arith.constant 0 : i32
      %dma_start3A_162 = tpu.memref_slice %arg11[%add3A_77, %dma_start3A_161] : memref<80x128xi32, #tpu.memory_space<vmem>> -> memref<1x128xi32, #tpu.memory_space<vmem>>
      %dma_start3A_163 = tpu.memref_squeeze %dma_start3A_162 : memref<1x128xi32, #tpu.memory_space<vmem>> -> memref<128xi32, #tpu.memory_space<vmem>>
      %dma_start3A_164 = arith.constant 0 : i32
      %dma_start3A_165 = arith.constant 0 : i32
      %dma_start3A_166 = tpu.memref_slice %arg16[%dma_start3A_164, %dma_start3A_165] : memref<10112x48xf32, #tpu.memory_space<vmem_shared>> -> memref<10112x48xf32, #tpu.memory_space<vmem_shared>>
      tpu.enqueue_indirect_dma source(%arg12 : memref<128x48xf32, #tpu.memory_space<vmem>>) target(%dma_start3A_166 : memref<10112x48xf32, #tpu.memory_space<vmem_shared>>) offsets(%dma_start3A_163 : memref<128xi32, #tpu.memory_space<vmem>>) semaphore(%arg22 : memref<!tpu.dma_semaphore, #tpu.memory_space<semaphore_mem>>) {add = true}
      %mul3A_167 = arith.constant 4 : i32
      %mul3A_168 = arith.muli %mul3A_167, %scan3A_74 : i32
      %add3A_169 = arith.constant 1 : i32
      %add3A_170 = arith.addi %mul3A_168, %add3A_169 : i32
      %add3A_171 = arith.constant 3 : i32
      %add3A_172 = arith.addi %add3A_170, %add3A_171 : i32
      %lt3A_173 = arith.constant 80 : i32
      %lt3A_174 = arith.cmpi slt, %add3A_172, %lt3A_173 : i32
      %convert_element_type3A_175 = arith.extui %lt3A_174 : i1 to i32
      %cond3A_176 = arith.constant 0 : i32
      %cond3A_177 = arith.cmpi ne, %convert_element_type3A_175, %cond3A_176 : i32
      scf.if %cond3A_177 {
        %ge3A = arith.constant 4 : i32
        %ge3A_458 = arith.cmpi sge, %add3A_172, %ge3A : i32
        %convert_element_type3A_459 = arith.extui %ge3A_458 : i1 to i32
        %cond3A_460 = arith.constant 0 : i32
        %cond3A_461 = arith.cmpi ne, %convert_element_type3A_459, %cond3A_460 : i32
        scf.if %cond3A_461 {
          %dma_wait3A_468 = arith.constant 0 : i32
          %dma_wait3A_469 = arith.constant 0 : i32
          %dma_wait3A_470 = tpu.memref_slice %arg11[%dma_wait3A_468, %dma_wait3A_469] : memref<80x128xi32, #tpu.memory_space<vmem>> -> memref<1x128xi32, #tpu.memory_space<vmem>>
          %dma_wait3A_471 = tpu.memref_squeeze %dma_wait3A_470 : memref<1x128xi32, #tpu.memory_space<vmem>> -> memref<128xi32, #tpu.memory_space<vmem>>
          %dma_wait3A_472 = arith.constant 0 : i32
          %dma_wait3A_473 = arith.constant 0 : i32
          %dma_wait3A_474 = tpu.memref_slice %arg16[%dma_wait3A_472, %dma_wait3A_473] : memref<10112x48xf32, #tpu.memory_space<vmem_shared>> -> memref<10112x48xf32, #tpu.memory_space<vmem_shared>>
          tpu.wait_indirect_dma semaphore(%arg22 : memref<!tpu.dma_semaphore, #tpu.memory_space<semaphore_mem>>) src(%arg12 : memref<128x48xf32, #tpu.memory_space<vmem>>) dst(%dma_wait3A_474 : memref<10112x48xf32, #tpu.memory_space<vmem_shared>>)
        } else {
        }
        %dma_start3A_462 = arith.constant 0 : i32
        %dma_start3A_463 = tpu.memref_slice %arg10[%add3A_172, %dma_start3A_462] : memref<80x128xi32, #tpu.memory_space<vmem>> -> memref<1x128xi32, #tpu.memory_space<vmem>>
        %dma_start3A_464 = tpu.memref_squeeze %dma_start3A_463 : memref<1x128xi32, #tpu.memory_space<vmem>> -> memref<128xi32, #tpu.memory_space<vmem>>
        %dma_start3A_465 = arith.constant 0 : i32
        %dma_start3A_466 = arith.constant 0 : i32
        %dma_start3A_467 = tpu.memref_slice %arg17[%dma_start3A_465, %dma_start3A_466] : memref<10112x48xf32, #tpu.memory_space<vmem_shared>> -> memref<10112x48xf32, #tpu.memory_space<vmem_shared>>
        tpu.enqueue_indirect_dma source(%dma_start3A_467 : memref<10112x48xf32, #tpu.memory_space<vmem_shared>>) target(%arg12 : memref<128x48xf32, #tpu.memory_space<vmem>>) offsets(%dma_start3A_464 : memref<128xi32, #tpu.memory_space<vmem>>) semaphore(%arg18 : memref<!tpu.dma_semaphore, #tpu.memory_space<semaphore_mem>>)
      } else {
      }
      %broadcast_in_dim3A_178 = arith.constant 1.000000e+00 : f32
      %broadcast_in_dim3A_179 = vector.broadcast %broadcast_in_dim3A_178 : f32 to vector<16xf32>
      %get3A_180 = arith.index_cast %add3A_170 : i32 to index
      %get3A_181 = arith.constant 0 : index
      %get3A_182 = tpu.vector_load %arg11[%get3A_180, %get3A_181] {strides = array<i32>} : memref<80x128xi32, #tpu.memory_space<vmem>>, vector<16xi32>,
      %shift_right_arithmetic3A_183 = arith.constant 4 : i32
      %shift_right_arithmetic3A_184 = vector.broadcast %shift_right_arithmetic3A_183 : i32 to vector<16xi32>
      %shift_right_arithmetic3A_185 = arith.shrsi %get3A_182, %shift_right_arithmetic3A_184 : vector<16xi32>
      %and3A_186 = arith.constant 15 : i32
      %and3A_187 = vector.broadcast %and3A_186 : i32 to vector<16xi32>
      %and3A_188 = arith.andi %get3A_182, %and3A_187 : vector<16xi32>
      tpu.vector_store_idx %arg26[%shift_right_arithmetic3A_185, %and3A_188], %broadcast_in_dim3A_179 {add = true} : memref<640x16xf32, #tpu.memory_space<vmem>>[vector<16xi32>, vector<16xi32>], vector<16xf32>,
      %get3A_189 = arith.index_cast %add3A_170 : i32 to index
      %get3A_190 = arith.constant 16 : index
      %get3A_191 = tpu.vector_load %arg11[%get3A_189, %get3A_190] {strides = array<i32>} : memref<80x128xi32, #tpu.memory_space<vmem>>, vector<16xi32>,
      %shift_right_arithmetic3A_192 = arith.constant 4 : i32
      %shift_right_arithmetic3A_193 = vector.broadcast %shift_right_arithmetic3A_192 : i32 to vector<16xi32>
      %shift_right_arithmetic3A_194 = arith.shrsi %get3A_191, %shift_right_arithmetic3A_193 : vector<16xi32>
      %and3A_195 = arith.constant 15 : i32
      %and3A_196 = vector.broadcast %and3A_195 : i32 to vector<16xi32>
      %and3A_197 = arith.andi %get3A_191, %and3A_196 : vector<16xi32>
      tpu.vector_store_idx %arg26[%shift_right_arithmetic3A_194, %and3A_197], %broadcast_in_dim3A_179 {add = true} : memref<640x16xf32, #tpu.memory_space<vmem>>[vector<16xi32>, vector<16xi32>], vector<16xf32>,
      %get3A_198 = arith.index_cast %add3A_170 : i32 to index
      %get3A_199 = arith.constant 32 : index
      %get3A_200 = tpu.vector_load %arg11[%get3A_198, %get3A_199] {strides = array<i32>} : memref<80x128xi32, #tpu.memory_space<vmem>>, vector<16xi32>,
      %shift_right_arithmetic3A_201 = arith.constant 4 : i32
      %shift_right_arithmetic3A_202 = vector.broadcast %shift_right_arithmetic3A_201 : i32 to vector<16xi32>
      %shift_right_arithmetic3A_203 = arith.shrsi %get3A_200, %shift_right_arithmetic3A_202 : vector<16xi32>
      %and3A_204 = arith.constant 15 : i32
      %and3A_205 = vector.broadcast %and3A_204 : i32 to vector<16xi32>
      %and3A_206 = arith.andi %get3A_200, %and3A_205 : vector<16xi32>
      tpu.vector_store_idx %arg26[%shift_right_arithmetic3A_203, %and3A_206], %broadcast_in_dim3A_179 {add = true} : memref<640x16xf32, #tpu.memory_space<vmem>>[vector<16xi32>, vector<16xi32>], vector<16xf32>,
      %get3A_207 = arith.index_cast %add3A_170 : i32 to index
      %get3A_208 = arith.constant 48 : index
      %get3A_209 = tpu.vector_load %arg11[%get3A_207, %get3A_208] {strides = array<i32>} : memref<80x128xi32, #tpu.memory_space<vmem>>, vector<16xi32>,
      %shift_right_arithmetic3A_210 = arith.constant 4 : i32
      %shift_right_arithmetic3A_211 = vector.broadcast %shift_right_arithmetic3A_210 : i32 to vector<16xi32>
      %shift_right_arithmetic3A_212 = arith.shrsi %get3A_209, %shift_right_arithmetic3A_211 : vector<16xi32>
      %and3A_213 = arith.constant 15 : i32
      %and3A_214 = vector.broadcast %and3A_213 : i32 to vector<16xi32>
      %and3A_215 = arith.andi %get3A_209, %and3A_214 : vector<16xi32>
      tpu.vector_store_idx %arg26[%shift_right_arithmetic3A_212, %and3A_215], %broadcast_in_dim3A_179 {add = true} : memref<640x16xf32, #tpu.memory_space<vmem>>[vector<16xi32>, vector<16xi32>], vector<16xf32>,
      %get3A_216 = arith.index_cast %add3A_170 : i32 to index
      %get3A_217 = arith.constant 64 : index
      %get3A_218 = tpu.vector_load %arg11[%get3A_216, %get3A_217] {strides = array<i32>} : memref<80x128xi32, #tpu.memory_space<vmem>>, vector<16xi32>,
      %shift_right_arithmetic3A_219 = arith.constant 4 : i32
      %shift_right_arithmetic3A_220 = vector.broadcast %shift_right_arithmetic3A_219 : i32 to vector<16xi32>
      %shift_right_arithmetic3A_221 = arith.shrsi %get3A_218, %shift_right_arithmetic3A_220 : vector<16xi32>
      %and3A_222 = arith.constant 15 : i32
      %and3A_223 = vector.broadcast %and3A_222 : i32 to vector<16xi32>
      %and3A_224 = arith.andi %get3A_218, %and3A_223 : vector<16xi32>
      tpu.vector_store_idx %arg26[%shift_right_arithmetic3A_221, %and3A_224], %broadcast_in_dim3A_179 {add = true} : memref<640x16xf32, #tpu.memory_space<vmem>>[vector<16xi32>, vector<16xi32>], vector<16xf32>,
      %get3A_225 = arith.index_cast %add3A_170 : i32 to index
      %get3A_226 = arith.constant 80 : index
      %get3A_227 = tpu.vector_load %arg11[%get3A_225, %get3A_226] {strides = array<i32>} : memref<80x128xi32, #tpu.memory_space<vmem>>, vector<16xi32>,
      %shift_right_arithmetic3A_228 = arith.constant 4 : i32
      %shift_right_arithmetic3A_229 = vector.broadcast %shift_right_arithmetic3A_228 : i32 to vector<16xi32>
      %shift_right_arithmetic3A_230 = arith.shrsi %get3A_227, %shift_right_arithmetic3A_229 : vector<16xi32>
      %and3A_231 = arith.constant 15 : i32
      %and3A_232 = vector.broadcast %and3A_231 : i32 to vector<16xi32>
      %and3A_233 = arith.andi %get3A_227, %and3A_232 : vector<16xi32>
      tpu.vector_store_idx %arg26[%shift_right_arithmetic3A_230, %and3A_233], %broadcast_in_dim3A_179 {add = true} : memref<640x16xf32, #tpu.memory_space<vmem>>[vector<16xi32>, vector<16xi32>], vector<16xf32>,
      %get3A_234 = arith.index_cast %add3A_170 : i32 to index
      %get3A_235 = arith.constant 96 : index
      %get3A_236 = tpu.vector_load %arg11[%get3A_234, %get3A_235] {strides = array<i32>} : memref<80x128xi32, #tpu.memory_space<vmem>>, vector<16xi32>,
      %shift_right_arithmetic3A_237 = arith.constant 4 : i32
      %shift_right_arithmetic3A_238 = vector.broadcast %shift_right_arithmetic3A_237 : i32 to vector<16xi32>
      %shift_right_arithmetic3A_239 = arith.shrsi %get3A_236, %shift_right_arithmetic3A_238 : vector<16xi32>
      %and3A_240 = arith.constant 15 : i32
      %and3A_241 = vector.broadcast %and3A_240 : i32 to vector<16xi32>
      %and3A_242 = arith.andi %get3A_236, %and3A_241 : vector<16xi32>
      tpu.vector_store_idx %arg26[%shift_right_arithmetic3A_239, %and3A_242], %broadcast_in_dim3A_179 {add = true} : memref<640x16xf32, #tpu.memory_space<vmem>>[vector<16xi32>, vector<16xi32>], vector<16xf32>,
      %get3A_243 = arith.index_cast %add3A_170 : i32 to index
      %get3A_244 = arith.constant 112 : index
      %get3A_245 = tpu.vector_load %arg11[%get3A_243, %get3A_244] {strides = array<i32>} : memref<80x128xi32, #tpu.memory_space<vmem>>, vector<16xi32>,
      %shift_right_arithmetic3A_246 = arith.constant 4 : i32
      %shift_right_arithmetic3A_247 = vector.broadcast %shift_right_arithmetic3A_246 : i32 to vector<16xi32>
      %shift_right_arithmetic3A_248 = arith.shrsi %get3A_245, %shift_right_arithmetic3A_247 : vector<16xi32>
      %and3A_249 = arith.constant 15 : i32
      %and3A_250 = vector.broadcast %and3A_249 : i32 to vector<16xi32>
      %and3A_251 = arith.andi %get3A_245, %and3A_250 : vector<16xi32>
      tpu.vector_store_idx %arg26[%shift_right_arithmetic3A_248, %and3A_251], %broadcast_in_dim3A_179 {add = true} : memref<640x16xf32, #tpu.memory_space<vmem>>[vector<16xi32>, vector<16xi32>], vector<16xf32>,
      %dma_wait3A_252 = arith.constant 0 : i32
      %dma_wait3A_253 = tpu.memref_slice %arg10[%add3A_170, %dma_wait3A_252] : memref<80x128xi32, #tpu.memory_space<vmem>> -> memref<1x128xi32, #tpu.memory_space<vmem>>
      %dma_wait3A_254 = tpu.memref_squeeze %dma_wait3A_253 : memref<1x128xi32, #tpu.memory_space<vmem>> -> memref<128xi32, #tpu.memory_space<vmem>>
      %dma_wait3A_255 = arith.constant 0 : i32
      %dma_wait3A_256 = arith.constant 0 : i32
      %dma_wait3A_257 = tpu.memref_slice %arg17[%dma_wait3A_255, %dma_wait3A_256] : memref<10112x48xf32, #tpu.memory_space<vmem_shared>> -> memref<10112x48xf32, #tpu.memory_space<vmem_shared>>
      tpu.wait_indirect_dma semaphore(%arg19 : memref<!tpu.dma_semaphore, #tpu.memory_space<semaphore_mem>>) src(%dma_wait3A_257 : memref<10112x48xf32, #tpu.memory_space<vmem_shared>>) dst(%arg13 : memref<128x48xf32, #tpu.memory_space<vmem>>)
      %dma_start3A_258 = arith.constant 0 : i32
      %dma_start3A_259 = tpu.memref_slice %arg11[%add3A_170, %dma_start3A_258] : memref<80x128xi32, #tpu.memory_space<vmem>> -> memref<1x128xi32, #tpu.memory_space<vmem>>
      %dma_start3A_260 = tpu.memref_squeeze %dma_start3A_259 : memref<1x128xi32, #tpu.memory_space<vmem>> -> memref<128xi32, #tpu.memory_space<vmem>>
      %dma_start3A_261 = arith.constant 0 : i32
      %dma_start3A_262 = arith.constant 0 : i32
      %dma_start3A_263 = tpu.memref_slice %arg16[%dma_start3A_261, %dma_start3A_262] : memref<10112x48xf32, #tpu.memory_space<vmem_shared>> -> memref<10112x48xf32, #tpu.memory_space<vmem_shared>>
      tpu.enqueue_indirect_dma source(%arg13 : memref<128x48xf32, #tpu.memory_space<vmem>>) target(%dma_start3A_263 : memref<10112x48xf32, #tpu.memory_space<vmem_shared>>) offsets(%dma_start3A_260 : memref<128xi32, #tpu.memory_space<vmem>>) semaphore(%arg23 : memref<!tpu.dma_semaphore, #tpu.memory_space<semaphore_mem>>) {add = true}
      %mul3A_264 = arith.constant 4 : i32
      %mul3A_265 = arith.muli %mul3A_264, %scan3A_74 : i32
      %add3A_266 = arith.constant 2 : i32
      %add3A_267 = arith.addi %mul3A_265, %add3A_266 : i32
      %add3A_268 = arith.constant 3 : i32
      %add3A_269 = arith.addi %add3A_267, %add3A_268 : i32
      %lt3A_270 = arith.constant 80 : i32
      %lt3A_271 = arith.cmpi slt, %add3A_269, %lt3A_270 : i32
      %convert_element_type3A_272 = arith.extui %lt3A_271 : i1 to i32
      %cond3A_273 = arith.constant 0 : i32
      %cond3A_274 = arith.cmpi ne, %convert_element_type3A_272, %cond3A_273 : i32
      scf.if %cond3A_274 {
        %ge3A = arith.constant 4 : i32
        %ge3A_458 = arith.cmpi sge, %add3A_269, %ge3A : i32
        %convert_element_type3A_459 = arith.extui %ge3A_458 : i1 to i32
        %cond3A_460 = arith.constant 0 : i32
        %cond3A_461 = arith.cmpi ne, %convert_element_type3A_459, %cond3A_460 : i32
        scf.if %cond3A_461 {
          %dma_wait3A_468 = arith.constant 0 : i32
          %dma_wait3A_469 = arith.constant 0 : i32
          %dma_wait3A_470 = tpu.memref_slice %arg11[%dma_wait3A_468, %dma_wait3A_469] : memref<80x128xi32, #tpu.memory_space<vmem>> -> memref<1x128xi32, #tpu.memory_space<vmem>>
          %dma_wait3A_471 = tpu.memref_squeeze %dma_wait3A_470 : memref<1x128xi32, #tpu.memory_space<vmem>> -> memref<128xi32, #tpu.memory_space<vmem>>
          %dma_wait3A_472 = arith.constant 0 : i32
          %dma_wait3A_473 = arith.constant 0 : i32
          %dma_wait3A_474 = tpu.memref_slice %arg16[%dma_wait3A_472, %dma_wait3A_473] : memref<10112x48xf32, #tpu.memory_space<vmem_shared>> -> memref<10112x48xf32, #tpu.memory_space<vmem_shared>>
          tpu.wait_indirect_dma semaphore(%arg23 : memref<!tpu.dma_semaphore, #tpu.memory_space<semaphore_mem>>) src(%arg13 : memref<128x48xf32, #tpu.memory_space<vmem>>) dst(%dma_wait3A_474 : memref<10112x48xf32, #tpu.memory_space<vmem_shared>>)
        } else {
        }
        %dma_start3A_462 = arith.constant 0 : i32
        %dma_start3A_463 = tpu.memref_slice %arg10[%add3A_269, %dma_start3A_462] : memref<80x128xi32, #tpu.memory_space<vmem>> -> memref<1x128xi32, #tpu.memory_space<vmem>>
        %dma_start3A_464 = tpu.memref_squeeze %dma_start3A_463 : memref<1x128xi32, #tpu.memory_space<vmem>> -> memref<128xi32, #tpu.memory_space<vmem>>
        %dma_start3A_465 = arith.constant 0 : i32
        %dma_start3A_466 = arith.constant 0 : i32
        %dma_start3A_467 = tpu.memref_slice %arg17[%dma_start3A_465, %dma_start3A_466] : memref<10112x48xf32, #tpu.memory_space<vmem_shared>> -> memref<10112x48xf32, #tpu.memory_space<vmem_shared>>
        tpu.enqueue_indirect_dma source(%dma_start3A_467 : memref<10112x48xf32, #tpu.memory_space<vmem_shared>>) target(%arg13 : memref<128x48xf32, #tpu.memory_space<vmem>>) offsets(%dma_start3A_464 : memref<128xi32, #tpu.memory_space<vmem>>) semaphore(%arg19 : memref<!tpu.dma_semaphore, #tpu.memory_space<semaphore_mem>>)
      } else {
      }
      %broadcast_in_dim3A_275 = arith.constant 1.000000e+00 : f32
      %broadcast_in_dim3A_276 = vector.broadcast %broadcast_in_dim3A_275 : f32 to vector<16xf32>
      %get3A_277 = arith.index_cast %add3A_267 : i32 to index
      %get3A_278 = arith.constant 0 : index
      %get3A_279 = tpu.vector_load %arg11[%get3A_277, %get3A_278] {strides = array<i32>} : memref<80x128xi32, #tpu.memory_space<vmem>>, vector<16xi32>,
      %shift_right_arithmetic3A_280 = arith.constant 4 : i32
      %shift_right_arithmetic3A_281 = vector.broadcast %shift_right_arithmetic3A_280 : i32 to vector<16xi32>
      %shift_right_arithmetic3A_282 = arith.shrsi %get3A_279, %shift_right_arithmetic3A_281 : vector<16xi32>
      %and3A_283 = arith.constant 15 : i32
      %and3A_284 = vector.broadcast %and3A_283 : i32 to vector<16xi32>
      %and3A_285 = arith.andi %get3A_279, %and3A_284 : vector<16xi32>
      tpu.vector_store_idx %arg26[%shift_right_arithmetic3A_282, %and3A_285], %broadcast_in_dim3A_276 {add = true} : memref<640x16xf32, #tpu.memory_space<vmem>>[vector<16xi32>, vector<16xi32>], vector<16xf32>,
      %get3A_286 = arith.index_cast %add3A_267 : i32 to index
      %get3A_287 = arith.constant 16 : index
      %get3A_288 = tpu.vector_load %arg11[%get3A_286, %get3A_287] {strides = array<i32>} : memref<80x128xi32, #tpu.memory_space<vmem>>, vector<16xi32>,
      %shift_right_arithmetic3A_289 = arith.constant 4 : i32
      %shift_right_arithmetic3A_290 = vector.broadcast %shift_right_arithmetic3A_289 : i32 to vector<16xi32>
      %shift_right_arithmetic3A_291 = arith.shrsi %get3A_288, %shift_right_arithmetic3A_290 : vector<16xi32>
      %and3A_292 = arith.constant 15 : i32
      %and3A_293 = vector.broadcast %and3A_292 : i32 to vector<16xi32>
      %and3A_294 = arith.andi %get3A_288, %and3A_293 : vector<16xi32>
      tpu.vector_store_idx %arg26[%shift_right_arithmetic3A_291, %and3A_294], %broadcast_in_dim3A_276 {add = true} : memref<640x16xf32, #tpu.memory_space<vmem>>[vector<16xi32>, vector<16xi32>], vector<16xf32>,
      %get3A_295 = arith.index_cast %add3A_267 : i32 to index
      %get3A_296 = arith.constant 32 : index
      %get3A_297 = tpu.vector_load %arg11[%get3A_295, %get3A_296] {strides = array<i32>} : memref<80x128xi32, #tpu.memory_space<vmem>>, vector<16xi32>,
      %shift_right_arithmetic3A_298 = arith.constant 4 : i32
      %shift_right_arithmetic3A_299 = vector.broadcast %shift_right_arithmetic3A_298 : i32 to vector<16xi32>
      %shift_right_arithmetic3A_300 = arith.shrsi %get3A_297, %shift_right_arithmetic3A_299 : vector<16xi32>
      %and3A_301 = arith.constant 15 : i32
      %and3A_302 = vector.broadcast %and3A_301 : i32 to vector<16xi32>
      %and3A_303 = arith.andi %get3A_297, %and3A_302 : vector<16xi32>
      tpu.vector_store_idx %arg26[%shift_right_arithmetic3A_300, %and3A_303], %broadcast_in_dim3A_276 {add = true} : memref<640x16xf32, #tpu.memory_space<vmem>>[vector<16xi32>, vector<16xi32>], vector<16xf32>,
      %get3A_304 = arith.index_cast %add3A_267 : i32 to index
      %get3A_305 = arith.constant 48 : index
      %get3A_306 = tpu.vector_load %arg11[%get3A_304, %get3A_305] {strides = array<i32>} : memref<80x128xi32, #tpu.memory_space<vmem>>, vector<16xi32>,
      %shift_right_arithmetic3A_307 = arith.constant 4 : i32
      %shift_right_arithmetic3A_308 = vector.broadcast %shift_right_arithmetic3A_307 : i32 to vector<16xi32>
      %shift_right_arithmetic3A_309 = arith.shrsi %get3A_306, %shift_right_arithmetic3A_308 : vector<16xi32>
      %and3A_310 = arith.constant 15 : i32
      %and3A_311 = vector.broadcast %and3A_310 : i32 to vector<16xi32>
      %and3A_312 = arith.andi %get3A_306, %and3A_311 : vector<16xi32>
      tpu.vector_store_idx %arg26[%shift_right_arithmetic3A_309, %and3A_312], %broadcast_in_dim3A_276 {add = true} : memref<640x16xf32, #tpu.memory_space<vmem>>[vector<16xi32>, vector<16xi32>], vector<16xf32>,
      %get3A_313 = arith.index_cast %add3A_267 : i32 to index
      %get3A_314 = arith.constant 64 : index
      %get3A_315 = tpu.vector_load %arg11[%get3A_313, %get3A_314] {strides = array<i32>} : memref<80x128xi32, #tpu.memory_space<vmem>>, vector<16xi32>,
      %shift_right_arithmetic3A_316 = arith.constant 4 : i32
      %shift_right_arithmetic3A_317 = vector.broadcast %shift_right_arithmetic3A_316 : i32 to vector<16xi32>
      %shift_right_arithmetic3A_318 = arith.shrsi %get3A_315, %shift_right_arithmetic3A_317 : vector<16xi32>
      %and3A_319 = arith.constant 15 : i32
      %and3A_320 = vector.broadcast %and3A_319 : i32 to vector<16xi32>
      %and3A_321 = arith.andi %get3A_315, %and3A_320 : vector<16xi32>
      tpu.vector_store_idx %arg26[%shift_right_arithmetic3A_318, %and3A_321], %broadcast_in_dim3A_276 {add = true} : memref<640x16xf32, #tpu.memory_space<vmem>>[vector<16xi32>, vector<16xi32>], vector<16xf32>,
      %get3A_322 = arith.index_cast %add3A_267 : i32 to index
      %get3A_323 = arith.constant 80 : index
      %get3A_324 = tpu.vector_load %arg11[%get3A_322, %get3A_323] {strides = array<i32>} : memref<80x128xi32, #tpu.memory_space<vmem>>, vector<16xi32>,
      %shift_right_arithmetic3A_325 = arith.constant 4 : i32
      %shift_right_arithmetic3A_326 = vector.broadcast %shift_right_arithmetic3A_325 : i32 to vector<16xi32>
      %shift_right_arithmetic3A_327 = arith.shrsi %get3A_324, %shift_right_arithmetic3A_326 : vector<16xi32>
      %and3A_328 = arith.constant 15 : i32
      %and3A_329 = vector.broadcast %and3A_328 : i32 to vector<16xi32>
      %and3A_330 = arith.andi %get3A_324, %and3A_329 : vector<16xi32>
      tpu.vector_store_idx %arg26[%shift_right_arithmetic3A_327, %and3A_330], %broadcast_in_dim3A_276 {add = true} : memref<640x16xf32, #tpu.memory_space<vmem>>[vector<16xi32>, vector<16xi32>], vector<16xf32>,
      %get3A_331 = arith.index_cast %add3A_267 : i32 to index
      %get3A_332 = arith.constant 96 : index
      %get3A_333 = tpu.vector_load %arg11[%get3A_331, %get3A_332] {strides = array<i32>} : memref<80x128xi32, #tpu.memory_space<vmem>>, vector<16xi32>,
      %shift_right_arithmetic3A_334 = arith.constant 4 : i32
      %shift_right_arithmetic3A_335 = vector.broadcast %shift_right_arithmetic3A_334 : i32 to vector<16xi32>
      %shift_right_arithmetic3A_336 = arith.shrsi %get3A_333, %shift_right_arithmetic3A_335 : vector<16xi32>
      %and3A_337 = arith.constant 15 : i32
      %and3A_338 = vector.broadcast %and3A_337 : i32 to vector<16xi32>
      %and3A_339 = arith.andi %get3A_333, %and3A_338 : vector<16xi32>
      tpu.vector_store_idx %arg26[%shift_right_arithmetic3A_336, %and3A_339], %broadcast_in_dim3A_276 {add = true} : memref<640x16xf32, #tpu.memory_space<vmem>>[vector<16xi32>, vector<16xi32>], vector<16xf32>,
      %get3A_340 = arith.index_cast %add3A_267 : i32 to index
      %get3A_341 = arith.constant 112 : index
      %get3A_342 = tpu.vector_load %arg11[%get3A_340, %get3A_341] {strides = array<i32>} : memref<80x128xi32, #tpu.memory_space<vmem>>, vector<16xi32>,
      %shift_right_arithmetic3A_343 = arith.constant 4 : i32
      %shift_right_arithmetic3A_344 = vector.broadcast %shift_right_arithmetic3A_343 : i32 to vector<16xi32>
      %shift_right_arithmetic3A_345 = arith.shrsi %get3A_342, %shift_right_arithmetic3A_344 : vector<16xi32>
      %and3A_346 = arith.constant 15 : i32
      %and3A_347 = vector.broadcast %and3A_346 : i32 to vector<16xi32>
      %and3A_348 = arith.andi %get3A_342, %and3A_347 : vector<16xi32>
      tpu.vector_store_idx %arg26[%shift_right_arithmetic3A_345, %and3A_348], %broadcast_in_dim3A_276 {add = true} : memref<640x16xf32, #tpu.memory_space<vmem>>[vector<16xi32>, vector<16xi32>], vector<16xf32>,
      %dma_wait3A_349 = arith.constant 0 : i32
      %dma_wait3A_350 = tpu.memref_slice %arg10[%add3A_267, %dma_wait3A_349] : memref<80x128xi32, #tpu.memory_space<vmem>> -> memref<1x128xi32, #tpu.memory_space<vmem>>
      %dma_wait3A_351 = tpu.memref_squeeze %dma_wait3A_350 : memref<1x128xi32, #tpu.memory_space<vmem>> -> memref<128xi32, #tpu.memory_space<vmem>>
      %dma_wait3A_352 = arith.constant 0 : i32
      %dma_wait3A_353 = arith.constant 0 : i32
      %dma_wait3A_354 = tpu.memref_slice %arg17[%dma_wait3A_352, %dma_wait3A_353] : memref<10112x48xf32, #tpu.memory_space<vmem_shared>> -> memref<10112x48xf32, #tpu.memory_space<vmem_shared>>
      tpu.wait_indirect_dma semaphore(%arg20 : memref<!tpu.dma_semaphore, #tpu.memory_space<semaphore_mem>>) src(%dma_wait3A_354 : memref<10112x48xf32, #tpu.memory_space<vmem_shared>>) dst(%arg14 : memref<128x48xf32, #tpu.memory_space<vmem>>)
      %dma_start3A_355 = arith.constant 0 : i32
      %dma_start3A_356 = tpu.memref_slice %arg11[%add3A_267, %dma_start3A_355] : memref<80x128xi32, #tpu.memory_space<vmem>> -> memref<1x128xi32, #tpu.memory_space<vmem>>
      %dma_start3A_357 = tpu.memref_squeeze %dma_start3A_356 : memref<1x128xi32, #tpu.memory_space<vmem>> -> memref<128xi32, #tpu.memory_space<vmem>>
      %dma_start3A_358 = arith.constant 0 : i32
      %dma_start3A_359 = arith.constant 0 : i32
      %dma_start3A_360 = tpu.memref_slice %arg16[%dma_start3A_358, %dma_start3A_359] : memref<10112x48xf32, #tpu.memory_space<vmem_shared>> -> memref<10112x48xf32, #tpu.memory_space<vmem_shared>>
      tpu.enqueue_indirect_dma source(%arg14 : memref<128x48xf32, #tpu.memory_space<vmem>>) target(%dma_start3A_360 : memref<10112x48xf32, #tpu.memory_space<vmem_shared>>) offsets(%dma_start3A_357 : memref<128xi32, #tpu.memory_space<vmem>>) semaphore(%arg24 : memref<!tpu.dma_semaphore, #tpu.memory_space<semaphore_mem>>) {add = true}
      %mul3A_361 = arith.constant 4 : i32
      %mul3A_362 = arith.muli %mul3A_361, %scan3A_74 : i32
      %add3A_363 = arith.constant 3 : i32
      %add3A_364 = arith.addi %mul3A_362, %add3A_363 : i32
      %add3A_365 = arith.constant 3 : i32
      %add3A_366 = arith.addi %add3A_364, %add3A_365 : i32
      %lt3A_367 = arith.constant 80 : i32
      %lt3A_368 = arith.cmpi slt, %add3A_366, %lt3A_367 : i32
      %convert_element_type3A_369 = arith.extui %lt3A_368 : i1 to i32
      %cond3A_370 = arith.constant 0 : i32
      %cond3A_371 = arith.cmpi ne, %convert_element_type3A_369, %cond3A_370 : i32
      scf.if %cond3A_371 {
        %ge3A = arith.constant 4 : i32
        %ge3A_458 = arith.cmpi sge, %add3A_366, %ge3A : i32
        %convert_element_type3A_459 = arith.extui %ge3A_458 : i1 to i32
        %cond3A_460 = arith.constant 0 : i32
        %cond3A_461 = arith.cmpi ne, %convert_element_type3A_459, %cond3A_460 : i32
        scf.if %cond3A_461 {
          %dma_wait3A_468 = arith.constant 0 : i32
          %dma_wait3A_469 = arith.constant 0 : i32
          %dma_wait3A_470 = tpu.memref_slice %arg11[%dma_wait3A_468, %dma_wait3A_469] : memref<80x128xi32, #tpu.memory_space<vmem>> -> memref<1x128xi32, #tpu.memory_space<vmem>>
          %dma_wait3A_471 = tpu.memref_squeeze %dma_wait3A_470 : memref<1x128xi32, #tpu.memory_space<vmem>> -> memref<128xi32, #tpu.memory_space<vmem>>
          %dma_wait3A_472 = arith.constant 0 : i32
          %dma_wait3A_473 = arith.constant 0 : i32
          %dma_wait3A_474 = tpu.memref_slice %arg16[%dma_wait3A_472, %dma_wait3A_473] : memref<10112x48xf32, #tpu.memory_space<vmem_shared>> -> memref<10112x48xf32, #tpu.memory_space<vmem_shared>>
          tpu.wait_indirect_dma semaphore(%arg24 : memref<!tpu.dma_semaphore, #tpu.memory_space<semaphore_mem>>) src(%arg14 : memref<128x48xf32, #tpu.memory_space<vmem>>) dst(%dma_wait3A_474 : memref<10112x48xf32, #tpu.memory_space<vmem_shared>>)
        } else {
        }
        %dma_start3A_462 = arith.constant 0 : i32
        %dma_start3A_463 = tpu.memref_slice %arg10[%add3A_366, %dma_start3A_462] : memref<80x128xi32, #tpu.memory_space<vmem>> -> memref<1x128xi32, #tpu.memory_space<vmem>>
        %dma_start3A_464 = tpu.memref_squeeze %dma_start3A_463 : memref<1x128xi32, #tpu.memory_space<vmem>> -> memref<128xi32, #tpu.memory_space<vmem>>
        %dma_start3A_465 = arith.constant 0 : i32
        %dma_start3A_466 = arith.constant 0 : i32
        %dma_start3A_467 = tpu.memref_slice %arg17[%dma_start3A_465, %dma_start3A_466] : memref<10112x48xf32, #tpu.memory_space<vmem_shared>> -> memref<10112x48xf32, #tpu.memory_space<vmem_shared>>
        tpu.enqueue_indirect_dma source(%dma_start3A_467 : memref<10112x48xf32, #tpu.memory_space<vmem_shared>>) target(%arg14 : memref<128x48xf32, #tpu.memory_space<vmem>>) offsets(%dma_start3A_464 : memref<128xi32, #tpu.memory_space<vmem>>) semaphore(%arg20 : memref<!tpu.dma_semaphore, #tpu.memory_space<semaphore_mem>>)
      } else {
      }
      %broadcast_in_dim3A_372 = arith.constant 1.000000e+00 : f32
      %broadcast_in_dim3A_373 = vector.broadcast %broadcast_in_dim3A_372 : f32 to vector<16xf32>
      %get3A_374 = arith.index_cast %add3A_364 : i32 to index
      %get3A_375 = arith.constant 0 : index
      %get3A_376 = tpu.vector_load %arg11[%get3A_374, %get3A_375] {strides = array<i32>} : memref<80x128xi32, #tpu.memory_space<vmem>>, vector<16xi32>,
      %shift_right_arithmetic3A_377 = arith.constant 4 : i32
      %shift_right_arithmetic3A_378 = vector.broadcast %shift_right_arithmetic3A_377 : i32 to vector<16xi32>
      %shift_right_arithmetic3A_379 = arith.shrsi %get3A_376, %shift_right_arithmetic3A_378 : vector<16xi32>
      %and3A_380 = arith.constant 15 : i32
      %and3A_381 = vector.broadcast %and3A_380 : i32 to vector<16xi32>
      %and3A_382 = arith.andi %get3A_376, %and3A_381 : vector<16xi32>
      tpu.vector_store_idx %arg26[%shift_right_arithmetic3A_379, %and3A_382], %broadcast_in_dim3A_373 {add = true} : memref<640x16xf32, #tpu.memory_space<vmem>>[vector<16xi32>, vector<16xi32>], vector<16xf32>,
      %get3A_383 = arith.index_cast %add3A_364 : i32 to index
      %get3A_384 = arith.constant 16 : index
      %get3A_385 = tpu.vector_load %arg11[%get3A_383, %get3A_384] {strides = array<i32>} : memref<80x128xi32, #tpu.memory_space<vmem>>, vector<16xi32>,
      %shift_right_arithmetic3A_386 = arith.constant 4 : i32
      %shift_right_arithmetic3A_387 = vector.broadcast %shift_right_arithmetic3A_386 : i32 to vector<16xi32>
      %shift_right_arithmetic3A_388 = arith.shrsi %get3A_385, %shift_right_arithmetic3A_387 : vector<16xi32>
      %and3A_389 = arith.constant 15 : i32
      %and3A_390 = vector.broadcast %and3A_389 : i32 to vector<16xi32>
      %and3A_391 = arith.andi %get3A_385, %and3A_390 : vector<16xi32>
      tpu.vector_store_idx %arg26[%shift_right_arithmetic3A_388, %and3A_391], %broadcast_in_dim3A_373 {add = true} : memref<640x16xf32, #tpu.memory_space<vmem>>[vector<16xi32>, vector<16xi32>], vector<16xf32>,
      %get3A_392 = arith.index_cast %add3A_364 : i32 to index
      %get3A_393 = arith.constant 32 : index
      %get3A_394 = tpu.vector_load %arg11[%get3A_392, %get3A_393] {strides = array<i32>} : memref<80x128xi32, #tpu.memory_space<vmem>>, vector<16xi32>,
      %shift_right_arithmetic3A_395 = arith.constant 4 : i32
      %shift_right_arithmetic3A_396 = vector.broadcast %shift_right_arithmetic3A_395 : i32 to vector<16xi32>
      %shift_right_arithmetic3A_397 = arith.shrsi %get3A_394, %shift_right_arithmetic3A_396 : vector<16xi32>
      %and3A_398 = arith.constant 15 : i32
      %and3A_399 = vector.broadcast %and3A_398 : i32 to vector<16xi32>
      %and3A_400 = arith.andi %get3A_394, %and3A_399 : vector<16xi32>
      tpu.vector_store_idx %arg26[%shift_right_arithmetic3A_397, %and3A_400], %broadcast_in_dim3A_373 {add = true} : memref<640x16xf32, #tpu.memory_space<vmem>>[vector<16xi32>, vector<16xi32>], vector<16xf32>,
      %get3A_401 = arith.index_cast %add3A_364 : i32 to index
      %get3A_402 = arith.constant 48 : index
      %get3A_403 = tpu.vector_load %arg11[%get3A_401, %get3A_402] {strides = array<i32>} : memref<80x128xi32, #tpu.memory_space<vmem>>, vector<16xi32>,
      %shift_right_arithmetic3A_404 = arith.constant 4 : i32
      %shift_right_arithmetic3A_405 = vector.broadcast %shift_right_arithmetic3A_404 : i32 to vector<16xi32>
      %shift_right_arithmetic3A_406 = arith.shrsi %get3A_403, %shift_right_arithmetic3A_405 : vector<16xi32>
      %and3A_407 = arith.constant 15 : i32
      %and3A_408 = vector.broadcast %and3A_407 : i32 to vector<16xi32>
      %and3A_409 = arith.andi %get3A_403, %and3A_408 : vector<16xi32>
      tpu.vector_store_idx %arg26[%shift_right_arithmetic3A_406, %and3A_409], %broadcast_in_dim3A_373 {add = true} : memref<640x16xf32, #tpu.memory_space<vmem>>[vector<16xi32>, vector<16xi32>], vector<16xf32>,
      %get3A_410 = arith.index_cast %add3A_364 : i32 to index
      %get3A_411 = arith.constant 64 : index
      %get3A_412 = tpu.vector_load %arg11[%get3A_410, %get3A_411] {strides = array<i32>} : memref<80x128xi32, #tpu.memory_space<vmem>>, vector<16xi32>,
      %shift_right_arithmetic3A_413 = arith.constant 4 : i32
      %shift_right_arithmetic3A_414 = vector.broadcast %shift_right_arithmetic3A_413 : i32 to vector<16xi32>
      %shift_right_arithmetic3A_415 = arith.shrsi %get3A_412, %shift_right_arithmetic3A_414 : vector<16xi32>
      %and3A_416 = arith.constant 15 : i32
      %and3A_417 = vector.broadcast %and3A_416 : i32 to vector<16xi32>
      %and3A_418 = arith.andi %get3A_412, %and3A_417 : vector<16xi32>
      tpu.vector_store_idx %arg26[%shift_right_arithmetic3A_415, %and3A_418], %broadcast_in_dim3A_373 {add = true} : memref<640x16xf32, #tpu.memory_space<vmem>>[vector<16xi32>, vector<16xi32>], vector<16xf32>,
      %get3A_419 = arith.index_cast %add3A_364 : i32 to index
      %get3A_420 = arith.constant 80 : index
      %get3A_421 = tpu.vector_load %arg11[%get3A_419, %get3A_420] {strides = array<i32>} : memref<80x128xi32, #tpu.memory_space<vmem>>, vector<16xi32>,
      %shift_right_arithmetic3A_422 = arith.constant 4 : i32
      %shift_right_arithmetic3A_423 = vector.broadcast %shift_right_arithmetic3A_422 : i32 to vector<16xi32>
      %shift_right_arithmetic3A_424 = arith.shrsi %get3A_421, %shift_right_arithmetic3A_423 : vector<16xi32>
      %and3A_425 = arith.constant 15 : i32
      %and3A_426 = vector.broadcast %and3A_425 : i32 to vector<16xi32>
      %and3A_427 = arith.andi %get3A_421, %and3A_426 : vector<16xi32>
      tpu.vector_store_idx %arg26[%shift_right_arithmetic3A_424, %and3A_427], %broadcast_in_dim3A_373 {add = true} : memref<640x16xf32, #tpu.memory_space<vmem>>[vector<16xi32>, vector<16xi32>], vector<16xf32>,
      %get3A_428 = arith.index_cast %add3A_364 : i32 to index
      %get3A_429 = arith.constant 96 : index
      %get3A_430 = tpu.vector_load %arg11[%get3A_428, %get3A_429] {strides = array<i32>} : memref<80x128xi32, #tpu.memory_space<vmem>>, vector<16xi32>,
      %shift_right_arithmetic3A_431 = arith.constant 4 : i32
      %shift_right_arithmetic3A_432 = vector.broadcast %shift_right_arithmetic3A_431 : i32 to vector<16xi32>
      %shift_right_arithmetic3A_433 = arith.shrsi %get3A_430, %shift_right_arithmetic3A_432 : vector<16xi32>
      %and3A_434 = arith.constant 15 : i32
      %and3A_435 = vector.broadcast %and3A_434 : i32 to vector<16xi32>
      %and3A_436 = arith.andi %get3A_430, %and3A_435 : vector<16xi32>
      tpu.vector_store_idx %arg26[%shift_right_arithmetic3A_433, %and3A_436], %broadcast_in_dim3A_373 {add = true} : memref<640x16xf32, #tpu.memory_space<vmem>>[vector<16xi32>, vector<16xi32>], vector<16xf32>,
      %get3A_437 = arith.index_cast %add3A_364 : i32 to index
      %get3A_438 = arith.constant 112 : index
      %get3A_439 = tpu.vector_load %arg11[%get3A_437, %get3A_438] {strides = array<i32>} : memref<80x128xi32, #tpu.memory_space<vmem>>, vector<16xi32>,
      %shift_right_arithmetic3A_440 = arith.constant 4 : i32
      %shift_right_arithmetic3A_441 = vector.broadcast %shift_right_arithmetic3A_440 : i32 to vector<16xi32>
      %shift_right_arithmetic3A_442 = arith.shrsi %get3A_439, %shift_right_arithmetic3A_441 : vector<16xi32>
      %and3A_443 = arith.constant 15 : i32
      %and3A_444 = vector.broadcast %and3A_443 : i32 to vector<16xi32>
      %and3A_445 = arith.andi %get3A_439, %and3A_444 : vector<16xi32>
      tpu.vector_store_idx %arg26[%shift_right_arithmetic3A_442, %and3A_445], %broadcast_in_dim3A_373 {add = true} : memref<640x16xf32, #tpu.memory_space<vmem>>[vector<16xi32>, vector<16xi32>], vector<16xf32>,
      %dma_wait3A_446 = arith.constant 0 : i32
      %dma_wait3A_447 = tpu.memref_slice %arg10[%add3A_364, %dma_wait3A_446] : memref<80x128xi32, #tpu.memory_space<vmem>> -> memref<1x128xi32, #tpu.memory_space<vmem>>
      %dma_wait3A_448 = tpu.memref_squeeze %dma_wait3A_447 : memref<1x128xi32, #tpu.memory_space<vmem>> -> memref<128xi32, #tpu.memory_space<vmem>>
      %dma_wait3A_449 = arith.constant 0 : i32
      %dma_wait3A_450 = arith.constant 0 : i32
      %dma_wait3A_451 = tpu.memref_slice %arg17[%dma_wait3A_449, %dma_wait3A_450] : memref<10112x48xf32, #tpu.memory_space<vmem_shared>> -> memref<10112x48xf32, #tpu.memory_space<vmem_shared>>
      tpu.wait_indirect_dma semaphore(%arg21 : memref<!tpu.dma_semaphore, #tpu.memory_space<semaphore_mem>>) src(%dma_wait3A_451 : memref<10112x48xf32, #tpu.memory_space<vmem_shared>>) dst(%arg15 : memref<128x48xf32, #tpu.memory_space<vmem>>)
      %dma_start3A_452 = arith.constant 0 : i32
      %dma_start3A_453 = tpu.memref_slice %arg11[%add3A_364, %dma_start3A_452] : memref<80x128xi32, #tpu.memory_space<vmem>> -> memref<1x128xi32, #tpu.memory_space<vmem>>
      %dma_start3A_454 = tpu.memref_squeeze %dma_start3A_453 : memref<1x128xi32, #tpu.memory_space<vmem>> -> memref<128xi32, #tpu.memory_space<vmem>>
      %dma_start3A_455 = arith.constant 0 : i32
      %dma_start3A_456 = arith.constant 0 : i32
      %dma_start3A_457 = tpu.memref_slice %arg16[%dma_start3A_455, %dma_start3A_456] : memref<10112x48xf32, #tpu.memory_space<vmem_shared>> -> memref<10112x48xf32, #tpu.memory_space<vmem_shared>>
      tpu.enqueue_indirect_dma source(%arg15 : memref<128x48xf32, #tpu.memory_space<vmem>>) target(%dma_start3A_457 : memref<10112x48xf32, #tpu.memory_space<vmem_shared>>) offsets(%dma_start3A_454 : memref<128xi32, #tpu.memory_space<vmem>>) semaphore(%arg25 : memref<!tpu.dma_semaphore, #tpu.memory_space<semaphore_mem>>) {add = true}
    }
    %scan3A_37 = arith.constant 20 : i32
    %dma_wait3A = arith.constant 0 : i32
    %dma_wait3A_38 = arith.constant 0 : i32
    %dma_wait3A_39 = tpu.memref_slice %arg11[%dma_wait3A, %dma_wait3A_38] : memref<80x128xi32, #tpu.memory_space<vmem>> -> memref<1x128xi32, #tpu.memory_space<vmem>>
    %dma_wait3A_40 = tpu.memref_squeeze %dma_wait3A_39 : memref<1x128xi32, #tpu.memory_space<vmem>> -> memref<128xi32, #tpu.memory_space<vmem>>
    %dma_wait3A_41 = arith.constant 0 : i32
    %dma_wait3A_42 = arith.constant 0 : i32
    %dma_wait3A_43 = tpu.memref_slice %arg16[%dma_wait3A_41, %dma_wait3A_42] : memref<10112x48xf32, #tpu.memory_space<vmem_shared>> -> memref<10112x48xf32, #tpu.memory_space<vmem_shared>>
    tpu.wait_indirect_dma semaphore(%arg22 : memref<!tpu.dma_semaphore, #tpu.memory_space<semaphore_mem>>) src(%arg12 : memref<128x48xf32, #tpu.memory_space<vmem>>) dst(%dma_wait3A_43 : memref<10112x48xf32, #tpu.memory_space<vmem_shared>>)
    %dma_wait3A_44 = arith.constant 0 : i32
    %dma_wait3A_45 = arith.constant 0 : i32
    %dma_wait3A_46 = tpu.memref_slice %arg11[%dma_wait3A_44, %dma_wait3A_45] : memref<80x128xi32, #tpu.memory_space<vmem>> -> memref<1x128xi32, #tpu.memory_space<vmem>>
    %dma_wait3A_47 = tpu.memref_squeeze %dma_wait3A_46 : memref<1x128xi32, #tpu.memory_space<vmem>> -> memref<128xi32, #tpu.memory_space<vmem>>
    %dma_wait3A_48 = arith.constant 0 : i32
    %dma_wait3A_49 = arith.constant 0 : i32
    %dma_wait3A_50 = tpu.memref_slice %arg16[%dma_wait3A_48, %dma_wait3A_49] : memref<10112x48xf32, #tpu.memory_space<vmem_shared>> -> memref<10112x48xf32, #tpu.memory_space<vmem_shared>>
    tpu.wait_indirect_dma semaphore(%arg23 : memref<!tpu.dma_semaphore, #tpu.memory_space<semaphore_mem>>) src(%arg13 : memref<128x48xf32, #tpu.memory_space<vmem>>) dst(%dma_wait3A_50 : memref<10112x48xf32, #tpu.memory_space<vmem_shared>>)
    %dma_wait3A_51 = arith.constant 0 : i32
    %dma_wait3A_52 = arith.constant 0 : i32
    %dma_wait3A_53 = tpu.memref_slice %arg11[%dma_wait3A_51, %dma_wait3A_52] : memref<80x128xi32, #tpu.memory_space<vmem>> -> memref<1x128xi32, #tpu.memory_space<vmem>>
    %dma_wait3A_54 = tpu.memref_squeeze %dma_wait3A_53 : memref<1x128xi32, #tpu.memory_space<vmem>> -> memref<128xi32, #tpu.memory_space<vmem>>
    %dma_wait3A_55 = arith.constant 0 : i32
    %dma_wait3A_56 = arith.constant 0 : i32
    %dma_wait3A_57 = tpu.memref_slice %arg16[%dma_wait3A_55, %dma_wait3A_56] : memref<10112x48xf32, #tpu.memory_space<vmem_shared>> -> memref<10112x48xf32, #tpu.memory_space<vmem_shared>>
    tpu.wait_indirect_dma semaphore(%arg24 : memref<!tpu.dma_semaphore, #tpu.memory_space<semaphore_mem>>) src(%arg14 : memref<128x48xf32, #tpu.memory_space<vmem>>) dst(%dma_wait3A_57 : memref<10112x48xf32, #tpu.memory_space<vmem_shared>>)
    %dma_wait3A_58 = arith.constant 0 : i32
    %dma_wait3A_59 = arith.constant 0 : i32
    %dma_wait3A_60 = tpu.memref_slice %arg11[%dma_wait3A_58, %dma_wait3A_59] : memref<80x128xi32, #tpu.memory_space<vmem>> -> memref<1x128xi32, #tpu.memory_space<vmem>>
    %dma_wait3A_61 = tpu.memref_squeeze %dma_wait3A_60 : memref<1x128xi32, #tpu.memory_space<vmem>> -> memref<128xi32, #tpu.memory_space<vmem>>
    %dma_wait3A_62 = arith.constant 0 : i32
    %dma_wait3A_63 = arith.constant 0 : i32
    %dma_wait3A_64 = tpu.memref_slice %arg16[%dma_wait3A_62, %dma_wait3A_63] : memref<10112x48xf32, #tpu.memory_space<vmem_shared>> -> memref<10112x48xf32, #tpu.memory_space<vmem_shared>>
    tpu.wait_indirect_dma semaphore(%arg25 : memref<!tpu.dma_semaphore, #tpu.memory_space<semaphore_mem>>) src(%arg15 : memref<128x48xf32, #tpu.memory_space<vmem>>) dst(%dma_wait3A_64 : memref<10112x48xf32, #tpu.memory_space<vmem_shared>>)
    %run_scoped3A = arith.constant 0 : i32
    "tpu.region"() ({
      %run_scoped3A_74 = tpu.sem_alloc : memref<!tpu.dma_semaphore, #tpu.memory_space<semaphore_mem>>
      %dma_start3A_75 = arith.constant 0 : i32
      %dma_start3A_76 = arith.constant 0 : i32
      %dma_start3A_77 = tpu.memref_slice %arg26[%dma_start3A_75, %dma_start3A_76] : memref<640x16xf32, #tpu.memory_space<vmem>> -> memref<128x16xf32, #tpu.memory_space<vmem>>
      %dma_start3A_78 = arith.constant 0 : i32
      %dma_start3A_79 = tpu.memref_slice %arg27[%run_scoped3A, %dma_start3A_78] : memref<5x128xi32, #tpu.memory_space<vmem>> -> memref<1x128xi32, #tpu.memory_space<vmem>>
      %dma_start3A_80 = tpu.memref_squeeze %dma_start3A_79 : memref<1x128xi32, #tpu.memory_space<vmem>> -> memref<128xi32, #tpu.memory_space<vmem>>
      %dma_start3A_81 = arith.constant 0 : i32
      %dma_start3A_82 = arith.constant 0 : i32
      %dma_start3A_83 = tpu.memref_slice %arg28[%dma_start3A_81, %dma_start3A_82] : memref<640x16xf32, #tpu.memory_space<vmem_shared>> -> memref<640x16xf32, #tpu.memory_space<vmem_shared>>
      tpu.enqueue_indirect_dma source(%dma_start3A_77 : memref<128x16xf32, #tpu.memory_space<vmem>>) target(%dma_start3A_83 : memref<640x16xf32, #tpu.memory_space<vmem_shared>>) offsets(%dma_start3A_80 : memref<128xi32, #tpu.memory_space<vmem>>) semaphore(%run_scoped3A_74 : memref<!tpu.dma_semaphore, #tpu.memory_space<semaphore_mem>>) {add = true}
      %dma_wait3A_84 = arith.constant 0 : i32
      %dma_wait3A_85 = arith.constant 0 : i32
      %dma_wait3A_86 = tpu.memref_slice %arg26[%dma_wait3A_84, %dma_wait3A_85] : memref<640x16xf32, #tpu.memory_space<vmem>> -> memref<128x16xf32, #tpu.memory_space<vmem>>
      %dma_wait3A_87 = arith.constant 0 : i32
      %dma_wait3A_88 = tpu.memref_slice %arg27[%run_scoped3A, %dma_wait3A_87] : memref<5x128xi32, #tpu.memory_space<vmem>> -> memref<1x128xi32, #tpu.memory_space<vmem>>
      %dma_wait3A_89 = tpu.memref_squeeze %dma_wait3A_88 : memref<1x128xi32, #tpu.memory_space<vmem>> -> memref<128xi32, #tpu.memory_space<vmem>>
      %dma_wait3A_90 = arith.constant 0 : i32
      %dma_wait3A_91 = arith.constant 0 : i32
      %dma_wait3A_92 = tpu.memref_slice %arg28[%dma_wait3A_90, %dma_wait3A_91] : memref<640x16xf32, #tpu.memory_space<vmem_shared>> -> memref<640x16xf32, #tpu.memory_space<vmem_shared>>
      tpu.wait_indirect_dma semaphore(%run_scoped3A_74 : memref<!tpu.dma_semaphore, #tpu.memory_space<semaphore_mem>>) src(%dma_wait3A_86 : memref<128x16xf32, #tpu.memory_space<vmem>>) dst(%dma_wait3A_92 : memref<640x16xf32, #tpu.memory_space<vmem_shared>>)
      tpu.yield
    }) : () -> ()
    %run_scoped3A_65 = arith.constant 1 : i32
    "tpu.region"() ({
      %run_scoped3A_74 = tpu.sem_alloc : memref<!tpu.dma_semaphore, #tpu.memory_space<semaphore_mem>>
      %dma_start3A_75 = arith.constant 128 : i32
      %dma_start3A_76 = arith.constant 0 : i32
      %dma_start3A_77 = tpu.memref_slice %arg26[%dma_start3A_75, %dma_start3A_76] : memref<640x16xf32, #tpu.memory_space<vmem>> -> memref<128x16xf32, #tpu.memory_space<vmem>>
      %dma_start3A_78 = arith.constant 0 : i32
      %dma_start3A_79 = tpu.memref_slice %arg27[%run_scoped3A_65, %dma_start3A_78] : memref<5x128xi32, #tpu.memory_space<vmem>> -> memref<1x128xi32, #tpu.memory_space<vmem>>
      %dma_start3A_80 = tpu.memref_squeeze %dma_start3A_79 : memref<1x128xi32, #tpu.memory_space<vmem>> -> memref<128xi32, #tpu.memory_space<vmem>>
      %dma_start3A_81 = arith.constant 0 : i32
      %dma_start3A_82 = arith.constant 0 : i32
      %dma_start3A_83 = tpu.memref_slice %arg28[%dma_start3A_81, %dma_start3A_82] : memref<640x16xf32, #tpu.memory_space<vmem_shared>> -> memref<640x16xf32, #tpu.memory_space<vmem_shared>>
      tpu.enqueue_indirect_dma source(%dma_start3A_77 : memref<128x16xf32, #tpu.memory_space<vmem>>) target(%dma_start3A_83 : memref<640x16xf32, #tpu.memory_space<vmem_shared>>) offsets(%dma_start3A_80 : memref<128xi32, #tpu.memory_space<vmem>>) semaphore(%run_scoped3A_74 : memref<!tpu.dma_semaphore, #tpu.memory_space<semaphore_mem>>) {add = true}
      %dma_wait3A_84 = arith.constant 128 : i32
      %dma_wait3A_85 = arith.constant 0 : i32
      %dma_wait3A_86 = tpu.memref_slice %arg26[%dma_wait3A_84, %dma_wait3A_85] : memref<640x16xf32, #tpu.memory_space<vmem>> -> memref<128x16xf32, #tpu.memory_space<vmem>>
      %dma_wait3A_87 = arith.constant 0 : i32
      %dma_wait3A_88 = tpu.memref_slice %arg27[%run_scoped3A_65, %dma_wait3A_87] : memref<5x128xi32, #tpu.memory_space<vmem>> -> memref<1x128xi32, #tpu.memory_space<vmem>>
      %dma_wait3A_89 = tpu.memref_squeeze %dma_wait3A_88 : memref<1x128xi32, #tpu.memory_space<vmem>> -> memref<128xi32, #tpu.memory_space<vmem>>
      %dma_wait3A_90 = arith.constant 0 : i32
      %dma_wait3A_91 = arith.constant 0 : i32
      %dma_wait3A_92 = tpu.memref_slice %arg28[%dma_wait3A_90, %dma_wait3A_91] : memref<640x16xf32, #tpu.memory_space<vmem_shared>> -> memref<640x16xf32, #tpu.memory_space<vmem_shared>>
      tpu.wait_indirect_dma semaphore(%run_scoped3A_74 : memref<!tpu.dma_semaphore, #tpu.memory_space<semaphore_mem>>) src(%dma_wait3A_86 : memref<128x16xf32, #tpu.memory_space<vmem>>) dst(%dma_wait3A_92 : memref<640x16xf32, #tpu.memory_space<vmem_shared>>)
      tpu.yield
    }) : () -> ()
    %run_scoped3A_66 = arith.constant 2 : i32
    "tpu.region"() ({
      %run_scoped3A_74 = tpu.sem_alloc : memref<!tpu.dma_semaphore, #tpu.memory_space<semaphore_mem>>
      %dma_start3A_75 = arith.constant 256 : i32
      %dma_start3A_76 = arith.constant 0 : i32
      %dma_start3A_77 = tpu.memref_slice %arg26[%dma_start3A_75, %dma_start3A_76] : memref<640x16xf32, #tpu.memory_space<vmem>> -> memref<128x16xf32, #tpu.memory_space<vmem>>
      %dma_start3A_78 = arith.constant 0 : i32
      %dma_start3A_79 = tpu.memref_slice %arg27[%run_scoped3A_66, %dma_start3A_78] : memref<5x128xi32, #tpu.memory_space<vmem>> -> memref<1x128xi32, #tpu.memory_space<vmem>>
      %dma_start3A_80 = tpu.memref_squeeze %dma_start3A_79 : memref<1x128xi32, #tpu.memory_space<vmem>> -> memref<128xi32, #tpu.memory_space<vmem>>
      %dma_start3A_81 = arith.constant 0 : i32
      %dma_start3A_82 = arith.constant 0 : i32
      %dma_start3A_83 = tpu.memref_slice %arg28[%dma_start3A_81, %dma_start3A_82] : memref<640x16xf32, #tpu.memory_space<vmem_shared>> -> memref<640x16xf32, #tpu.memory_space<vmem_shared>>
      tpu.enqueue_indirect_dma source(%dma_start3A_77 : memref<128x16xf32, #tpu.memory_space<vmem>>) target(%dma_start3A_83 : memref<640x16xf32, #tpu.memory_space<vmem_shared>>) offsets(%dma_start3A_80 : memref<128xi32, #tpu.memory_space<vmem>>) semaphore(%run_scoped3A_74 : memref<!tpu.dma_semaphore, #tpu.memory_space<semaphore_mem>>) {add = true}
      %dma_wait3A_84 = arith.constant 256 : i32
      %dma_wait3A_85 = arith.constant 0 : i32
      %dma_wait3A_86 = tpu.memref_slice %arg26[%dma_wait3A_84, %dma_wait3A_85] : memref<640x16xf32, #tpu.memory_space<vmem>> -> memref<128x16xf32, #tpu.memory_space<vmem>>
      %dma_wait3A_87 = arith.constant 0 : i32
      %dma_wait3A_88 = tpu.memref_slice %arg27[%run_scoped3A_66, %dma_wait3A_87] : memref<5x128xi32, #tpu.memory_space<vmem>> -> memref<1x128xi32, #tpu.memory_space<vmem>>
      %dma_wait3A_89 = tpu.memref_squeeze %dma_wait3A_88 : memref<1x128xi32, #tpu.memory_space<vmem>> -> memref<128xi32, #tpu.memory_space<vmem>>
      %dma_wait3A_90 = arith.constant 0 : i32
      %dma_wait3A_91 = arith.constant 0 : i32
      %dma_wait3A_92 = tpu.memref_slice %arg28[%dma_wait3A_90, %dma_wait3A_91] : memref<640x16xf32, #tpu.memory_space<vmem_shared>> -> memref<640x16xf32, #tpu.memory_space<vmem_shared>>
      tpu.wait_indirect_dma semaphore(%run_scoped3A_74 : memref<!tpu.dma_semaphore, #tpu.memory_space<semaphore_mem>>) src(%dma_wait3A_86 : memref<128x16xf32, #tpu.memory_space<vmem>>) dst(%dma_wait3A_92 : memref<640x16xf32, #tpu.memory_space<vmem_shared>>)
      tpu.yield
    }) : () -> ()
    %run_scoped3A_67 = arith.constant 3 : i32
    "tpu.region"() ({
      %run_scoped3A_74 = tpu.sem_alloc : memref<!tpu.dma_semaphore, #tpu.memory_space<semaphore_mem>>
      %dma_start3A_75 = arith.constant 384 : i32
      %dma_start3A_76 = arith.constant 0 : i32
      %dma_start3A_77 = tpu.memref_slice %arg26[%dma_start3A_75, %dma_start3A_76] : memref<640x16xf32, #tpu.memory_space<vmem>> -> memref<128x16xf32, #tpu.memory_space<vmem>>
      %dma_start3A_78 = arith.constant 0 : i32
      %dma_start3A_79 = tpu.memref_slice %arg27[%run_scoped3A_67, %dma_start3A_78] : memref<5x128xi32, #tpu.memory_space<vmem>> -> memref<1x128xi32, #tpu.memory_space<vmem>>
      %dma_start3A_80 = tpu.memref_squeeze %dma_start3A_79 : memref<1x128xi32, #tpu.memory_space<vmem>> -> memref<128xi32, #tpu.memory_space<vmem>>
      %dma_start3A_81 = arith.constant 0 : i32
      %dma_start3A_82 = arith.constant 0 : i32
      %dma_start3A_83 = tpu.memref_slice %arg28[%dma_start3A_81, %dma_start3A_82] : memref<640x16xf32, #tpu.memory_space<vmem_shared>> -> memref<640x16xf32, #tpu.memory_space<vmem_shared>>
      tpu.enqueue_indirect_dma source(%dma_start3A_77 : memref<128x16xf32, #tpu.memory_space<vmem>>) target(%dma_start3A_83 : memref<640x16xf32, #tpu.memory_space<vmem_shared>>) offsets(%dma_start3A_80 : memref<128xi32, #tpu.memory_space<vmem>>) semaphore(%run_scoped3A_74 : memref<!tpu.dma_semaphore, #tpu.memory_space<semaphore_mem>>) {add = true}
      %dma_wait3A_84 = arith.constant 384 : i32
      %dma_wait3A_85 = arith.constant 0 : i32
      %dma_wait3A_86 = tpu.memref_slice %arg26[%dma_wait3A_84, %dma_wait3A_85] : memref<640x16xf32, #tpu.memory_space<vmem>> -> memref<128x16xf32, #tpu.memory_space<vmem>>
      %dma_wait3A_87 = arith.constant 0 : i32
      %dma_wait3A_88 = tpu.memref_slice %arg27[%run_scoped3A_67, %dma_wait3A_87] : memref<5x128xi32, #tpu.memory_space<vmem>> -> memref<1x128xi32, #tpu.memory_space<vmem>>
      %dma_wait3A_89 = tpu.memref_squeeze %dma_wait3A_88 : memref<1x128xi32, #tpu.memory_space<vmem>> -> memref<128xi32, #tpu.memory_space<vmem>>
      %dma_wait3A_90 = arith.constant 0 : i32
      %dma_wait3A_91 = arith.constant 0 : i32
      %dma_wait3A_92 = tpu.memref_slice %arg28[%dma_wait3A_90, %dma_wait3A_91] : memref<640x16xf32, #tpu.memory_space<vmem_shared>> -> memref<640x16xf32, #tpu.memory_space<vmem_shared>>
      tpu.wait_indirect_dma semaphore(%run_scoped3A_74 : memref<!tpu.dma_semaphore, #tpu.memory_space<semaphore_mem>>) src(%dma_wait3A_86 : memref<128x16xf32, #tpu.memory_space<vmem>>) dst(%dma_wait3A_92 : memref<640x16xf32, #tpu.memory_space<vmem_shared>>)
      tpu.yield
    }) : () -> ()
    %run_scoped3A_68 = arith.constant 4 : i32
    "tpu.region"() ({
      %run_scoped3A_74 = tpu.sem_alloc : memref<!tpu.dma_semaphore, #tpu.memory_space<semaphore_mem>>
      %dma_start3A_75 = arith.constant 512 : i32
      %dma_start3A_76 = arith.constant 0 : i32
      %dma_start3A_77 = tpu.memref_slice %arg26[%dma_start3A_75, %dma_start3A_76] : memref<640x16xf32, #tpu.memory_space<vmem>> -> memref<128x16xf32, #tpu.memory_space<vmem>>
      %dma_start3A_78 = arith.constant 0 : i32
      %dma_start3A_79 = tpu.memref_slice %arg27[%run_scoped3A_68, %dma_start3A_78] : memref<5x128xi32, #tpu.memory_space<vmem>> -> memref<1x128xi32, #tpu.memory_space<vmem>>
      %dma_start3A_80 = tpu.memref_squeeze %dma_start3A_79 : memref<1x128xi32, #tpu.memory_space<vmem>> -> memref<128xi32, #tpu.memory_space<vmem>>
      %dma_start3A_81 = arith.constant 0 : i32
      %dma_start3A_82 = arith.constant 0 : i32
      %dma_start3A_83 = tpu.memref_slice %arg28[%dma_start3A_81, %dma_start3A_82] : memref<640x16xf32, #tpu.memory_space<vmem_shared>> -> memref<640x16xf32, #tpu.memory_space<vmem_shared>>
      tpu.enqueue_indirect_dma source(%dma_start3A_77 : memref<128x16xf32, #tpu.memory_space<vmem>>) target(%dma_start3A_83 : memref<640x16xf32, #tpu.memory_space<vmem_shared>>) offsets(%dma_start3A_80 : memref<128xi32, #tpu.memory_space<vmem>>) semaphore(%run_scoped3A_74 : memref<!tpu.dma_semaphore, #tpu.memory_space<semaphore_mem>>) {add = true}
      %dma_wait3A_84 = arith.constant 512 : i32
      %dma_wait3A_85 = arith.constant 0 : i32
      %dma_wait3A_86 = tpu.memref_slice %arg26[%dma_wait3A_84, %dma_wait3A_85] : memref<640x16xf32, #tpu.memory_space<vmem>> -> memref<128x16xf32, #tpu.memory_space<vmem>>
      %dma_wait3A_87 = arith.constant 0 : i32
      %dma_wait3A_88 = tpu.memref_slice %arg27[%run_scoped3A_68, %dma_wait3A_87] : memref<5x128xi32, #tpu.memory_space<vmem>> -> memref<1x128xi32, #tpu.memory_space<vmem>>
      %dma_wait3A_89 = tpu.memref_squeeze %dma_wait3A_88 : memref<1x128xi32, #tpu.memory_space<vmem>> -> memref<128xi32, #tpu.memory_space<vmem>>
      %dma_wait3A_90 = arith.constant 0 : i32
      %dma_wait3A_91 = arith.constant 0 : i32
      %dma_wait3A_92 = tpu.memref_slice %arg28[%dma_wait3A_90, %dma_wait3A_91] : memref<640x16xf32, #tpu.memory_space<vmem_shared>> -> memref<640x16xf32, #tpu.memory_space<vmem_shared>>
      tpu.wait_indirect_dma semaphore(%run_scoped3A_74 : memref<!tpu.dma_semaphore, #tpu.memory_space<semaphore_mem>>) src(%dma_wait3A_86 : memref<128x16xf32, #tpu.memory_space<vmem>>) dst(%dma_wait3A_92 : memref<640x16xf32, #tpu.memory_space<vmem_shared>>)
      tpu.yield
    }) : () -> ()
    %barrier3A_69 = arith.constant 0 : index
    tpu.barrier barrier_id(%barrier3A_69)
    "tpu.region"() ({
      %run_scoped3A_74 = tpu.sem_alloc : memref<!tpu.dma_semaphore, #tpu.memory_space<semaphore_mem>>
      %dma_start3A_75 = arith.constant 0 : i32
      %dma_start3A_76 = tpu.memref_slice %arg8[%arg0, %mul3A_0, %dma_start3A_75] : memref<2x10112x48xf32, #tpu.memory_space<hbm>> -> memref<1x632x48xf32, #tpu.memory_space<hbm>>
      %dma_start3A_77 = tpu.memref_squeeze %dma_start3A_76 : memref<1x632x48xf32, #tpu.memory_space<hbm>> -> memref<632x48xf32, #tpu.memory_space<hbm>>
      %dma_start3A_78 = arith.constant 0 : i32
      %dma_start3A_79 = tpu.memref_slice %arg16[%mul3A_0, %dma_start3A_78] : memref<10112x48xf32, #tpu.memory_space<vmem_shared>> -> memref<632x48xf32, #tpu.memory_space<vmem_shared>>
      tpu.enqueue_dma source(%dma_start3A_79 : memref<632x48xf32, #tpu.memory_space<vmem_shared>>) target(%dma_start3A_77 : memref<632x48xf32, #tpu.memory_space<hbm>>) target_semaphore(%run_scoped3A_74 : memref<!tpu.dma_semaphore, #tpu.memory_space<semaphore_mem>>)
      %dma_wait3A_80 = arith.constant 0 : i32
      %dma_wait3A_81 = tpu.memref_slice %arg8[%arg0, %mul3A_0, %dma_wait3A_80] : memref<2x10112x48xf32, #tpu.memory_space<hbm>> -> memref<1x632x48xf32, #tpu.memory_space<hbm>>
      %dma_wait3A_82 = tpu.memref_squeeze %dma_wait3A_81 : memref<1x632x48xf32, #tpu.memory_space<hbm>> -> memref<632x48xf32, #tpu.memory_space<hbm>>
      %dma_wait3A_83 = arith.constant 0 : i32
      %dma_wait3A_84 = tpu.memref_slice %arg16[%mul3A_0, %dma_wait3A_83] : memref<10112x48xf32, #tpu.memory_space<vmem_shared>> -> memref<632x48xf32, #tpu.memory_space<vmem_shared>>
      tpu.wait_dma2 semaphore(%run_scoped3A_74 : memref<!tpu.dma_semaphore, #tpu.memory_space<semaphore_mem>>) src(%dma_wait3A_84 : memref<632x48xf32, #tpu.memory_space<vmem_shared>>) dst(%dma_wait3A_82 : memref<632x48xf32, #tpu.memory_space<hbm>>)
      tpu.yield
    }) : () -> ()
    %mul3A_70 = arith.constant 40 : i32
    %mul3A_71 = arith.muli %arg1, %mul3A_70 : i32
    %mul3A_72 = arith.constant 40 : i32
    %mul3A_73 = arith.muli %arg1, %mul3A_72 : i32
    "tpu.region"() ({
      %run_scoped3A_74 = tpu.sem_alloc : memref<!tpu.dma_semaphore, #tpu.memory_space<semaphore_mem>>
      %dma_start3A_75 = arith.constant 0 : i32
      %dma_start3A_76 = tpu.memref_slice %arg9[%arg0, %mul3A_73, %dma_start3A_75] : memref<2x640x16xf32, #tpu.memory_space<hbm>> -> memref<1x40x16xf32, #tpu.memory_space<hbm>>
      %dma_start3A_77 = tpu.memref_squeeze %dma_start3A_76 : memref<1x40x16xf32, #tpu.memory_space<hbm>> -> memref<40x16xf32, #tpu.memory_space<hbm>>
      %dma_start3A_78 = arith.constant 0 : i32
      %dma_start3A_79 = tpu.memref_slice %arg28[%mul3A_71, %dma_start3A_78] : memref<640x16xf32, #tpu.memory_space<vmem_shared>> -> memref<40x16xf32, #tpu.memory_space<vmem_shared>>
      tpu.enqueue_dma source(%dma_start3A_79 : memref<40x16xf32, #tpu.memory_space<vmem_shared>>) target(%dma_start3A_77 : memref<40x16xf32, #tpu.memory_space<hbm>>) target_semaphore(%run_scoped3A_74 : memref<!tpu.dma_semaphore, #tpu.memory_space<semaphore_mem>>)
      %dma_wait3A_80 = arith.constant 0 : i32
      %dma_wait3A_81 = tpu.memref_slice %arg9[%arg0, %mul3A_73, %dma_wait3A_80] : memref<2x640x16xf32, #tpu.memory_space<hbm>> -> memref<1x40x16xf32, #tpu.memory_space<hbm>>
      %dma_wait3A_82 = tpu.memref_squeeze %dma_wait3A_81 : memref<1x40x16xf32, #tpu.memory_space<hbm>> -> memref<40x16xf32, #tpu.memory_space<hbm>>
      %dma_wait3A_83 = arith.constant 0 : i32
      %dma_wait3A_84 = tpu.memref_slice %arg28[%mul3A_71, %dma_wait3A_83] : memref<640x16xf32, #tpu.memory_space<vmem_shared>> -> memref<40x16xf32, #tpu.memory_space<vmem_shared>>
      tpu.wait_dma2 semaphore(%run_scoped3A_74 : memref<!tpu.dma_semaphore, #tpu.memory_space<semaphore_mem>>) src(%dma_wait3A_84 : memref<40x16xf32, #tpu.memory_space<vmem_shared>>) dst(%dma_wait3A_82 : memref<40x16xf32, #tpu.memory_space<hbm>>)
      tpu.yield
    }) : () -> ()
    return
  }
}

#map = affine_map<(d0, d1) -> (0, 0)>
#map1 = affine_map<(d0, d1) -> (0, 0, 0, 0)>
#map2 = affine_map<(d0, d1) -> (0, 0, 0)>
module attributes {stable_mosaic.version = 14 : i64} {
  func.func @body(%arg0: i32, %arg1: i32, %arg2: memref<10000x48xf32, #tpu.memory_space<hbm>>, %arg3: memref<2x16x80x128xi32, #tpu.memory_space<hbm>>, %arg4: memref<2x16x80x128xi32, #tpu.memory_space<hbm>>, %arg5: memref<10112x48xf32, #tpu.memory_space<hbm>>, %arg6: memref<2x10112x48xf32, #tpu.memory_space<hbm>>, %arg7: memref<80x128xi32, #tpu.memory_space<vmem>>, %arg8: memref<80x128xi32, #tpu.memory_space<vmem>>, %arg9: memref<128x48xf32, #tpu.memory_space<vmem>>, %arg10: memref<128x48xf32, #tpu.memory_space<vmem>>, %arg11: memref<128x48xf32, #tpu.memory_space<vmem>>, %arg12: memref<128x48xf32, #tpu.memory_space<vmem>>, %arg13: memref<10112x48xf32, #tpu.memory_space<vmem_shared>>, %arg14: memref<10112x48xf32, #tpu.memory_space<vmem_shared>>, %arg15: memref<!tpu.dma_semaphore, #tpu.memory_space<semaphore_mem>>, %arg16: memref<!tpu.dma_semaphore, #tpu.memory_space<semaphore_mem>>, %arg17: memref<!tpu.dma_semaphore, #tpu.memory_space<semaphore_mem>>, %arg18: memref<!tpu.dma_semaphore, #tpu.memory_space<semaphore_mem>>, %arg19: memref<!tpu.dma_semaphore, #tpu.memory_space<semaphore_mem>>, %arg20: memref<!tpu.dma_semaphore, #tpu.memory_space<semaphore_mem>>, %arg21: memref<!tpu.dma_semaphore, #tpu.memory_space<semaphore_mem>>, %arg22: memref<!tpu.dma_semaphore, #tpu.memory_space<semaphore_mem>>) attributes {dimension_semantics = [#tpu.dimension_semantics<core_parallel>, #tpu.dimension_semantics<subcore_parallel>], iteration_bounds = array<i64: 2, 16>, scalar_prefetch = 0 : i64, scratch_operands = 16 : i64, tpu.core_type = #tpu.core_type<sc_vector_subcore>, window_params = [{transform_indices = #map}, {transform_indices = #map1}, {transform_indices = #map1}, {transform_indices = #map}, {transform_indices = #map2}]} {
    %mul3A = arith.constant 632 : i32
    %mul3A_0 = arith.muli %arg1, %mul3A : i32
    "tpu.region"() ({
      %run_scoped3A = tpu.sem_alloc : memref<!tpu.dma_semaphore, #tpu.memory_space<semaphore_mem>>
      %dma_start3A_62 = arith.constant 0 : i32
      %dma_start3A_63 = tpu.memref_slice %arg13[%mul3A_0, %dma_start3A_62] : memref<10112x48xf32, #tpu.memory_space<vmem_shared>> -> memref<632x48xf32, #tpu.memory_space<vmem_shared>>
      %dma_start3A_64 = arith.constant 0 : i32
      %dma_start3A_65 = tpu.memref_slice %arg5[%mul3A_0, %dma_start3A_64] : memref<10112x48xf32, #tpu.memory_space<hbm>> -> memref<632x48xf32, #tpu.memory_space<hbm>>
      tpu.enqueue_dma source(%dma_start3A_65 : memref<632x48xf32, #tpu.memory_space<hbm>>) target(%dma_start3A_63 : memref<632x48xf32, #tpu.memory_space<vmem_shared>>) target_semaphore(%run_scoped3A : memref<!tpu.dma_semaphore, #tpu.memory_space<semaphore_mem>>)
      %dma_wait3A_66 = arith.constant 0 : i32
      %dma_wait3A_67 = tpu.memref_slice %arg13[%mul3A_0, %dma_wait3A_66] : memref<10112x48xf32, #tpu.memory_space<vmem_shared>> -> memref<632x48xf32, #tpu.memory_space<vmem_shared>>
      %dma_wait3A_68 = arith.constant 0 : i32
      %dma_wait3A_69 = tpu.memref_slice %arg5[%mul3A_0, %dma_wait3A_68] : memref<10112x48xf32, #tpu.memory_space<hbm>> -> memref<632x48xf32, #tpu.memory_space<hbm>>
      tpu.wait_dma2 semaphore(%run_scoped3A : memref<!tpu.dma_semaphore, #tpu.memory_space<semaphore_mem>>) src(%dma_wait3A_69 : memref<632x48xf32, #tpu.memory_space<hbm>>) dst(%dma_wait3A_67 : memref<632x48xf32, #tpu.memory_space<vmem_shared>>)
      tpu.yield
    }) : () -> ()
    %mul3A_1 = arith.constant 624 : i32
    %mul3A_2 = arith.muli %arg1, %mul3A_1 : i32
    %lt3A = arith.constant 15 : i32
    %lt3A_3 = arith.cmpi slt, %arg1, %lt3A : i32
    %convert_element_type3A = arith.extui %lt3A_3 : i1 to i32
    %cond3A = arith.constant 0 : i32
    %cond3A_4 = arith.cmpi ne, %convert_element_type3A, %cond3A : i32
    scf.if %cond3A_4 {
      "tpu.region"() ({
        %run_scoped3A = tpu.sem_alloc : memref<!tpu.dma_semaphore, #tpu.memory_space<semaphore_mem>>
        %dma_start3A_62 = arith.constant 0 : i32
        %dma_start3A_63 = tpu.memref_slice %arg14[%mul3A_2, %dma_start3A_62] : memref<10112x48xf32, #tpu.memory_space<vmem_shared>> -> memref<624x48xf32, #tpu.memory_space<vmem_shared>>
        %dma_start3A_64 = arith.constant 0 : i32
        %dma_start3A_65 = tpu.memref_slice %arg2[%mul3A_2, %dma_start3A_64] : memref<10000x48xf32, #tpu.memory_space<hbm>> -> memref<624x48xf32, #tpu.memory_space<hbm>>
        tpu.enqueue_dma source(%dma_start3A_65 : memref<624x48xf32, #tpu.memory_space<hbm>>) target(%dma_start3A_63 : memref<624x48xf32, #tpu.memory_space<vmem_shared>>) target_semaphore(%run_scoped3A : memref<!tpu.dma_semaphore, #tpu.memory_space<semaphore_mem>>)
        %dma_wait3A_66 = arith.constant 0 : i32
        %dma_wait3A_67 = tpu.memref_slice %arg14[%mul3A_2, %dma_wait3A_66] : memref<10112x48xf32, #tpu.memory_space<vmem_shared>> -> memref<624x48xf32, #tpu.memory_space<vmem_shared>>
        %dma_wait3A_68 = arith.constant 0 : i32
        %dma_wait3A_69 = tpu.memref_slice %arg2[%mul3A_2, %dma_wait3A_68] : memref<10000x48xf32, #tpu.memory_space<hbm>> -> memref<624x48xf32, #tpu.memory_space<hbm>>
        tpu.wait_dma2 semaphore(%run_scoped3A : memref<!tpu.dma_semaphore, #tpu.memory_space<semaphore_mem>>) src(%dma_wait3A_69 : memref<624x48xf32, #tpu.memory_space<hbm>>) dst(%dma_wait3A_67 : memref<624x48xf32, #tpu.memory_space<vmem_shared>>)
        tpu.yield
      }) : () -> ()
    } else {
    }
    %eq3A = arith.constant 15 : i32
    %eq3A_5 = arith.cmpi eq, %arg1, %eq3A : i32
    %convert_element_type3A_6 = arith.extui %eq3A_5 : i1 to i32
    %cond3A_7 = arith.constant 0 : i32
    %cond3A_8 = arith.cmpi ne, %convert_element_type3A_6, %cond3A_7 : i32
    scf.if %cond3A_8 {
      "tpu.region"() ({
        %run_scoped3A = tpu.sem_alloc : memref<!tpu.dma_semaphore, #tpu.memory_space<semaphore_mem>>
        %dma_start3A_62 = arith.constant 9360 : i32
        %dma_start3A_63 = arith.constant 0 : i32
        %dma_start3A_64 = tpu.memref_slice %arg14[%dma_start3A_62, %dma_start3A_63] : memref<10112x48xf32, #tpu.memory_space<vmem_shared>> -> memref<640x48xf32, #tpu.memory_space<vmem_shared>>
        %dma_start3A_65 = arith.constant 9360 : i32
        %dma_start3A_66 = arith.constant 0 : i32
        %dma_start3A_67 = tpu.memref_slice %arg2[%dma_start3A_65, %dma_start3A_66] : memref<10000x48xf32, #tpu.memory_space<hbm>> -> memref<640x48xf32, #tpu.memory_space<hbm>>
        tpu.enqueue_dma source(%dma_start3A_67 : memref<640x48xf32, #tpu.memory_space<hbm>>) target(%dma_start3A_64 : memref<640x48xf32, #tpu.memory_space<vmem_shared>>) target_semaphore(%run_scoped3A : memref<!tpu.dma_semaphore, #tpu.memory_space<semaphore_mem>>)
        %dma_wait3A_68 = arith.constant 9360 : i32
        %dma_wait3A_69 = arith.constant 0 : i32
        %dma_wait3A_70 = tpu.memref_slice %arg14[%dma_wait3A_68, %dma_wait3A_69] : memref<10112x48xf32, #tpu.memory_space<vmem_shared>> -> memref<640x48xf32, #tpu.memory_space<vmem_shared>>
        %dma_wait3A_71 = arith.constant 9360 : i32
        %dma_wait3A_72 = arith.constant 0 : i32
        %dma_wait3A_73 = tpu.memref_slice %arg2[%dma_wait3A_71, %dma_wait3A_72] : memref<10000x48xf32, #tpu.memory_space<hbm>> -> memref<640x48xf32, #tpu.memory_space<hbm>>
        tpu.wait_dma2 semaphore(%run_scoped3A : memref<!tpu.dma_semaphore, #tpu.memory_space<semaphore_mem>>) src(%dma_wait3A_73 : memref<640x48xf32, #tpu.memory_space<hbm>>) dst(%dma_wait3A_70 : memref<640x48xf32, #tpu.memory_space<vmem_shared>>)
        tpu.yield
      }) : () -> ()
    } else {
    }
    "tpu.region"() ({
      %run_scoped3A = tpu.sem_alloc : memref<!tpu.dma_semaphore, #tpu.memory_space<semaphore_mem>>
      %dma_start3A_62 = arith.constant 0 : i32
      %dma_start3A_63 = arith.constant 0 : i32
      %dma_start3A_64 = tpu.memref_slice %arg3[%arg0, %arg1, %dma_start3A_62, %dma_start3A_63] : memref<2x16x80x128xi32, #tpu.memory_space<hbm>> -> memref<1x1x80x128xi32, #tpu.memory_space<hbm>>
      %dma_start3A_65 = tpu.memref_squeeze %dma_start3A_64 : memref<1x1x80x128xi32, #tpu.memory_space<hbm>> -> memref<80x128xi32, #tpu.memory_space<hbm>>
      %dma_start3A_66 = arith.constant 0 : i32
      %dma_start3A_67 = arith.constant 0 : i32
      %dma_start3A_68 = tpu.memref_slice %arg3[%arg0, %arg1, %dma_start3A_66, %dma_start3A_67] : memref<2x16x80x128xi32, #tpu.memory_space<hbm>> -> memref<1x1x80x128xi32, #tpu.memory_space<hbm>>
      %dma_start3A_69 = tpu.memref_squeeze %dma_start3A_68 : memref<1x1x80x128xi32, #tpu.memory_space<hbm>> -> memref<80x128xi32, #tpu.memory_space<hbm>>
      tpu.enqueue_dma source(%dma_start3A_69 : memref<80x128xi32, #tpu.memory_space<hbm>>) target(%arg7 : memref<80x128xi32, #tpu.memory_space<vmem>>) target_semaphore(%run_scoped3A : memref<!tpu.dma_semaphore, #tpu.memory_space<semaphore_mem>>)
      %dma_wait3A_70 = arith.constant 0 : i32
      %dma_wait3A_71 = arith.constant 0 : i32
      %dma_wait3A_72 = tpu.memref_slice %arg3[%arg0, %arg1, %dma_wait3A_70, %dma_wait3A_71] : memref<2x16x80x128xi32, #tpu.memory_space<hbm>> -> memref<1x1x80x128xi32, #tpu.memory_space<hbm>>
      %dma_wait3A_73 = tpu.memref_squeeze %dma_wait3A_72 : memref<1x1x80x128xi32, #tpu.memory_space<hbm>> -> memref<80x128xi32, #tpu.memory_space<hbm>>
      %dma_wait3A_74 = arith.constant 0 : i32
      %dma_wait3A_75 = arith.constant 0 : i32
      %dma_wait3A_76 = tpu.memref_slice %arg3[%arg0, %arg1, %dma_wait3A_74, %dma_wait3A_75] : memref<2x16x80x128xi32, #tpu.memory_space<hbm>> -> memref<1x1x80x128xi32, #tpu.memory_space<hbm>>
      %dma_wait3A_77 = tpu.memref_squeeze %dma_wait3A_76 : memref<1x1x80x128xi32, #tpu.memory_space<hbm>> -> memref<80x128xi32, #tpu.memory_space<hbm>>
      tpu.wait_dma2 semaphore(%run_scoped3A : memref<!tpu.dma_semaphore, #tpu.memory_space<semaphore_mem>>) src(%dma_wait3A_77 : memref<80x128xi32, #tpu.memory_space<hbm>>) dst(%arg7 : memref<80x128xi32, #tpu.memory_space<vmem>>)
      tpu.yield
    }) : () -> ()
    "tpu.region"() ({
      %run_scoped3A = tpu.sem_alloc : memref<!tpu.dma_semaphore, #tpu.memory_space<semaphore_mem>>
      %dma_start3A_62 = arith.constant 0 : i32
      %dma_start3A_63 = arith.constant 0 : i32
      %dma_start3A_64 = tpu.memref_slice %arg4[%arg0, %arg1, %dma_start3A_62, %dma_start3A_63] : memref<2x16x80x128xi32, #tpu.memory_space<hbm>> -> memref<1x1x80x128xi32, #tpu.memory_space<hbm>>
      %dma_start3A_65 = tpu.memref_squeeze %dma_start3A_64 : memref<1x1x80x128xi32, #tpu.memory_space<hbm>> -> memref<80x128xi32, #tpu.memory_space<hbm>>
      %dma_start3A_66 = arith.constant 0 : i32
      %dma_start3A_67 = arith.constant 0 : i32
      %dma_start3A_68 = tpu.memref_slice %arg4[%arg0, %arg1, %dma_start3A_66, %dma_start3A_67] : memref<2x16x80x128xi32, #tpu.memory_space<hbm>> -> memref<1x1x80x128xi32, #tpu.memory_space<hbm>>
      %dma_start3A_69 = tpu.memref_squeeze %dma_start3A_68 : memref<1x1x80x128xi32, #tpu.memory_space<hbm>> -> memref<80x128xi32, #tpu.memory_space<hbm>>
      tpu.enqueue_dma source(%dma_start3A_69 : memref<80x128xi32, #tpu.memory_space<hbm>>) target(%arg8 : memref<80x128xi32, #tpu.memory_space<vmem>>) target_semaphore(%run_scoped3A : memref<!tpu.dma_semaphore, #tpu.memory_space<semaphore_mem>>)
      %dma_wait3A_70 = arith.constant 0 : i32
      %dma_wait3A_71 = arith.constant 0 : i32
      %dma_wait3A_72 = tpu.memref_slice %arg4[%arg0, %arg1, %dma_wait3A_70, %dma_wait3A_71] : memref<2x16x80x128xi32, #tpu.memory_space<hbm>> -> memref<1x1x80x128xi32, #tpu.memory_space<hbm>>
      %dma_wait3A_73 = tpu.memref_squeeze %dma_wait3A_72 : memref<1x1x80x128xi32, #tpu.memory_space<hbm>> -> memref<80x128xi32, #tpu.memory_space<hbm>>
      %dma_wait3A_74 = arith.constant 0 : i32
      %dma_wait3A_75 = arith.constant 0 : i32
      %dma_wait3A_76 = tpu.memref_slice %arg4[%arg0, %arg1, %dma_wait3A_74, %dma_wait3A_75] : memref<2x16x80x128xi32, #tpu.memory_space<hbm>> -> memref<1x1x80x128xi32, #tpu.memory_space<hbm>>
      %dma_wait3A_77 = tpu.memref_squeeze %dma_wait3A_76 : memref<1x1x80x128xi32, #tpu.memory_space<hbm>> -> memref<80x128xi32, #tpu.memory_space<hbm>>
      tpu.wait_dma2 semaphore(%run_scoped3A : memref<!tpu.dma_semaphore, #tpu.memory_space<semaphore_mem>>) src(%dma_wait3A_77 : memref<80x128xi32, #tpu.memory_space<hbm>>) dst(%arg8 : memref<80x128xi32, #tpu.memory_space<vmem>>)
      tpu.yield
    }) : () -> ()
    %barrier3A = arith.constant 0 : index
    tpu.barrier barrier_id(%barrier3A)
    %dma_start3A = arith.constant 0 : i32
    %dma_start3A_9 = arith.constant 0 : i32
    %dma_start3A_10 = tpu.memref_slice %arg7[%dma_start3A, %dma_start3A_9] : memref<80x128xi32, #tpu.memory_space<vmem>> -> memref<1x128xi32, #tpu.memory_space<vmem>>
    %dma_start3A_11 = tpu.memref_squeeze %dma_start3A_10 : memref<1x128xi32, #tpu.memory_space<vmem>> -> memref<128xi32, #tpu.memory_space<vmem>>
    %dma_start3A_12 = arith.constant 0 : i32
    %dma_start3A_13 = arith.constant 0 : i32
    %dma_start3A_14 = tpu.memref_slice %arg14[%dma_start3A_12, %dma_start3A_13] : memref<10112x48xf32, #tpu.memory_space<vmem_shared>> -> memref<10112x48xf32, #tpu.memory_space<vmem_shared>>
    tpu.enqueue_indirect_dma source(%dma_start3A_14 : memref<10112x48xf32, #tpu.memory_space<vmem_shared>>) target(%arg9 : memref<128x48xf32, #tpu.memory_space<vmem>>) offsets(%dma_start3A_11 : memref<128xi32, #tpu.memory_space<vmem>>) semaphore(%arg15 : memref<!tpu.dma_semaphore, #tpu.memory_space<semaphore_mem>>)
    %dma_start3A_15 = arith.constant 1 : i32
    %dma_start3A_16 = arith.constant 0 : i32
    %dma_start3A_17 = tpu.memref_slice %arg7[%dma_start3A_15, %dma_start3A_16] : memref<80x128xi32, #tpu.memory_space<vmem>> -> memref<1x128xi32, #tpu.memory_space<vmem>>
    %dma_start3A_18 = tpu.memref_squeeze %dma_start3A_17 : memref<1x128xi32, #tpu.memory_space<vmem>> -> memref<128xi32, #tpu.memory_space<vmem>>
    %dma_start3A_19 = arith.constant 0 : i32
    %dma_start3A_20 = arith.constant 0 : i32
    %dma_start3A_21 = tpu.memref_slice %arg14[%dma_start3A_19, %dma_start3A_20] : memref<10112x48xf32, #tpu.memory_space<vmem_shared>> -> memref<10112x48xf32, #tpu.memory_space<vmem_shared>>
    tpu.enqueue_indirect_dma source(%dma_start3A_21 : memref<10112x48xf32, #tpu.memory_space<vmem_shared>>) target(%arg10 : memref<128x48xf32, #tpu.memory_space<vmem>>) offsets(%dma_start3A_18 : memref<128xi32, #tpu.memory_space<vmem>>) semaphore(%arg16 : memref<!tpu.dma_semaphore, #tpu.memory_space<semaphore_mem>>)
    %dma_start3A_22 = arith.constant 2 : i32
    %dma_start3A_23 = arith.constant 0 : i32
    %dma_start3A_24 = tpu.memref_slice %arg7[%dma_start3A_22, %dma_start3A_23] : memref<80x128xi32, #tpu.memory_space<vmem>> -> memref<1x128xi32, #tpu.memory_space<vmem>>
    %dma_start3A_25 = tpu.memref_squeeze %dma_start3A_24 : memref<1x128xi32, #tpu.memory_space<vmem>> -> memref<128xi32, #tpu.memory_space<vmem>>
    %dma_start3A_26 = arith.constant 0 : i32
    %dma_start3A_27 = arith.constant 0 : i32
    %dma_start3A_28 = tpu.memref_slice %arg14[%dma_start3A_26, %dma_start3A_27] : memref<10112x48xf32, #tpu.memory_space<vmem_shared>> -> memref<10112x48xf32, #tpu.memory_space<vmem_shared>>
    tpu.enqueue_indirect_dma source(%dma_start3A_28 : memref<10112x48xf32, #tpu.memory_space<vmem_shared>>) target(%arg11 : memref<128x48xf32, #tpu.memory_space<vmem>>) offsets(%dma_start3A_25 : memref<128xi32, #tpu.memory_space<vmem>>) semaphore(%arg17 : memref<!tpu.dma_semaphore, #tpu.memory_space<semaphore_mem>>)
    %scan3A = arith.constant 0 : i32
    %scan3A_29 = arith.constant 0 : i32
    %scan3A_30 = arith.constant 20 : i32
    %scan3A_31 = arith.addi %scan3A_29, %scan3A_30 : i32
    %scan3A_32 = arith.constant 1 : i32
    scf.for %scan3A_62 = %scan3A_29 to %scan3A_31 step %scan3A_32  : i32 {
      %mul3A_63 = arith.constant 4 : i32
      %mul3A_64 = arith.muli %mul3A_63, %scan3A_62 : i32
      %add3A = arith.constant 0 : i32
      %add3A_65 = arith.addi %mul3A_64, %add3A : i32
      %add3A_66 = arith.constant 3 : i32
      %add3A_67 = arith.addi %add3A_65, %add3A_66 : i32
      %lt3A_68 = arith.constant 80 : i32
      %lt3A_69 = arith.cmpi slt, %add3A_67, %lt3A_68 : i32
      %convert_element_type3A_70 = arith.extui %lt3A_69 : i1 to i32
      %cond3A_71 = arith.constant 0 : i32
      %cond3A_72 = arith.cmpi ne, %convert_element_type3A_70, %cond3A_71 : i32
      scf.if %cond3A_72 {
        %ge3A = arith.constant 4 : i32
        %ge3A_154 = arith.cmpi sge, %add3A_67, %ge3A : i32
        %convert_element_type3A_155 = arith.extui %ge3A_154 : i1 to i32
        %cond3A_156 = arith.constant 0 : i32
        %cond3A_157 = arith.cmpi ne, %convert_element_type3A_155, %cond3A_156 : i32
        scf.if %cond3A_157 {
          %dma_wait3A_164 = arith.constant 0 : i32
          %dma_wait3A_165 = arith.constant 0 : i32
          %dma_wait3A_166 = tpu.memref_slice %arg8[%dma_wait3A_164, %dma_wait3A_165] : memref<80x128xi32, #tpu.memory_space<vmem>> -> memref<1x128xi32, #tpu.memory_space<vmem>>
          %dma_wait3A_167 = tpu.memref_squeeze %dma_wait3A_166 : memref<1x128xi32, #tpu.memory_space<vmem>> -> memref<128xi32, #tpu.memory_space<vmem>>
          %dma_wait3A_168 = arith.constant 0 : i32
          %dma_wait3A_169 = arith.constant 0 : i32
          %dma_wait3A_170 = tpu.memref_slice %arg13[%dma_wait3A_168, %dma_wait3A_169] : memref<10112x48xf32, #tpu.memory_space<vmem_shared>> -> memref<10112x48xf32, #tpu.memory_space<vmem_shared>>
          tpu.wait_indirect_dma semaphore(%arg22 : memref<!tpu.dma_semaphore, #tpu.memory_space<semaphore_mem>>) src(%arg12 : memref<128x48xf32, #tpu.memory_space<vmem>>) dst(%dma_wait3A_170 : memref<10112x48xf32, #tpu.memory_space<vmem_shared>>)
        } else {
        }
        %dma_start3A_158 = arith.constant 0 : i32
        %dma_start3A_159 = tpu.memref_slice %arg7[%add3A_67, %dma_start3A_158] : memref<80x128xi32, #tpu.memory_space<vmem>> -> memref<1x128xi32, #tpu.memory_space<vmem>>
        %dma_start3A_160 = tpu.memref_squeeze %dma_start3A_159 : memref<1x128xi32, #tpu.memory_space<vmem>> -> memref<128xi32, #tpu.memory_space<vmem>>
        %dma_start3A_161 = arith.constant 0 : i32
        %dma_start3A_162 = arith.constant 0 : i32
        %dma_start3A_163 = tpu.memref_slice %arg14[%dma_start3A_161, %dma_start3A_162] : memref<10112x48xf32, #tpu.memory_space<vmem_shared>> -> memref<10112x48xf32, #tpu.memory_space<vmem_shared>>
        tpu.enqueue_indirect_dma source(%dma_start3A_163 : memref<10112x48xf32, #tpu.memory_space<vmem_shared>>) target(%arg12 : memref<128x48xf32, #tpu.memory_space<vmem>>) offsets(%dma_start3A_160 : memref<128xi32, #tpu.memory_space<vmem>>) semaphore(%arg18 : memref<!tpu.dma_semaphore, #tpu.memory_space<semaphore_mem>>)
      } else {
      }
      %dma_wait3A_73 = arith.constant 0 : i32
      %dma_wait3A_74 = tpu.memref_slice %arg7[%add3A_65, %dma_wait3A_73] : memref<80x128xi32, #tpu.memory_space<vmem>> -> memref<1x128xi32, #tpu.memory_space<vmem>>
      %dma_wait3A_75 = tpu.memref_squeeze %dma_wait3A_74 : memref<1x128xi32, #tpu.memory_space<vmem>> -> memref<128xi32, #tpu.memory_space<vmem>>
      %dma_wait3A_76 = arith.constant 0 : i32
      %dma_wait3A_77 = arith.constant 0 : i32
      %dma_wait3A_78 = tpu.memref_slice %arg14[%dma_wait3A_76, %dma_wait3A_77] : memref<10112x48xf32, #tpu.memory_space<vmem_shared>> -> memref<10112x48xf32, #tpu.memory_space<vmem_shared>>
      tpu.wait_indirect_dma semaphore(%arg15 : memref<!tpu.dma_semaphore, #tpu.memory_space<semaphore_mem>>) src(%dma_wait3A_78 : memref<10112x48xf32, #tpu.memory_space<vmem_shared>>) dst(%arg9 : memref<128x48xf32, #tpu.memory_space<vmem>>)
      %dma_start3A_79 = arith.constant 0 : i32
      %dma_start3A_80 = tpu.memref_slice %arg8[%add3A_65, %dma_start3A_79] : memref<80x128xi32, #tpu.memory_space<vmem>> -> memref<1x128xi32, #tpu.memory_space<vmem>>
      %dma_start3A_81 = tpu.memref_squeeze %dma_start3A_80 : memref<1x128xi32, #tpu.memory_space<vmem>> -> memref<128xi32, #tpu.memory_space<vmem>>
      %dma_start3A_82 = arith.constant 0 : i32
      %dma_start3A_83 = arith.constant 0 : i32
      %dma_start3A_84 = tpu.memref_slice %arg13[%dma_start3A_82, %dma_start3A_83] : memref<10112x48xf32, #tpu.memory_space<vmem_shared>> -> memref<10112x48xf32, #tpu.memory_space<vmem_shared>>
      tpu.enqueue_indirect_dma source(%arg9 : memref<128x48xf32, #tpu.memory_space<vmem>>) target(%dma_start3A_84 : memref<10112x48xf32, #tpu.memory_space<vmem_shared>>) offsets(%dma_start3A_81 : memref<128xi32, #tpu.memory_space<vmem>>) semaphore(%arg19 : memref<!tpu.dma_semaphore, #tpu.memory_space<semaphore_mem>>) {add = true}
      %mul3A_85 = arith.constant 4 : i32
      %mul3A_86 = arith.muli %mul3A_85, %scan3A_62 : i32
      %add3A_87 = arith.constant 1 : i32
      %add3A_88 = arith.addi %mul3A_86, %add3A_87 : i32
      %add3A_89 = arith.constant 3 : i32
      %add3A_90 = arith.addi %add3A_88, %add3A_89 : i32
      %lt3A_91 = arith.constant 80 : i32
      %lt3A_92 = arith.cmpi slt, %add3A_90, %lt3A_91 : i32
      %convert_element_type3A_93 = arith.extui %lt3A_92 : i1 to i32
      %cond3A_94 = arith.constant 0 : i32
      %cond3A_95 = arith.cmpi ne, %convert_element_type3A_93, %cond3A_94 : i32
      scf.if %cond3A_95 {
        %ge3A = arith.constant 4 : i32
        %ge3A_154 = arith.cmpi sge, %add3A_90, %ge3A : i32
        %convert_element_type3A_155 = arith.extui %ge3A_154 : i1 to i32
        %cond3A_156 = arith.constant 0 : i32
        %cond3A_157 = arith.cmpi ne, %convert_element_type3A_155, %cond3A_156 : i32
        scf.if %cond3A_157 {
          %dma_wait3A_164 = arith.constant 0 : i32
          %dma_wait3A_165 = arith.constant 0 : i32
          %dma_wait3A_166 = tpu.memref_slice %arg8[%dma_wait3A_164, %dma_wait3A_165] : memref<80x128xi32, #tpu.memory_space<vmem>> -> memref<1x128xi32, #tpu.memory_space<vmem>>
          %dma_wait3A_167 = tpu.memref_squeeze %dma_wait3A_166 : memref<1x128xi32, #tpu.memory_space<vmem>> -> memref<128xi32, #tpu.memory_space<vmem>>
          %dma_wait3A_168 = arith.constant 0 : i32
          %dma_wait3A_169 = arith.constant 0 : i32
          %dma_wait3A_170 = tpu.memref_slice %arg13[%dma_wait3A_168, %dma_wait3A_169] : memref<10112x48xf32, #tpu.memory_space<vmem_shared>> -> memref<10112x48xf32, #tpu.memory_space<vmem_shared>>
          tpu.wait_indirect_dma semaphore(%arg19 : memref<!tpu.dma_semaphore, #tpu.memory_space<semaphore_mem>>) src(%arg9 : memref<128x48xf32, #tpu.memory_space<vmem>>) dst(%dma_wait3A_170 : memref<10112x48xf32, #tpu.memory_space<vmem_shared>>)
        } else {
        }
        %dma_start3A_158 = arith.constant 0 : i32
        %dma_start3A_159 = tpu.memref_slice %arg7[%add3A_90, %dma_start3A_158] : memref<80x128xi32, #tpu.memory_space<vmem>> -> memref<1x128xi32, #tpu.memory_space<vmem>>
        %dma_start3A_160 = tpu.memref_squeeze %dma_start3A_159 : memref<1x128xi32, #tpu.memory_space<vmem>> -> memref<128xi32, #tpu.memory_space<vmem>>
        %dma_start3A_161 = arith.constant 0 : i32
        %dma_start3A_162 = arith.constant 0 : i32
        %dma_start3A_163 = tpu.memref_slice %arg14[%dma_start3A_161, %dma_start3A_162] : memref<10112x48xf32, #tpu.memory_space<vmem_shared>> -> memref<10112x48xf32, #tpu.memory_space<vmem_shared>>
        tpu.enqueue_indirect_dma source(%dma_start3A_163 : memref<10112x48xf32, #tpu.memory_space<vmem_shared>>) target(%arg9 : memref<128x48xf32, #tpu.memory_space<vmem>>) offsets(%dma_start3A_160 : memref<128xi32, #tpu.memory_space<vmem>>) semaphore(%arg15 : memref<!tpu.dma_semaphore, #tpu.memory_space<semaphore_mem>>)
      } else {
      }
      %dma_wait3A_96 = arith.constant 0 : i32
      %dma_wait3A_97 = tpu.memref_slice %arg7[%add3A_88, %dma_wait3A_96] : memref<80x128xi32, #tpu.memory_space<vmem>> -> memref<1x128xi32, #tpu.memory_space<vmem>>
      %dma_wait3A_98 = tpu.memref_squeeze %dma_wait3A_97 : memref<1x128xi32, #tpu.memory_space<vmem>> -> memref<128xi32, #tpu.memory_space<vmem>>
      %dma_wait3A_99 = arith.constant 0 : i32
      %dma_wait3A_100 = arith.constant 0 : i32
      %dma_wait3A_101 = tpu.memref_slice %arg14[%dma_wait3A_99, %dma_wait3A_100] : memref<10112x48xf32, #tpu.memory_space<vmem_shared>> -> memref<10112x48xf32, #tpu.memory_space<vmem_shared>>
      tpu.wait_indirect_dma semaphore(%arg16 : memref<!tpu.dma_semaphore, #tpu.memory_space<semaphore_mem>>) src(%dma_wait3A_101 : memref<10112x48xf32, #tpu.memory_space<vmem_shared>>) dst(%arg10 : memref<128x48xf32, #tpu.memory_space<vmem>>)
      %dma_start3A_102 = arith.constant 0 : i32
      %dma_start3A_103 = tpu.memref_slice %arg8[%add3A_88, %dma_start3A_102] : memref<80x128xi32, #tpu.memory_space<vmem>> -> memref<1x128xi32, #tpu.memory_space<vmem>>
      %dma_start3A_104 = tpu.memref_squeeze %dma_start3A_103 : memref<1x128xi32, #tpu.memory_space<vmem>> -> memref<128xi32, #tpu.memory_space<vmem>>
      %dma_start3A_105 = arith.constant 0 : i32
      %dma_start3A_106 = arith.constant 0 : i32
      %dma_start3A_107 = tpu.memref_slice %arg13[%dma_start3A_105, %dma_start3A_106] : memref<10112x48xf32, #tpu.memory_space<vmem_shared>> -> memref<10112x48xf32, #tpu.memory_space<vmem_shared>>
      tpu.enqueue_indirect_dma source(%arg10 : memref<128x48xf32, #tpu.memory_space<vmem>>) target(%dma_start3A_107 : memref<10112x48xf32, #tpu.memory_space<vmem_shared>>) offsets(%dma_start3A_104 : memref<128xi32, #tpu.memory_space<vmem>>) semaphore(%arg20 : memref<!tpu.dma_semaphore, #tpu.memory_space<semaphore_mem>>) {add = true}
      %mul3A_108 = arith.constant 4 : i32
      %mul3A_109 = arith.muli %mul3A_108, %scan3A_62 : i32
      %add3A_110 = arith.constant 2 : i32
      %add3A_111 = arith.addi %mul3A_109, %add3A_110 : i32
      %add3A_112 = arith.constant 3 : i32
      %add3A_113 = arith.addi %add3A_111, %add3A_112 : i32
      %lt3A_114 = arith.constant 80 : i32
      %lt3A_115 = arith.cmpi slt, %add3A_113, %lt3A_114 : i32
      %convert_element_type3A_116 = arith.extui %lt3A_115 : i1 to i32
      %cond3A_117 = arith.constant 0 : i32
      %cond3A_118 = arith.cmpi ne, %convert_element_type3A_116, %cond3A_117 : i32
      scf.if %cond3A_118 {
        %ge3A = arith.constant 4 : i32
        %ge3A_154 = arith.cmpi sge, %add3A_113, %ge3A : i32
        %convert_element_type3A_155 = arith.extui %ge3A_154 : i1 to i32
        %cond3A_156 = arith.constant 0 : i32
        %cond3A_157 = arith.cmpi ne, %convert_element_type3A_155, %cond3A_156 : i32
        scf.if %cond3A_157 {
          %dma_wait3A_164 = arith.constant 0 : i32
          %dma_wait3A_165 = arith.constant 0 : i32
          %dma_wait3A_166 = tpu.memref_slice %arg8[%dma_wait3A_164, %dma_wait3A_165] : memref<80x128xi32, #tpu.memory_space<vmem>> -> memref<1x128xi32, #tpu.memory_space<vmem>>
          %dma_wait3A_167 = tpu.memref_squeeze %dma_wait3A_166 : memref<1x128xi32, #tpu.memory_space<vmem>> -> memref<128xi32, #tpu.memory_space<vmem>>
          %dma_wait3A_168 = arith.constant 0 : i32
          %dma_wait3A_169 = arith.constant 0 : i32
          %dma_wait3A_170 = tpu.memref_slice %arg13[%dma_wait3A_168, %dma_wait3A_169] : memref<10112x48xf32, #tpu.memory_space<vmem_shared>> -> memref<10112x48xf32, #tpu.memory_space<vmem_shared>>
          tpu.wait_indirect_dma semaphore(%arg20 : memref<!tpu.dma_semaphore, #tpu.memory_space<semaphore_mem>>) src(%arg10 : memref<128x48xf32, #tpu.memory_space<vmem>>) dst(%dma_wait3A_170 : memref<10112x48xf32, #tpu.memory_space<vmem_shared>>)
        } else {
        }
        %dma_start3A_158 = arith.constant 0 : i32
        %dma_start3A_159 = tpu.memref_slice %arg7[%add3A_113, %dma_start3A_158] : memref<80x128xi32, #tpu.memory_space<vmem>> -> memref<1x128xi32, #tpu.memory_space<vmem>>
        %dma_start3A_160 = tpu.memref_squeeze %dma_start3A_159 : memref<1x128xi32, #tpu.memory_space<vmem>> -> memref<128xi32, #tpu.memory_space<vmem>>
        %dma_start3A_161 = arith.constant 0 : i32
        %dma_start3A_162 = arith.constant 0 : i32
        %dma_start3A_163 = tpu.memref_slice %arg14[%dma_start3A_161, %dma_start3A_162] : memref<10112x48xf32, #tpu.memory_space<vmem_shared>> -> memref<10112x48xf32, #tpu.memory_space<vmem_shared>>
        tpu.enqueue_indirect_dma source(%dma_start3A_163 : memref<10112x48xf32, #tpu.memory_space<vmem_shared>>) target(%arg10 : memref<128x48xf32, #tpu.memory_space<vmem>>) offsets(%dma_start3A_160 : memref<128xi32, #tpu.memory_space<vmem>>) semaphore(%arg16 : memref<!tpu.dma_semaphore, #tpu.memory_space<semaphore_mem>>)
      } else {
      }
      %dma_wait3A_119 = arith.constant 0 : i32
      %dma_wait3A_120 = tpu.memref_slice %arg7[%add3A_111, %dma_wait3A_119] : memref<80x128xi32, #tpu.memory_space<vmem>> -> memref<1x128xi32, #tpu.memory_space<vmem>>
      %dma_wait3A_121 = tpu.memref_squeeze %dma_wait3A_120 : memref<1x128xi32, #tpu.memory_space<vmem>> -> memref<128xi32, #tpu.memory_space<vmem>>
      %dma_wait3A_122 = arith.constant 0 : i32
      %dma_wait3A_123 = arith.constant 0 : i32
      %dma_wait3A_124 = tpu.memref_slice %arg14[%dma_wait3A_122, %dma_wait3A_123] : memref<10112x48xf32, #tpu.memory_space<vmem_shared>> -> memref<10112x48xf32, #tpu.memory_space<vmem_shared>>
      tpu.wait_indirect_dma semaphore(%arg17 : memref<!tpu.dma_semaphore, #tpu.memory_space<semaphore_mem>>) src(%dma_wait3A_124 : memref<10112x48xf32, #tpu.memory_space<vmem_shared>>) dst(%arg11 : memref<128x48xf32, #tpu.memory_space<vmem>>)
      %dma_start3A_125 = arith.constant 0 : i32
      %dma_start3A_126 = tpu.memref_slice %arg8[%add3A_111, %dma_start3A_125] : memref<80x128xi32, #tpu.memory_space<vmem>> -> memref<1x128xi32, #tpu.memory_space<vmem>>
      %dma_start3A_127 = tpu.memref_squeeze %dma_start3A_126 : memref<1x128xi32, #tpu.memory_space<vmem>> -> memref<128xi32, #tpu.memory_space<vmem>>
      %dma_start3A_128 = arith.constant 0 : i32
      %dma_start3A_129 = arith.constant 0 : i32
      %dma_start3A_130 = tpu.memref_slice %arg13[%dma_start3A_128, %dma_start3A_129] : memref<10112x48xf32, #tpu.memory_space<vmem_shared>> -> memref<10112x48xf32, #tpu.memory_space<vmem_shared>>
      tpu.enqueue_indirect_dma source(%arg11 : memref<128x48xf32, #tpu.memory_space<vmem>>) target(%dma_start3A_130 : memref<10112x48xf32, #tpu.memory_space<vmem_shared>>) offsets(%dma_start3A_127 : memref<128xi32, #tpu.memory_space<vmem>>) semaphore(%arg21 : memref<!tpu.dma_semaphore, #tpu.memory_space<semaphore_mem>>) {add = true}
      %mul3A_131 = arith.constant 4 : i32
      %mul3A_132 = arith.muli %mul3A_131, %scan3A_62 : i32
      %add3A_133 = arith.constant 3 : i32
      %add3A_134 = arith.addi %mul3A_132, %add3A_133 : i32
      %add3A_135 = arith.constant 3 : i32
      %add3A_136 = arith.addi %add3A_134, %add3A_135 : i32
      %lt3A_137 = arith.constant 80 : i32
      %lt3A_138 = arith.cmpi slt, %add3A_136, %lt3A_137 : i32
      %convert_element_type3A_139 = arith.extui %lt3A_138 : i1 to i32
      %cond3A_140 = arith.constant 0 : i32
      %cond3A_141 = arith.cmpi ne, %convert_element_type3A_139, %cond3A_140 : i32
      scf.if %cond3A_141 {
        %ge3A = arith.constant 4 : i32
        %ge3A_154 = arith.cmpi sge, %add3A_136, %ge3A : i32
        %convert_element_type3A_155 = arith.extui %ge3A_154 : i1 to i32
        %cond3A_156 = arith.constant 0 : i32
        %cond3A_157 = arith.cmpi ne, %convert_element_type3A_155, %cond3A_156 : i32
        scf.if %cond3A_157 {
          %dma_wait3A_164 = arith.constant 0 : i32
          %dma_wait3A_165 = arith.constant 0 : i32
          %dma_wait3A_166 = tpu.memref_slice %arg8[%dma_wait3A_164, %dma_wait3A_165] : memref<80x128xi32, #tpu.memory_space<vmem>> -> memref<1x128xi32, #tpu.memory_space<vmem>>
          %dma_wait3A_167 = tpu.memref_squeeze %dma_wait3A_166 : memref<1x128xi32, #tpu.memory_space<vmem>> -> memref<128xi32, #tpu.memory_space<vmem>>
          %dma_wait3A_168 = arith.constant 0 : i32
          %dma_wait3A_169 = arith.constant 0 : i32
          %dma_wait3A_170 = tpu.memref_slice %arg13[%dma_wait3A_168, %dma_wait3A_169] : memref<10112x48xf32, #tpu.memory_space<vmem_shared>> -> memref<10112x48xf32, #tpu.memory_space<vmem_shared>>
          tpu.wait_indirect_dma semaphore(%arg21 : memref<!tpu.dma_semaphore, #tpu.memory_space<semaphore_mem>>) src(%arg11 : memref<128x48xf32, #tpu.memory_space<vmem>>) dst(%dma_wait3A_170 : memref<10112x48xf32, #tpu.memory_space<vmem_shared>>)
        } else {
        }
        %dma_start3A_158 = arith.constant 0 : i32
        %dma_start3A_159 = tpu.memref_slice %arg7[%add3A_136, %dma_start3A_158] : memref<80x128xi32, #tpu.memory_space<vmem>> -> memref<1x128xi32, #tpu.memory_space<vmem>>
        %dma_start3A_160 = tpu.memref_squeeze %dma_start3A_159 : memref<1x128xi32, #tpu.memory_space<vmem>> -> memref<128xi32, #tpu.memory_space<vmem>>
        %dma_start3A_161 = arith.constant 0 : i32
        %dma_start3A_162 = arith.constant 0 : i32
        %dma_start3A_163 = tpu.memref_slice %arg14[%dma_start3A_161, %dma_start3A_162] : memref<10112x48xf32, #tpu.memory_space<vmem_shared>> -> memref<10112x48xf32, #tpu.memory_space<vmem_shared>>
        tpu.enqueue_indirect_dma source(%dma_start3A_163 : memref<10112x48xf32, #tpu.memory_space<vmem_shared>>) target(%arg11 : memref<128x48xf32, #tpu.memory_space<vmem>>) offsets(%dma_start3A_160 : memref<128xi32, #tpu.memory_space<vmem>>) semaphore(%arg17 : memref<!tpu.dma_semaphore, #tpu.memory_space<semaphore_mem>>)
      } else {
      }
      %dma_wait3A_142 = arith.constant 0 : i32
      %dma_wait3A_143 = tpu.memref_slice %arg7[%add3A_134, %dma_wait3A_142] : memref<80x128xi32, #tpu.memory_space<vmem>> -> memref<1x128xi32, #tpu.memory_space<vmem>>
      %dma_wait3A_144 = tpu.memref_squeeze %dma_wait3A_143 : memref<1x128xi32, #tpu.memory_space<vmem>> -> memref<128xi32, #tpu.memory_space<vmem>>
      %dma_wait3A_145 = arith.constant 0 : i32
      %dma_wait3A_146 = arith.constant 0 : i32
      %dma_wait3A_147 = tpu.memref_slice %arg14[%dma_wait3A_145, %dma_wait3A_146] : memref<10112x48xf32, #tpu.memory_space<vmem_shared>> -> memref<10112x48xf32, #tpu.memory_space<vmem_shared>>
      tpu.wait_indirect_dma semaphore(%arg18 : memref<!tpu.dma_semaphore, #tpu.memory_space<semaphore_mem>>) src(%dma_wait3A_147 : memref<10112x48xf32, #tpu.memory_space<vmem_shared>>) dst(%arg12 : memref<128x48xf32, #tpu.memory_space<vmem>>)
      %dma_start3A_148 = arith.constant 0 : i32
      %dma_start3A_149 = tpu.memref_slice %arg8[%add3A_134, %dma_start3A_148] : memref<80x128xi32, #tpu.memory_space<vmem>> -> memref<1x128xi32, #tpu.memory_space<vmem>>
      %dma_start3A_150 = tpu.memref_squeeze %dma_start3A_149 : memref<1x128xi32, #tpu.memory_space<vmem>> -> memref<128xi32, #tpu.memory_space<vmem>>
      %dma_start3A_151 = arith.constant 0 : i32
      %dma_start3A_152 = arith.constant 0 : i32
      %dma_start3A_153 = tpu.memref_slice %arg13[%dma_start3A_151, %dma_start3A_152] : memref<10112x48xf32, #tpu.memory_space<vmem_shared>> -> memref<10112x48xf32, #tpu.memory_space<vmem_shared>>
      tpu.enqueue_indirect_dma source(%arg12 : memref<128x48xf32, #tpu.memory_space<vmem>>) target(%dma_start3A_153 : memref<10112x48xf32, #tpu.memory_space<vmem_shared>>) offsets(%dma_start3A_150 : memref<128xi32, #tpu.memory_space<vmem>>) semaphore(%arg22 : memref<!tpu.dma_semaphore, #tpu.memory_space<semaphore_mem>>) {add = true}
    }
    %scan3A_33 = arith.constant 20 : i32
    %dma_wait3A = arith.constant 0 : i32
    %dma_wait3A_34 = arith.constant 0 : i32
    %dma_wait3A_35 = tpu.memref_slice %arg8[%dma_wait3A, %dma_wait3A_34] : memref<80x128xi32, #tpu.memory_space<vmem>> -> memref<1x128xi32, #tpu.memory_space<vmem>>
    %dma_wait3A_36 = tpu.memref_squeeze %dma_wait3A_35 : memref<1x128xi32, #tpu.memory_space<vmem>> -> memref<128xi32, #tpu.memory_space<vmem>>
    %dma_wait3A_37 = arith.constant 0 : i32
    %dma_wait3A_38 = arith.constant 0 : i32
    %dma_wait3A_39 = tpu.memref_slice %arg13[%dma_wait3A_37, %dma_wait3A_38] : memref<10112x48xf32, #tpu.memory_space<vmem_shared>> -> memref<10112x48xf32, #tpu.memory_space<vmem_shared>>
    tpu.wait_indirect_dma semaphore(%arg19 : memref<!tpu.dma_semaphore, #tpu.memory_space<semaphore_mem>>) src(%arg9 : memref<128x48xf32, #tpu.memory_space<vmem>>) dst(%dma_wait3A_39 : memref<10112x48xf32, #tpu.memory_space<vmem_shared>>)
    %dma_wait3A_40 = arith.constant 0 : i32
    %dma_wait3A_41 = arith.constant 0 : i32
    %dma_wait3A_42 = tpu.memref_slice %arg8[%dma_wait3A_40, %dma_wait3A_41] : memref<80x128xi32, #tpu.memory_space<vmem>> -> memref<1x128xi32, #tpu.memory_space<vmem>>
    %dma_wait3A_43 = tpu.memref_squeeze %dma_wait3A_42 : memref<1x128xi32, #tpu.memory_space<vmem>> -> memref<128xi32, #tpu.memory_space<vmem>>
    %dma_wait3A_44 = arith.constant 0 : i32
    %dma_wait3A_45 = arith.constant 0 : i32
    %dma_wait3A_46 = tpu.memref_slice %arg13[%dma_wait3A_44, %dma_wait3A_45] : memref<10112x48xf32, #tpu.memory_space<vmem_shared>> -> memref<10112x48xf32, #tpu.memory_space<vmem_shared>>
    tpu.wait_indirect_dma semaphore(%arg20 : memref<!tpu.dma_semaphore, #tpu.memory_space<semaphore_mem>>) src(%arg10 : memref<128x48xf32, #tpu.memory_space<vmem>>) dst(%dma_wait3A_46 : memref<10112x48xf32, #tpu.memory_space<vmem_shared>>)
    %dma_wait3A_47 = arith.constant 0 : i32
    %dma_wait3A_48 = arith.constant 0 : i32
    %dma_wait3A_49 = tpu.memref_slice %arg8[%dma_wait3A_47, %dma_wait3A_48] : memref<80x128xi32, #tpu.memory_space<vmem>> -> memref<1x128xi32, #tpu.memory_space<vmem>>
    %dma_wait3A_50 = tpu.memref_squeeze %dma_wait3A_49 : memref<1x128xi32, #tpu.memory_space<vmem>> -> memref<128xi32, #tpu.memory_space<vmem>>
    %dma_wait3A_51 = arith.constant 0 : i32
    %dma_wait3A_52 = arith.constant 0 : i32
    %dma_wait3A_53 = tpu.memref_slice %arg13[%dma_wait3A_51, %dma_wait3A_52] : memref<10112x48xf32, #tpu.memory_space<vmem_shared>> -> memref<10112x48xf32, #tpu.memory_space<vmem_shared>>
    tpu.wait_indirect_dma semaphore(%arg21 : memref<!tpu.dma_semaphore, #tpu.memory_space<semaphore_mem>>) src(%arg11 : memref<128x48xf32, #tpu.memory_space<vmem>>) dst(%dma_wait3A_53 : memref<10112x48xf32, #tpu.memory_space<vmem_shared>>)
    %dma_wait3A_54 = arith.constant 0 : i32
    %dma_wait3A_55 = arith.constant 0 : i32
    %dma_wait3A_56 = tpu.memref_slice %arg8[%dma_wait3A_54, %dma_wait3A_55] : memref<80x128xi32, #tpu.memory_space<vmem>> -> memref<1x128xi32, #tpu.memory_space<vmem>>
    %dma_wait3A_57 = tpu.memref_squeeze %dma_wait3A_56 : memref<1x128xi32, #tpu.memory_space<vmem>> -> memref<128xi32, #tpu.memory_space<vmem>>
    %dma_wait3A_58 = arith.constant 0 : i32
    %dma_wait3A_59 = arith.constant 0 : i32
    %dma_wait3A_60 = tpu.memref_slice %arg13[%dma_wait3A_58, %dma_wait3A_59] : memref<10112x48xf32, #tpu.memory_space<vmem_shared>> -> memref<10112x48xf32, #tpu.memory_space<vmem_shared>>
    tpu.wait_indirect_dma semaphore(%arg22 : memref<!tpu.dma_semaphore, #tpu.memory_space<semaphore_mem>>) src(%arg12 : memref<128x48xf32, #tpu.memory_space<vmem>>) dst(%dma_wait3A_60 : memref<10112x48xf32, #tpu.memory_space<vmem_shared>>)
    %barrier3A_61 = arith.constant 0 : index
    tpu.barrier barrier_id(%barrier3A_61)
    "tpu.region"() ({
      %run_scoped3A = tpu.sem_alloc : memref<!tpu.dma_semaphore, #tpu.memory_space<semaphore_mem>>
      %dma_start3A_62 = arith.constant 0 : i32
      %dma_start3A_63 = tpu.memref_slice %arg6[%arg0, %mul3A_0, %dma_start3A_62] : memref<2x10112x48xf32, #tpu.memory_space<hbm>> -> memref<1x632x48xf32, #tpu.memory_space<hbm>>
      %dma_start3A_64 = tpu.memref_squeeze %dma_start3A_63 : memref<1x632x48xf32, #tpu.memory_space<hbm>> -> memref<632x48xf32, #tpu.memory_space<hbm>>
      %dma_start3A_65 = arith.constant 0 : i32
      %dma_start3A_66 = tpu.memref_slice %arg13[%mul3A_0, %dma_start3A_65] : memref<10112x48xf32, #tpu.memory_space<vmem_shared>> -> memref<632x48xf32, #tpu.memory_space<vmem_shared>>
      tpu.enqueue_dma source(%dma_start3A_66 : memref<632x48xf32, #tpu.memory_space<vmem_shared>>) target(%dma_start3A_64 : memref<632x48xf32, #tpu.memory_space<hbm>>) target_semaphore(%run_scoped3A : memref<!tpu.dma_semaphore, #tpu.memory_space<semaphore_mem>>)
      %dma_wait3A_67 = arith.constant 0 : i32
      %dma_wait3A_68 = tpu.memref_slice %arg6[%arg0, %mul3A_0, %dma_wait3A_67] : memref<2x10112x48xf32, #tpu.memory_space<hbm>> -> memref<1x632x48xf32, #tpu.memory_space<hbm>>
      %dma_wait3A_69 = tpu.memref_squeeze %dma_wait3A_68 : memref<1x632x48xf32, #tpu.memory_space<hbm>> -> memref<632x48xf32, #tpu.memory_space<hbm>>
      %dma_wait3A_70 = arith.constant 0 : i32
      %dma_wait3A_71 = tpu.memref_slice %arg13[%mul3A_0, %dma_wait3A_70] : memref<10112x48xf32, #tpu.memory_space<vmem_shared>> -> memref<632x48xf32, #tpu.memory_space<vmem_shared>>
      tpu.wait_dma2 semaphore(%run_scoped3A : memref<!tpu.dma_semaphore, #tpu.memory_space<semaphore_mem>>) src(%dma_wait3A_71 : memref<632x48xf32, #tpu.memory_space<vmem_shared>>) dst(%dma_wait3A_69 : memref<632x48xf32, #tpu.memory_space<hbm>>)
      tpu.yield
    }) : () -> ()
    return
  }
}

module attributes {stable_mosaic.version = 14 : i64} {
  func.func @body(%arg0: memref<10000x128xf32, #tpu.memory_space<vmem>>, %arg1: memref<48x128xf32, #tpu.memory_space<vmem>>, %arg2: memref<48x128xf32, #tpu.memory_space<vmem>>, %arg3: memref<10000x48xf32, #tpu.memory_space<vmem>>, %arg4: memref<10000x48xf32, #tpu.memory_space<vmem>>) attributes {dimension_semantics = [], scalar_prefetch = 0 : i64, scratch_operands = 0 : i64, tpu.core_type = #tpu.core_type<tc>} {
    %get3A = arith.constant 0 : index
    %get3A_0 = arith.constant 0 : index
    %get3A_1 = vector.load %arg0[%get3A, %get3A_0] : memref<10000x128xf32, #tpu.memory_space<vmem>>, vector<10000x128xf32>
    %get3A_2 = arith.constant 0 : index
    %get3A_3 = arith.constant 0 : index
    %get3A_4 = vector.load %arg1[%get3A_2, %get3A_3] : memref<48x128xf32, #tpu.memory_space<vmem>>, vector<48x128xf32>
    %dot_general3A = arith.constant dense<0.000000e+00> : vector<10000x48xf32>
    %dot_general3A_5 = tpu.matmul %get3A_1, %get3A_4, %dot_general3A {dimension_numbers = #tpu.dot_dimension_numbers<[1], [1], [0], [0], [0, 0, 1, 0], [], []>, transpose_lhs_hint = false} : vector<10000x128xf32>, vector<48x128xf32>, vector<10000x48xf32> -> vector<10000x48xf32>
    %swap3A = arith.constant 0 : index
    %swap3A_6 = arith.constant 0 : index
    %swap3A_7 = vector.load %arg3[%swap3A, %swap3A_6] : memref<10000x48xf32, #tpu.memory_space<vmem>>, vector<10000x48xf32>
    tpu.vector_store %arg3[%swap3A, %swap3A_6], %dot_general3A_5 {strides = array<i32>} : memref<10000x48xf32, #tpu.memory_space<vmem>>, vector<10000x48xf32>,
    %get3A_8 = arith.constant 0 : index
    %get3A_9 = arith.constant 0 : index
    %get3A_10 = vector.load %arg2[%get3A_8, %get3A_9] : memref<48x128xf32, #tpu.memory_space<vmem>>, vector<48x128xf32>
    %dot_general3A_11 = arith.constant dense<0.000000e+00> : vector<10000x48xf32>
    %dot_general3A_12 = tpu.matmul %get3A_1, %get3A_10, %dot_general3A_11 {dimension_numbers = #tpu.dot_dimension_numbers<[1], [1], [0], [0], [0, 0, 1, 0], [], []>, transpose_lhs_hint = false} : vector<10000x128xf32>, vector<48x128xf32>, vector<10000x48xf32> -> vector<10000x48xf32>
    %swap3A_13 = arith.constant 0 : index
    %swap3A_14 = arith.constant 0 : index
    %swap3A_15 = vector.load %arg4[%swap3A_13, %swap3A_14] : memref<10000x48xf32, #tpu.memory_space<vmem>>, vector<10000x48xf32>
    tpu.vector_store %arg4[%swap3A_13, %swap3A_14], %dot_general3A_12 {strides = array<i32>} : memref<10000x48xf32, #tpu.memory_space<vmem>>, vector<10000x48xf32>,
    return
  }
}

module attributes {stable_mosaic.version = 14 : i64} {
  func.func @body(%arg0: memref<2x10112x48xf32, #tpu.memory_space<vmem>>, %arg1: memref<10000x2xf32, #tpu.memory_space<vmem>>, %arg2: memref<10000x48xf32, #tpu.memory_space<vmem>>, %arg3: memref<1x48xf32, #tpu.memory_space<vmem>>, %arg4: memref<1x48xf32, #tpu.memory_space<vmem>>, %arg5: memref<1x48xf32, #tpu.memory_space<vmem>>, %arg6: memref<48x48xf32, #tpu.memory_space<vmem>>, %arg7: memref<48x48xf32, #tpu.memory_space<vmem>>, %arg8: memref<10000x48xf32, #tpu.memory_space<vmem>>, %arg9: memref<10000x48xf32, #tpu.memory_space<vmem>>) attributes {dimension_semantics = [], scalar_prefetch = 0 : i64, scratch_operands = 0 : i64, tpu.core_type = #tpu.core_type<tc>} {
    %get3A = arith.constant 0 : index
    %get3A_0 = arith.constant 0 : index
    %get3A_1 = arith.constant 0 : index
    %get3A_2 = vector.load %arg0[%get3A, %get3A_0, %get3A_1] : memref<2x10112x48xf32, #tpu.memory_space<vmem>>, vector<1x10000x48xf32>
    %get3A_3 = vector.shape_cast %get3A_2 : vector<1x10000x48xf32> to vector<10000x48xf32>
    %get3A_4 = arith.constant 1 : index
    %get3A_5 = arith.constant 0 : index
    %get3A_6 = arith.constant 0 : index
    %get3A_7 = vector.load %arg0[%get3A_4, %get3A_5, %get3A_6] : memref<2x10112x48xf32, #tpu.memory_space<vmem>>, vector<1x10000x48xf32>
    %get3A_8 = vector.shape_cast %get3A_7 : vector<1x10000x48xf32> to vector<10000x48xf32>
    %add3A = arith.addf %get3A_3, %get3A_8 : vector<10000x48xf32>
    %get3A_9 = arith.constant 0 : index
    %get3A_10 = arith.constant 0 : index
    %get3A_11 = vector.load %arg1[%get3A_9, %get3A_10] : memref<10000x2xf32, #tpu.memory_space<vmem>>, vector<10000x1xf32>
    %get3A_12 = arith.constant 0 : index
    %get3A_13 = arith.constant 1 : index
    %get3A_14 = vector.load %arg1[%get3A_12, %get3A_13] : memref<10000x2xf32, #tpu.memory_space<vmem>>, vector<10000x1xf32>
    %add3A_15 = arith.addf %get3A_11, %get3A_14 : vector<10000x1xf32>
    %max3A = arith.constant 1.000000e+00 : f32
    %max3A_16 = vector.broadcast %max3A : f32 to vector<10000x1xf32>
    %max3A_17 = arith.maximumf %add3A_15, %max3A_16 : vector<10000x1xf32>
    %div3A = vector.broadcast %max3A_17 : vector<10000x1xf32> to vector<10000x48xf32>
    %div3A_18 = arith.divf %add3A, %div3A : vector<10000x48xf32>
    %get3A_19 = arith.constant 0 : index
    %get3A_20 = arith.constant 0 : index
    %get3A_21 = vector.load %arg3[%get3A_19, %get3A_20] : memref<1x48xf32, #tpu.memory_space<vmem>>, vector<1x48xf32>
    %add3A_22 = vector.broadcast %get3A_21 : vector<1x48xf32> to vector<10000x48xf32>
    %add3A_23 = arith.addf %div3A_18, %add3A_22 : vector<10000x48xf32>
    %get3A_24 = arith.constant 0 : index
    %get3A_25 = arith.constant 0 : index
    %get3A_26 = vector.load %arg2[%get3A_24, %get3A_25] : memref<10000x48xf32, #tpu.memory_space<vmem>>, vector<10000x48xf32>
    %add3A_27 = arith.addf %add3A_23, %get3A_26 : vector<10000x48xf32>
    %reduce_sum3A = arith.constant dense<0.000000e+00> : vector<48xf32>
    %reduce_sum3A_28 = vector.multi_reduction <add>, %add3A_27, %reduce_sum3A [0] : vector<10000x48xf32> to vector<48xf32>
    %broadcast_in_dim3A = vector.shape_cast %reduce_sum3A_28 : vector<48xf32> to vector<1x48xf32>
    %div3A_29 = arith.constant 1.000000e+04 : f32
    %div3A_30 = vector.broadcast %div3A_29 : f32 to vector<1x48xf32>
    %div3A_31 = arith.divf %broadcast_in_dim3A, %div3A_30 : vector<1x48xf32>
    %sub3A = vector.broadcast %div3A_31 : vector<1x48xf32> to vector<10000x48xf32>
    %sub3A_32 = arith.subf %add3A_27, %sub3A : vector<10000x48xf32>
    %integer_pow3A = arith.mulf %sub3A_32, %sub3A_32 : vector<10000x48xf32>
    %reduce_sum3A_33 = arith.constant dense<0.000000e+00> : vector<48xf32>
    %reduce_sum3A_34 = vector.multi_reduction <add>, %integer_pow3A, %reduce_sum3A_33 [0] : vector<10000x48xf32> to vector<48xf32>
    %broadcast_in_dim3A_35 = vector.shape_cast %reduce_sum3A_34 : vector<48xf32> to vector<1x48xf32>
    %div3A_36 = arith.constant 1.000000e+04 : f32
    %div3A_37 = vector.broadcast %div3A_36 : f32 to vector<1x48xf32>
    %div3A_38 = arith.divf %broadcast_in_dim3A_35, %div3A_37 : vector<1x48xf32>
    %sub3A_39 = vector.broadcast %div3A_31 : vector<1x48xf32> to vector<10000x48xf32>
    %sub3A_40 = arith.subf %add3A_27, %sub3A_39 : vector<10000x48xf32>
    %add3A_41 = arith.constant 9.99999974E-6 : f32
    %add3A_42 = vector.broadcast %add3A_41 : f32 to vector<1x48xf32>
    %add3A_43 = arith.addf %div3A_38, %add3A_42 : vector<1x48xf32>
    %rsqrt3A = math.rsqrt %add3A_43 : vector<1x48xf32>
    %mul3A = vector.broadcast %rsqrt3A : vector<1x48xf32> to vector<10000x48xf32>
    %mul3A_44 = arith.mulf %sub3A_40, %mul3A : vector<10000x48xf32>
    %get3A_45 = arith.constant 0 : index
    %get3A_46 = arith.constant 0 : index
    %get3A_47 = vector.load %arg4[%get3A_45, %get3A_46] : memref<1x48xf32, #tpu.memory_space<vmem>>, vector<1x48xf32>
    %mul3A_48 = vector.broadcast %get3A_47 : vector<1x48xf32> to vector<10000x48xf32>
    %mul3A_49 = arith.mulf %mul3A_44, %mul3A_48 : vector<10000x48xf32>
    %get3A_50 = arith.constant 0 : index
    %get3A_51 = arith.constant 0 : index
    %get3A_52 = vector.load %arg5[%get3A_50, %get3A_51] : memref<1x48xf32, #tpu.memory_space<vmem>>, vector<1x48xf32>
    %add3A_53 = vector.broadcast %get3A_52 : vector<1x48xf32> to vector<10000x48xf32>
    %add3A_54 = arith.addf %mul3A_49, %add3A_53 : vector<10000x48xf32>
    %max3A_55 = arith.constant 0.000000e+00 : f32
    %max3A_56 = vector.broadcast %max3A_55 : f32 to vector<10000x48xf32>
    %max3A_57 = arith.maximumf %add3A_54, %max3A_56 : vector<10000x48xf32>
    %get3A_58 = arith.constant 0 : index
    %get3A_59 = arith.constant 0 : index
    %get3A_60 = vector.load %arg6[%get3A_58, %get3A_59] : memref<48x48xf32, #tpu.memory_space<vmem>>, vector<48x48xf32>
    %dot_general3A = arith.constant dense<0.000000e+00> : vector<10000x48xf32>
    %dot_general3A_61 = tpu.matmul %max3A_57, %get3A_60, %dot_general3A {dimension_numbers = #tpu.dot_dimension_numbers<[1], [1], [0], [0], [0, 0, 1, 0], [], []>, transpose_lhs_hint = false} : vector<10000x48xf32>, vector<48x48xf32>, vector<10000x48xf32> -> vector<10000x48xf32>
    %swap3A = arith.constant 0 : index
    %swap3A_62 = arith.constant 0 : index
    %swap3A_63 = vector.load %arg8[%swap3A, %swap3A_62] : memref<10000x48xf32, #tpu.memory_space<vmem>>, vector<10000x48xf32>
    tpu.vector_store %arg8[%swap3A, %swap3A_62], %dot_general3A_61 {strides = array<i32>} : memref<10000x48xf32, #tpu.memory_space<vmem>>, vector<10000x48xf32>,
    %get3A_64 = arith.constant 0 : index
    %get3A_65 = arith.constant 0 : index
    %get3A_66 = vector.load %arg7[%get3A_64, %get3A_65] : memref<48x48xf32, #tpu.memory_space<vmem>>, vector<48x48xf32>
    %dot_general3A_67 = arith.constant dense<0.000000e+00> : vector<10000x48xf32>
    %dot_general3A_68 = tpu.matmul %max3A_57, %get3A_66, %dot_general3A_67 {dimension_numbers = #tpu.dot_dimension_numbers<[1], [1], [0], [0], [0, 0, 1, 0], [], []>, transpose_lhs_hint = false} : vector<10000x48xf32>, vector<48x48xf32>, vector<10000x48xf32> -> vector<10000x48xf32>
    %swap3A_69 = arith.constant 0 : index
    %swap3A_70 = arith.constant 0 : index
    %swap3A_71 = vector.load %arg9[%swap3A_69, %swap3A_70] : memref<10000x48xf32, #tpu.memory_space<vmem>>, vector<10000x48xf32>
    tpu.vector_store %arg9[%swap3A_69, %swap3A_70], %dot_general3A_68 {strides = array<i32>} : memref<10000x48xf32, #tpu.memory_space<vmem>>, vector<10000x48xf32>,
    return
  }
}

module attributes {stable_mosaic.version = 14 : i64} {
  func.func @body(%arg0: memref<2x10112x48xf32, #tpu.memory_space<vmem>>, %arg1: memref<10000x2xf32, #tpu.memory_space<vmem>>, %arg2: memref<10000x48xf32, #tpu.memory_space<vmem>>, %arg3: memref<1x48xf32, #tpu.memory_space<vmem>>, %arg4: memref<1x48xf32, #tpu.memory_space<vmem>>, %arg5: memref<1x48xf32, #tpu.memory_space<vmem>>, %arg6: memref<4x48xf32, #tpu.memory_space<vmem>>, %arg7: memref<1x4xf32, #tpu.memory_space<vmem>>, %arg8: memref<10000x4xf32, #tpu.memory_space<vmem>>) attributes {dimension_semantics = [], scalar_prefetch = 0 : i64, scratch_operands = 0 : i64, tpu.core_type = #tpu.core_type<tc>} {
    %get3A = arith.constant 0 : index
    %get3A_0 = arith.constant 0 : index
    %get3A_1 = arith.constant 0 : index
    %get3A_2 = vector.load %arg0[%get3A, %get3A_0, %get3A_1] : memref<2x10112x48xf32, #tpu.memory_space<vmem>>, vector<1x10000x48xf32>
    %get3A_3 = vector.shape_cast %get3A_2 : vector<1x10000x48xf32> to vector<10000x48xf32>
    %get3A_4 = arith.constant 1 : index
    %get3A_5 = arith.constant 0 : index
    %get3A_6 = arith.constant 0 : index
    %get3A_7 = vector.load %arg0[%get3A_4, %get3A_5, %get3A_6] : memref<2x10112x48xf32, #tpu.memory_space<vmem>>, vector<1x10000x48xf32>
    %get3A_8 = vector.shape_cast %get3A_7 : vector<1x10000x48xf32> to vector<10000x48xf32>
    %add3A = arith.addf %get3A_3, %get3A_8 : vector<10000x48xf32>
    %get3A_9 = arith.constant 0 : index
    %get3A_10 = arith.constant 0 : index
    %get3A_11 = vector.load %arg1[%get3A_9, %get3A_10] : memref<10000x2xf32, #tpu.memory_space<vmem>>, vector<10000x1xf32>
    %get3A_12 = arith.constant 0 : index
    %get3A_13 = arith.constant 1 : index
    %get3A_14 = vector.load %arg1[%get3A_12, %get3A_13] : memref<10000x2xf32, #tpu.memory_space<vmem>>, vector<10000x1xf32>
    %add3A_15 = arith.addf %get3A_11, %get3A_14 : vector<10000x1xf32>
    %max3A = arith.constant 1.000000e+00 : f32
    %max3A_16 = vector.broadcast %max3A : f32 to vector<10000x1xf32>
    %max3A_17 = arith.maximumf %add3A_15, %max3A_16 : vector<10000x1xf32>
    %div3A = vector.broadcast %max3A_17 : vector<10000x1xf32> to vector<10000x48xf32>
    %div3A_18 = arith.divf %add3A, %div3A : vector<10000x48xf32>
    %get3A_19 = arith.constant 0 : index
    %get3A_20 = arith.constant 0 : index
    %get3A_21 = vector.load %arg3[%get3A_19, %get3A_20] : memref<1x48xf32, #tpu.memory_space<vmem>>, vector<1x48xf32>
    %add3A_22 = vector.broadcast %get3A_21 : vector<1x48xf32> to vector<10000x48xf32>
    %add3A_23 = arith.addf %div3A_18, %add3A_22 : vector<10000x48xf32>
    %get3A_24 = arith.constant 0 : index
    %get3A_25 = arith.constant 0 : index
    %get3A_26 = vector.load %arg2[%get3A_24, %get3A_25] : memref<10000x48xf32, #tpu.memory_space<vmem>>, vector<10000x48xf32>
    %add3A_27 = arith.addf %add3A_23, %get3A_26 : vector<10000x48xf32>
    %reduce_sum3A = arith.constant dense<0.000000e+00> : vector<48xf32>
    %reduce_sum3A_28 = vector.multi_reduction <add>, %add3A_27, %reduce_sum3A [0] : vector<10000x48xf32> to vector<48xf32>
    %broadcast_in_dim3A = vector.shape_cast %reduce_sum3A_28 : vector<48xf32> to vector<1x48xf32>
    %div3A_29 = arith.constant 1.000000e+04 : f32
    %div3A_30 = vector.broadcast %div3A_29 : f32 to vector<1x48xf32>
    %div3A_31 = arith.divf %broadcast_in_dim3A, %div3A_30 : vector<1x48xf32>
    %sub3A = vector.broadcast %div3A_31 : vector<1x48xf32> to vector<10000x48xf32>
    %sub3A_32 = arith.subf %add3A_27, %sub3A : vector<10000x48xf32>
    %integer_pow3A = arith.mulf %sub3A_32, %sub3A_32 : vector<10000x48xf32>
    %reduce_sum3A_33 = arith.constant dense<0.000000e+00> : vector<48xf32>
    %reduce_sum3A_34 = vector.multi_reduction <add>, %integer_pow3A, %reduce_sum3A_33 [0] : vector<10000x48xf32> to vector<48xf32>
    %broadcast_in_dim3A_35 = vector.shape_cast %reduce_sum3A_34 : vector<48xf32> to vector<1x48xf32>
    %div3A_36 = arith.constant 1.000000e+04 : f32
    %div3A_37 = vector.broadcast %div3A_36 : f32 to vector<1x48xf32>
    %div3A_38 = arith.divf %broadcast_in_dim3A_35, %div3A_37 : vector<1x48xf32>
    %sub3A_39 = vector.broadcast %div3A_31 : vector<1x48xf32> to vector<10000x48xf32>
    %sub3A_40 = arith.subf %add3A_27, %sub3A_39 : vector<10000x48xf32>
    %add3A_41 = arith.constant 9.99999974E-6 : f32
    %add3A_42 = vector.broadcast %add3A_41 : f32 to vector<1x48xf32>
    %add3A_43 = arith.addf %div3A_38, %add3A_42 : vector<1x48xf32>
    %rsqrt3A = math.rsqrt %add3A_43 : vector<1x48xf32>
    %mul3A = vector.broadcast %rsqrt3A : vector<1x48xf32> to vector<10000x48xf32>
    %mul3A_44 = arith.mulf %sub3A_40, %mul3A : vector<10000x48xf32>
    %get3A_45 = arith.constant 0 : index
    %get3A_46 = arith.constant 0 : index
    %get3A_47 = vector.load %arg4[%get3A_45, %get3A_46] : memref<1x48xf32, #tpu.memory_space<vmem>>, vector<1x48xf32>
    %mul3A_48 = vector.broadcast %get3A_47 : vector<1x48xf32> to vector<10000x48xf32>
    %mul3A_49 = arith.mulf %mul3A_44, %mul3A_48 : vector<10000x48xf32>
    %get3A_50 = arith.constant 0 : index
    %get3A_51 = arith.constant 0 : index
    %get3A_52 = vector.load %arg5[%get3A_50, %get3A_51] : memref<1x48xf32, #tpu.memory_space<vmem>>, vector<1x48xf32>
    %add3A_53 = vector.broadcast %get3A_52 : vector<1x48xf32> to vector<10000x48xf32>
    %add3A_54 = arith.addf %mul3A_49, %add3A_53 : vector<10000x48xf32>
    %max3A_55 = arith.constant 0.000000e+00 : f32
    %max3A_56 = vector.broadcast %max3A_55 : f32 to vector<10000x48xf32>
    %max3A_57 = arith.maximumf %add3A_54, %max3A_56 : vector<10000x48xf32>
    %get3A_58 = arith.constant 0 : index
    %get3A_59 = arith.constant 0 : index
    %get3A_60 = vector.load %arg6[%get3A_58, %get3A_59] : memref<4x48xf32, #tpu.memory_space<vmem>>, vector<4x48xf32>
    %dot_general3A = arith.constant dense<0.000000e+00> : vector<10000x4xf32>
    %dot_general3A_61 = tpu.matmul %max3A_57, %get3A_60, %dot_general3A {dimension_numbers = #tpu.dot_dimension_numbers<[1], [1], [0], [0], [0, 0, 1, 0], [], []>, transpose_lhs_hint = false} : vector<10000x48xf32>, vector<4x48xf32>, vector<10000x4xf32> -> vector<10000x4xf32>
    %get3A_62 = arith.constant 0 : index
    %get3A_63 = arith.constant 0 : index
    %get3A_64 = vector.load %arg7[%get3A_62, %get3A_63] : memref<1x4xf32, #tpu.memory_space<vmem>>, vector<1x4xf32>
    %add3A_65 = vector.broadcast %get3A_64 : vector<1x4xf32> to vector<10000x4xf32>
    %add3A_66 = arith.addf %dot_general3A_61, %add3A_65 : vector<10000x4xf32>
    %swap3A = arith.constant 0 : index
    %swap3A_67 = arith.constant 0 : index
    %swap3A_68 = vector.load %arg8[%swap3A, %swap3A_67] : memref<10000x4xf32, #tpu.memory_space<vmem>>, vector<10000x4xf32>
    tpu.vector_store %arg8[%swap3A, %swap3A_67], %add3A_66 {strides = array<i32>} : memref<10000x4xf32, #tpu.memory_space<vmem>>, vector<10000x4xf32>,
    return
  }
}

</mosaic_0001>

<sc_bundles>
// kernel: kernel.10.cloned.1.call-start
scs
__scs_entry_jumppad:
0x0: {  	(pc) =	sbr.rel $0x88, $3  }
0x1: {  	(tag) =	ssettag $0x0;
	lr =	simm.s32 $0x1  }
0x2: {  	[smem:$0x3F93] =	sst lr;
	_ =	strace $0xD0000000  }
0x3: {  	_ = 	snop  }
0x4: {  	_ = 	snop  }
0x5: {  	_ = 	snop  }
0x6: {  	_ = 	snop  }
0x7: {  	_ = 	snop  }
__scs_overlays_trampoline_lowered:
0x8: {  	[smem:$0x3FA2] =	sst s0  }
0x9: {  	[smem:$0x3FA3] =	sst s1  }
0xa: {  	[smem:$0x3FA4] =	sst s2  }
0xb: {  	[smem:$0x3FA5] =	sst s3  }
0xc: {  	[smem:$0x3FA6] =	sst s4  }
0xd: {  	[smem:$0x3FA7] =	sst s5  }
0xe: {  	[smem:$0x3FA8] =	sst s6  }
0xf: {  	[smem:$0x3FA9] =	sst s7  }
0x10: {  	[smem:$0x3FAA] =	sst s8  }
0x11: {  	[smem:$0x3FAB] =	sst s9;
	s0 =	simm.s32 @!p0 $0x0  }
0x12: {  	s1 =	sld [smem:$0x3F91];
	s0 =	simm.s32 @p0 $0x1  }
0x13: {  	[smem:$0x3FAC] =	sst s0;
	s0 =	simm.s32 @!p1 $0x0  }
0x14: {  	s2 =	sld [smem:$0x3F90];
	s0 =	simm.s32 @p1 $0x1  }
0x15: {  	[smem:$0x3FAD] =	sst s0;
	s0 =	simm.s32 @!p2 $0x0  }
0x16: {  	s3 =	sld [smem:$0x3FDB];
	s0 =	simm.s32 @p2 $0x1  }
0x17: {  	s4 =	simm.s32 $0x1BF5;
	[smem:$0x3FAF] =	sst s0  }
0x18: {  	s0 =	sld [smem:$0x3F92];
	_ =	swait.ge [sflag:s4], $0x0  }
0x19: {  	s7 =	sld [smem:$0x3F93]  }
0x1a: {  	s8 =	sadd.s32 $0xFFFFE003, lr  }
0x1b: {  	s9 =	sadd.s32 $0xFFFFFEF7, lr;
	s5 =	simm.s32 $0xFFFFFFFF;
	p2 =	slt.u32 s8, $0xFFFFF086  }
0x1c: {  	p1 =	slt.u32 s9, $0xF7A;
	s5 =	simm.s32 @!p2 $0x0  }
0x1d: {  	s5 =	simm.s32 @p1 $0x1;
	p0 =	seq.s32 s7, s2  }
0x1e: {  	s7 =	smul.u32 @!p0 $0xF7A, s2;
	p2 =	seq.s32 @!p0 s5, $0x0  }
0x1f: {  	s9 =	smul.u32 $0xF7A, s1;
	s8 =	simm.s32 @!p0 $0x1BF5;
	p2 =	por !p2, p0  }
0x20: {  	[sflag:s8] =	ssyncset.s32 @!p0 $0xFFFFF086;
	s6 =	sadd.s32 @!p0 s3, s7;
	s7 =	simm.s32 @!p0 $0x108  }
0x21: {  	s3 =	sadd.s32 s3, s9;
	s6 =	sadd.s32 @!p0 $0x88, s6;
	s7 =	simm.s32 @p2 $0x1082  }
0x22: {  	[simem:s7], [sflag:s8] =	dma.local @!p0 [hbm:s6], $0xF7A  }
0x23: {  	s9 =	sor.u32 $0xD0000000, s2;
	s6 =	simm.s32 $0x108;
	_ =	swait.ge @!p0 [sflag:s8], $0x0  }
0x24: {  	s3 =	sadd.s32 $0x88, s3;
	s6 =	simm.s32 @!p1 $0x1082;
	[sflag:s4] =	ssyncset.s32 $0xFFFFF086  }
0x25: {  	[simem:s6], [sflag:s4] =	dma.local [hbm:s3], $0xF7A  }
0x26: {  	[smem:$0x3F93] =	sst s1;
	(tag) =	ssettag s2;
	_ =	strace s9  }
0x27: {  	s1 =	sld [smem:$0x3FA3]  }
0x28: {  	s2 =	sld [smem:$0x3FA4]  }
0x29: {  	s4 =	sld [smem:$0x3FA6]  }
0x2a: {  	p0 =	seq.s32 s5, $0x0;
	s5 =	sld [smem:$0x3FA7]  }
0x2b: {  	s6 =	sld [smem:$0x3FA8]  }
0x2c: {  	s7 =	sld [smem:$0x3FA9]  }
0x2d: {  	s3 =	simm.s32 $0x108;
	s8 =	sld [smem:$0x3FAA]  }
0x2e: {  	s3 =	simm.s32 @!p0 $0x1082;
	s9 =	sld [smem:$0x3FAB]  }
0x2f: {  	lr =	sadd.s32 s0, s3;
	s0 =	sld [smem:$0x3FA2]  }
0x30: {  	s3 =	sld [smem:$0x3FA5]  }
0x31: {  	[smem:$0x3FAE] =	sst s10  }
0x32: {  	s10 =	sld [smem:$0x3FAC];
	_ =	sdelay $0x3  }
0x33: {  	p0 =	seq.s32 s10, $0x1;
	s10 =	sld [smem:$0x3FAE];
	_ =	sdelay $0x3  }
0x34: {  	[smem:$0x3FAE] =	sst s10  }
0x35: {  	s10 =	sld [smem:$0x3FAD];
	_ =	sdelay $0x3  }
0x36: {  	p1 =	seq.s32 s10, $0x1;
	s10 =	sld [smem:$0x3FAE];
	_ =	sdelay $0x3  }
0x37: {  	[smem:$0x3FAE] =	sst s10  }
0x38: {  	s10 =	sld [smem:$0x3FAF]  }
0x39: {  	_ = 	snop;
	(pc) =	sbr.ind lr, $3  }
0x3a: {  	_ = 	snop  }
0x3b: {  	_ = 	snop  }
0x3c: {  	p2 =	seq.s32 s10, $0x1;
	s10 =	sld [smem:$0x3FAE]  }
0x3d: {  	_ =	shalt  }
0x3e: {  	_ =	shalt  }
0x3f: {  	_ =	shalt  }
0x40: {  	_ =	shalt  }
0x41: {  	_ =	shalt  }
0x42: {  	_ =	shalt  }
0x43: {  	_ =	shalt  }
0x44: {  	_ =	shalt  }
0x45: {  	_ =	shalt  }
0x46: {  	_ =	shalt  }
0x47: {  	_ =	shalt  }
0x48: {  	_ =	shalt  }
0x49: {  	_ =	shalt  }
0x4a: {  	_ =	shalt  }
0x4b: {  	_ =	shalt  }
0x4c: {  	_ =	shalt  }
0x4d: {  	_ =	shalt  }
0x4e: {  	_ =	shalt  }
0x4f: {  	_ =	shalt  }
0x50: {  	_ =	shalt  }
0x51: {  	_ =	shalt  }
0x52: {  	_ =	shalt  }
0x53: {  	_ =	shalt  }
0x54: {  	_ =	shalt  }
0x55: {  	_ =	shalt  }
0x56: {  	_ =	shalt  }
0x57: {  	_ =	shalt  }
0x58: {  	_ =	shalt  }
0x59: {  	_ =	shalt  }
0x5a: {  	_ =	shalt  }
0x5b: {  	_ =	shalt  }
0x5c: {  	_ =	shalt  }
0x5d: {  	_ =	shalt  }
0x5e: {  	_ =	shalt  }
0x5f: {  	_ =	shalt  }
0x60: {  	_ =	shalt  }
0x61: {  	_ =	shalt  }
0x62: {  	_ =	shalt  }
0x63: {  	_ =	shalt  }
0x64: {  	_ =	shalt  }
0x65: {  	_ =	shalt  }
0x66: {  	_ =	shalt  }
0x67: {  	_ =	shalt  }
0x68: {  	_ =	shalt  }
0x69: {  	_ =	shalt  }
0x6a: {  	_ =	shalt  }
0x6b: {  	_ =	shalt  }
0x6c: {  	_ =	shalt  }
0x6d: {  	_ =	shalt  }
0x6e: {  	_ =	shalt  }
0x6f: {  	_ =	shalt  }
0x70: {  	_ =	shalt  }
0x71: {  	_ =	shalt  }
0x72: {  	_ =	shalt  }
0x73: {  	_ =	shalt  }
0x74: {  	_ =	shalt  }
0x75: {  	_ =	shalt  }
0x76: {  	_ =	shalt  }
0x77: {  	_ =	shalt  }
0x78: {  	_ =	shalt  }
0x79: {  	_ =	shalt  }
0x7a: {  	_ =	shalt  }
0x7b: {  	_ =	shalt  }
0x7c: {  	_ =	shalt  }
0x7d: {  	_ =	shalt  }
0x7e: {  	_ =	shalt  }
0x7f: {  	_ =	shalt  }
0x80: {  	_ =	shalt  }
0x81: {  	_ =	shalt  }
0x82: {  	_ =	shalt  }
0x83: {  	_ =	shalt  }
0x84: {  	_ =	shalt  }
0x85: {  	_ =	shalt  }
0x86: {  	_ =	shalt  }
0x87: {  	_ =	shalt  }
.Lfunc_end0:
.L_simem_size_0:
called_computation.1_lowered:
.L_overlay_start_0:
0x88: {  	s2 =	sld [smem:$0x3FD9]  }
0x89: {  	s3 =	sld [smem:$0x3FFE];
	_ =	sdelay $0x1  }
0x8a: {  	s1 =	srdreg.scid  }
0x8b: {  	s0 =	sand.u32 $0x1, s1  }
0x8c: {  	s16 =	sshll.u32 s0, $0xA;
	s2 =	sadd.s32 s3, s2  }
0x8d: {  	s2 =	sadd.s32 s2, s16  }
0x8e: {  	[smem:$0x3FBA] =	sst s2  }
0x8f: {  	_ = 	snop  }
0x90: {  	(tm) =	ssettm $0x1  }
0x91: {  	s17 =	sld [smem:$0x3FFB];
	_ =	sdelay $0x3  }
0x92: {  	_ =	strace s17  }
0x93: {  	s2 =	sld [smem:$0x3FFC];
	_ =	sdelay $0x3  }
0x94: {  	_ =	strace s2  }
0x95: {  	s2 =	sld [smem:$0x3FFD];
	_ =	sdelay $0x3  }
0x96: {  	_ =	strace s2  }
0x97: {  	_ =	strace $0x8FFFFFFF  }
0x98: {  	s18 =	sld [smem:$0x3FDB];
	_ =	sdelay $0x1  }
0x99: {  	s19 =	simm.s32 $_scs_section_size  }
0x9a: {  	s4 =	simm.s32 $_size__tile_overlayer_lowered;
	s5 =	simm.s32 $_tile_overlayer_lowered  }
0x9b: {  	s22 =	simm.s32 $0x1BFF;
	s21 =	sshll.u32 s5, $0x1;
	s2 =	sadd.s32 s19, s18  }
0x9c: {  	s6 =	simm.s32 $0x0;
	s20 =	sshll.u32 s4, $0x1;
	s4 =	sadd.s32 s21, s2  }
0x9d: {  	[timem:s6], [sflag:s22] =	dma.local [hbm:s4], s20  }
0x9e: {  	_ =	swait.ge [sflag:s22], s20  }
0x9f: {  	s3 =	ssub.s32 $0x0, s20;
	[sflag:s22] =	ssyncset.done $0x0  }
0xa0: {  	[sflag:s22] =	ssyncadd.s32 s3;
	_ =	sdelay $0x1  }
0xa1: {  	s23 =	simm.s32 $0x1B8B  }
0xa2: {  	_ =	swait.ge [sflag:s23], $0x1  }
0xa3: {  	[sflag:s23] =	ssyncset.done $0x0  }
0xa4: {  	s25 =	simm.s32 $0x1B8E;
	s24 =	sld [smem:$0x3FFE];
	[sflag:s23] =	ssyncadd.s32 $0xFFFFFFFF  }
0xa5: {  	s26 =	simm.s32 $execute0_lowered;
	[smem:$0x3FD2] =	sst s25  }
0xa6: {  	s4 =	sshll.u32 s26, $0x1;
	_ =	strace $0x80000049;
	[dreg:$0x1] =	wrdreg $0xFFFFFFFF  }
0xa7: {  	s28 =	simm.s32 $_size_execute0_lowered;
	s2 =	sadd.s32 s2, s4;
	[dreg:$0x0] =	wrdreg $0x0  }
0xa8: {  	s4 =	sshll.u32 s28, $0x1;
	[dreg:$0x2] =	wrdreg s2  }
0xa9: {  	[dreg:$0x3] =	wrdreg s4  }
0xaa: {  	[dreg:$0x4] =	wrdreg $0xC0  }
0xab: {  	_ =	task [dreg:s6], $0x5FFFF  }
0xac: {  	[dreg:$0x1] =	wrdreg $0xFFFFFFFF  }
0xad: {  	[dreg:$0x0] =	wrdreg $0x60  }
0xae: {  	[dreg:$0x2] =	wrdreg s24  }
0xaf: {  	[dreg:$0x3] =	wrdreg $0xB0000  }
0xb0: {  	[dreg:$0x4] =	wrdreg $0x126800  }
0xb1: {  	[dreg:$0x5] =	wrdreg $0x9  }
0xb2: {  	_ =	task.clear_ibuf [dreg:s6], $0x6FFFF;
	_ =	strace $0x90000049  }
0xb3: {  	s29 =	simm.s32 $0x9;
	_ =	strace $0x8000004B  }
0xb4: {  	_ =	swait.ge [sflag:s29], $0x1  }
0xb5: {  	[sflag:s29] =	ssyncadd.s32 $0xFFFFFFFF  }
0xb6: {  	_ =	strace $0x9000004B  }
0xb7: {  	_ =	sfence  }
0xb8: {  	s30 =	sld [smem:$0x0];
	_ =	sdelay $0x2  }
0xb9: {  	s31 =	sshll.u32 s1, $0xD;
	s1 =	sshrl.u32 s1, $0x2  }
0xba: {  	s3 =	sand.u32 $0x4000, s31;
	s1 =	sadd.s32 s1, s30  }
0xbb: {  	s0 =	sor.u32 s3, s0;
	s1 =	sshll.u32 s1, $0x11  }
0xbc: {  	s0 =	sor.u32 s1, s0  }
0xbd: {  	s0 =	sadd.s32 $0x8F2B, s0  }
0xbe: {  	[sflag:s0] =	ssyncadd.remote.s32 $0x1  }
0xbf: {  	_ =	sfence.sel $0xFFFF  }
0xc0: {  	[dreg:$0x0] =	wrdreg $0xFFFFFFFF;
	(pc) =	sbr.abs _section_cstart, $3  }
0xc1: {  	[dreg:$0x1] =	wrdreg $0xFFFFFFFF  }
0xc2: {  	_ =	task.clear_ibuf [dreg:s6], $0x2FFFF;
	_ =	strace $0x9FFFFFFF  }
0xc3: {  	(tm) =	ssettm $0x7FFFFFFF  }
tec
execute0_lowered:
.L_overlay_start_1:
0x0: {  	(tag) =	ssettag $0x1  }
0x1: {  	s0 =	rddreg [dreg:$0x0];
	s14 =	stileid.u32  }
0x2: {  	s1 =	srdreg.scid;
	s2 =	rddreg [dreg:$0x1]  }
0x3: {  	s3 =	rddreg [dreg:$0x2];
	s4 =	simm.s32 $0x0;
	s17 =	simm.s32 $0x2800  }
0x4: {  	s18 =	simm.s32 $0x80;
	s19 =	simm.s32 $0x5000;
	s20 =	simm.s32 $0x6800  }
0x5: {  	s29 =	simm.s32 $0x2;
	s31 =	simm.s32 $0x6;
	s5 =	smul.u32 $0x7500, s14  }
0x6: {  	s30 =	simm.s32 $0x4;
	s21 =	simm.s32 $0x8;
	s7 =	smul.u32 $0x2800, s14  }
0x7: {  	s1 =	sand.u32 $0x1, s1;
	[smem:$0x7FF] =	sst s4;
	s8 =	smul.u32 $0x7680, s14  }
0x8: {  	s26 =	sshll.u32 s14, $0x6;
	s15 =	sadd.s32 $0x6DB00, s3;
	s6 =	smul.u32 $0x28000, s1  }
0x9: {  	p0 =	seq.s32 s14, $0xF;
	s14 =	simm.s32 $0x9;
	s22 =	smul.u32 $0x76800, s1  }
0xa: {  	_ =	strace $0x8000004A;
	s1 =	ssub.s32 $0x2, s1;
	s15 =	sshrl.u32 @p0 s15, $0x3  }
0xb: {  	s9 =	sshrl.u32 s5, $0x3;
	s24 =	sshrl.u32 s8, $0x3;
	s11 =	sshrl.u32 s1, $0x1  }
0xc: {  	s13 =	sadd.s32 s8, s2;
	s5 =	sadd.s32 s5, s3;
	s6 =	sadd.s32 s7, s6  }
0xd: {  	s9 =	sadd.s32 s9, s0;
	s23 =	sadd.s32 s8, s22;
	s7 =	sadd.s32 s24, s0  }
0xe: {  	s1 =	ssub.s32 s1, s11;
	s8 =	sadd.s32 $0xFF60, s0;
	s13 =	sshrl.u32 s13, $0x3  }
0xf: {  	s16 =	sshrl.u32 @!p0 s5, $0x3;
	s22 =	simm.s32 $0x8000;
	s24 =	simm.s32 $0x9800  }
0x10: {  	s6 =	sshrl.u32 s6, $0x3;
	s25 =	sadd.s32 $0x25800, s7;
	s28 =	sadd.s32 $0x2400, s9  }
0x11: {  	s10 =	sadd.s32 s6, s0;
	s6 =	sshrl.u32 s23, $0x3;
	[dreg:$0x4] =	wrdreg s25  }
0x12: {  	[dreg:$0x5] =	wrdreg s28;
	s25 =	simm.s32 $0x1;
	s23 =	simm.s32 $0x7  }
0x13: {  	s12 =	sadd.s32 s6, s0;
	s6 =	sor.u32 $0x1C09, s26;
	s9 =	sadd.s32 $0x1B200, s10  }
0x14: {  	s10 =	sadd.s32 $0x11200, s10;
	s26 =	simm.s32 $0x5;
	s0 =	simm.s32 $0x3  }
0x15: {  	s11 =	sadd.s32 $0x34600, s12;
	s12 =	smax.u32 s1, $0x1;
	s1 =	simm.s32 $0x0  }
.LBB2_1:
0x16: {  	s5 =	rddreg [dreg:$0x4]  }
0x17: {  	[spmem:s13], [sflag:s6] =	dma.local [hbm:s5], $0xED0  }
0x18: {  	_ =	swait.ge [sflag:s14], $0xED0  }
0x19: {  	[sflag:s14] =	ssyncset.done $0x0  }
0x1a: {  	s5 =	simm.s32 @p0 $0x9;
	[sflag:s14] =	ssyncadd.s32 $0xFFFFF130  }
0x1b: {  	[spmem:s15], [sflag:s6] =	dma.local @p0 [hbm:s8], $0xF00  }
0x1c: {  	_ =	swait.ge @p0 [sflag:s5], $0xF00  }
0x1d: {  	[sflag:s5] =	ssyncset.done @p0 $0x0  }
0x1e: {  	[sflag:s5] =	ssyncadd.s32 @p0 $0xFFFFF100;
	s5 =	rddreg [dreg:$0x5]  }
0x1f: {  	[spmem:s16], [sflag:s6] =	dma.local @!p0 [hbm:s5], $0xEA0  }
0x20: {  	s5 =	simm.s32 @!p0 $0x9  }
0x21: {  	_ =	swait.ge @!p0 [sflag:s5], $0xEA0  }
0x22: {  	[sflag:s5] =	ssyncset.done @!p0 $0x0  }
0x23: {  	[sflag:s5] =	ssyncadd.s32 @!p0 $0xFFFFF160  }
0x24: {  	[tilespmem:s4], [sflag:$0x9] =	stream.linear.gather [hbm4b:s9+s4], $0x2800, $0x38;
	[tilespmem:$0x19D00] =	vst v63  }
0x25: {  	_ =	swait.ge [sflag:s14], $0x2800  }
0x26: {  	[sflag:s14] =	ssyncset.done $0x0  }
0x27: {  	[sflag:s14] =	ssyncadd.s32 $0xFFFFD800  }
0x28: {  	[tilespmem:s17], [sflag:$0x9] =	stream.linear.gather [hbm4b:s10+s4], $0x2800, $0x38;
	[tilespmem:$0x19D00] =	vst v63  }
0x29: {  	_ =	swait.ge [sflag:s14], $0x2800  }
0x2a: {  	[sflag:s14] =	ssyncset.done $0x0  }
0x2b: {  	[sflag:s14] =	ssyncadd.s32 $0xFFFFD800  }
0x2c: {  	[bflag:$0x0] =	sbarrier.arrive $0xFFFF  }
0x2d: {  	[tilespmem:s19], [sflag:$0x1] =	stream.indirect.gather [spmem:s3], $0x30, s4, s18, $0xb8;
	[tilespmem:$0x19D00] =	vst v63  }
0x2e: {  	_ = 	snop  }
0x2f: {  	[tilespmem:s20], [sflag:$0x2] =	stream.indirect.gather [spmem:s3], $0x30, s18, s18, $0xb8;
	[tilespmem:$0x19D00] =	vst v63  }
0x30: {  	s7 =	simm.s32 $0x100  }
0x31: {  	[tilespmem:s22], [sflag:$0x3] =	stream.indirect.gather [spmem:s3], $0x30, s7, s18, $0xb8;
	[tilespmem:$0x19D00] =	vst v63  }
0x32: {  	s7 =	simm.s32 $0x180  }
0x33: {  	[tilespmem:s24], [sflag:$0x4] =	stream.indirect.gather [spmem:s3], $0x30, s7, s18, $0xb8;
	[tilespmem:$0x19D00] =	vst v63  }
0x34: {  	_ =	swait.ge [sflag:s25], $0x1800  }
0x35: {  	[sflag:s25] =	ssyncset.done $0x0  }
0x36: {  	[sflag:s25] =	ssyncadd.s32 $0xFFFFE800  }
0x37: {  	[spmem:s2] =	stream.indirect.scatter.add.f32 [tilespmem:s19], [sflag:$0x5], $0x30, s17, s18, $0xb8;
	[tilespmem:$0x19D00] =	vst v63  }
0x38: {  	_ =	swait.ge [sflag:s26], $0x1800  }
0x39: {  	[sflag:s26] =	ssyncset.done $0x0  }
0x3a: {  	s7 =	simm.s32 $0x200;
	[sflag:s26] =	ssyncadd.s32 $0xFFFFE800  }
0x3b: {  	[tilespmem:s19], [sflag:$0x1] =	stream.indirect.gather [spmem:s3], $0x30, s7, s18, $0xb8;
	[tilespmem:$0x19D00] =	vst v63  }
0x3c: {  	_ =	swait.ge [sflag:s29], $0x1800  }
0x3d: {  	[sflag:s29] =	ssyncset.done $0x0  }
0x3e: {  	s7 =	simm.s32 $0x2880;
	[sflag:s29] =	ssyncadd.s32 $0xFFFFE800  }
0x3f: {  	[spmem:s2] =	stream.indirect.scatter.add.f32 [tilespmem:s20], [sflag:$0x6], $0x30, s7, s18, $0xb8;
	[tilespmem:$0x19D00] =	vst v63  }
0x40: {  	_ =	swait.ge [sflag:s31], $0x1800  }
0x41: {  	[sflag:s31] =	ssyncset.done $0x0  }
0x42: {  	s7 =	simm.s32 $0x280;
	[sflag:s31] =	ssyncadd.s32 $0xFFFFE800  }
0x43: {  	[tilespmem:s20], [sflag:$0x2] =	stream.indirect.gather [spmem:s3], $0x30, s7, s18, $0xb8;
	[tilespmem:$0x19D00] =	vst v63  }
0x44: {  	_ =	swait.ge [sflag:s0], $0x1800  }
0x45: {  	[sflag:s0] =	ssyncset.done $0x0  }
0x46: {  	s7 =	simm.s32 $0x2900;
	[sflag:s0] =	ssyncadd.s32 $0xFFFFE800  }
0x47: {  	[spmem:s2] =	stream.indirect.scatter.add.f32 [tilespmem:s22], [sflag:$0x7], $0x30, s7, s18, $0xb8;
	[tilespmem:$0x19D00] =	vst v63  }
0x48: {  	_ =	swait.ge [sflag:s23], $0x1800  }
0x49: {  	[sflag:s23] =	ssyncset.done $0x0  }
0x4a: {  	s7 =	simm.s32 $0x300;
	[sflag:s23] =	ssyncadd.s32 $0xFFFFE800  }
0x4b: {  	[tilespmem:s22], [sflag:$0x3] =	stream.indirect.gather [spmem:s3], $0x30, s7, s18, $0xb8;
	[tilespmem:$0x19D00] =	vst v63  }
0x4c: {  	_ =	swait.ge [sflag:s30], $0x1800  }
0x4d: {  	[sflag:s30] =	ssyncset.done $0x0  }
0x4e: {  	s7 =	simm.s32 $0x2980;
	[sflag:s30] =	ssyncadd.s32 $0xFFFFE800  }
0x4f: {  	[spmem:s2] =	stream.indirect.scatter.add.f32 [tilespmem:s24], [sflag:$0x8], $0x30, s7, s18, $0xb8;
	[tilespmem:$0x19D00] =	vst v63  }
0x50: {  	_ =	swait.ge [sflag:s21], $0x1800  }
0x51: {  	[sflag:s21] =	ssyncset.done $0x0  }
0x52: {  	s7 =	simm.s32 $0x380;
	[sflag:s21] =	ssyncadd.s32 $0xFFFFE800  }
0x53: {  	[tilespmem:s24], [sflag:$0x4] =	stream.indirect.gather [spmem:s3], $0x30, s7, s18, $0xb8;
	[tilespmem:$0x19D00] =	vst v63  }
0x54: {  	_ =	swait.ge [sflag:s25], $0x1800  }
0x55: {  	[sflag:s25] =	ssyncset.done $0x0  }
0x56: {  	s7 =	simm.s32 $0x2A00;
	[sflag:s25] =	ssyncadd.s32 $0xFFFFE800  }
0x57: {  	[spmem:s2] =	stream.indirect.scatter.add.f32 [tilespmem:s19], [sflag:$0x5], $0x30, s7, s18, $0xb8;
	[tilespmem:$0x19D00] =	vst v63  }
0x58: {  	_ =	swait.ge [sflag:s26], $0x1800  }
0x59: {  	[sflag:s26] =	ssyncset.done $0x0  }
0x5a: {  	s7 =	simm.s32 $0x400;
	[sflag:s26] =	ssyncadd.s32 $0xFFFFE800  }
0x5b: {  	[tilespmem:s19], [sflag:$0x1] =	stream.indirect.gather [spmem:s3], $0x30, s7, s18, $0xb8;
	[tilespmem:$0x19D00] =	vst v63  }
0x5c: {  	_ =	swait.ge [sflag:s29], $0x1800  }
0x5d: {  	[sflag:s29] =	ssyncset.done $0x0  }
0x5e: {  	s7 =	simm.s32 $0x2A80;
	[sflag:s29] =	ssyncadd.s32 $0xFFFFE800  }
0x5f: {  	[spmem:s2] =	stream.indirect.scatter.add.f32 [tilespmem:s20], [sflag:$0x6], $0x30, s7, s18, $0xb8;
	[tilespmem:$0x19D00] =	vst v63  }
0x60: {  	_ =	swait.ge [sflag:s31], $0x1800  }
0x61: {  	[sflag:s31] =	ssyncset.done $0x0  }
0x62: {  	s7 =	simm.s32 $0x480;
	[sflag:s31] =	ssyncadd.s32 $0xFFFFE800  }
0x63: {  	[tilespmem:s20], [sflag:$0x2] =	stream.indirect.gather [spmem:s3], $0x30, s7, s18, $0xb8;
	[tilespmem:$0x19D00] =	vst v63  }
0x64: {  	_ =	swait.ge [sflag:s0], $0x1800  }
0x65: {  	[sflag:s0] =	ssyncset.done $0x0  }
0x66: {  	s7 =	simm.s32 $0x2B00;
	[sflag:s0] =	ssyncadd.s32 $0xFFFFE800  }
0x67: {  	[spmem:s2] =	stream.indirect.scatter.add.f32 [tilespmem:s22], [sflag:$0x7], $0x30, s7, s18, $0xb8;
	[tilespmem:$0x19D00] =	vst v63  }
0x68: {  	_ =	swait.ge [sflag:s23], $0x1800  }
0x69: {  	[sflag:s23] =	ssyncset.done $0x0  }
0x6a: {  	s7 =	simm.s32 $0x500;
	[sflag:s23] =	ssyncadd.s32 $0xFFFFE800  }
0x6b: {  	[tilespmem:s22], [sflag:$0x3] =	stream.indirect.gather [spmem:s3], $0x30, s7, s18, $0xb8;
	[tilespmem:$0x19D00] =	vst v63  }
0x6c: {  	_ =	swait.ge [sflag:s30], $0x1800  }
0x6d: {  	[sflag:s30] =	ssyncset.done $0x0  }
0x6e: {  	s28 =	simm.s32 $0x800;
	s5 =	simm.s32 $0x2B80;
	[sflag:s30] =	ssyncadd.s32 $0xFFFFE800  }
.LBB2_2:
0x6f: {  	[spmem:s2] =	stream.indirect.scatter.add.f32 [tilespmem:s24], [sflag:$0x8], $0x30, s5, s18, $0xb8;
	[tilespmem:$0x19D00] =	vst v63  }
0x70: {  	s5 =	smov.u32 s28  }
0x71: {  	p1 =	sne.s32 s28, $0x8800;
	s28 =	sadd.s32 $0x800, s28;
	_ =	swait.ge [sflag:s21], $0x1800  }
0x72: {  	s5 =	sshra.s32 s5, $0x2;
	[sflag:s21] =	ssyncset.done $0x0  }
0x73: {  	s7 =	sadd.s32 $0x380, s5;
	[sflag:s21] =	ssyncadd.s32 $0xFFFFE800  }
0x74: {  	[tilespmem:s24], [sflag:$0x4] =	stream.indirect.gather [spmem:s3], $0x30, s7, s18, $0xb8;
	[tilespmem:$0x19D00] =	vst v63  }
0x75: {  	_ =	swait.ge [sflag:s25], $0x1800  }
0x76: {  	[sflag:s25] =	ssyncset.done $0x0  }
0x77: {  	s7 =	sadd.s32 $0x2A00, s5;
	[sflag:s25] =	ssyncadd.s32 $0xFFFFE800  }
0x78: {  	[spmem:s2] =	stream.indirect.scatter.add.f32 [tilespmem:s19], [sflag:$0x5], $0x30, s7, s18, $0xb8;
	[tilespmem:$0x19D00] =	vst v63  }
0x79: {  	_ =	swait.ge [sflag:s26], $0x1800  }
0x7a: {  	[sflag:s26] =	ssyncset.done $0x0  }
0x7b: {  	s7 =	sadd.s32 $0x400, s5;
	[sflag:s26] =	ssyncadd.s32 $0xFFFFE800  }
0x7c: {  	[tilespmem:s19], [sflag:$0x1] =	stream.indirect.gather [spmem:s3], $0x30, s7, s18, $0xb8;
	[tilespmem:$0x19D00] =	vst v63  }
0x7d: {  	_ =	swait.ge [sflag:s29], $0x1800  }
0x7e: {  	[sflag:s29] =	ssyncset.done $0x0  }
0x7f: {  	s7 =	sadd.s32 $0x2A80, s5;
	[sflag:s29] =	ssyncadd.s32 $0xFFFFE800  }
0x80: {  	[spmem:s2] =	stream.indirect.scatter.add.f32 [tilespmem:s20], [sflag:$0x6], $0x30, s7, s18, $0xb8;
	[tilespmem:$0x19D00] =	vst v63  }
0x81: {  	_ =	swait.ge [sflag:s31], $0x1800  }
0x82: {  	[sflag:s31] =	ssyncset.done $0x0  }
0x83: {  	s7 =	sadd.s32 $0x480, s5;
	[sflag:s31] =	ssyncadd.s32 $0xFFFFE800  }
0x84: {  	[tilespmem:s20], [sflag:$0x2] =	stream.indirect.gather [spmem:s3], $0x30, s7, s18, $0xb8;
	[tilespmem:$0x19D00] =	vst v63  }
0x85: {  	_ =	swait.ge [sflag:s0], $0x1800  }
0x86: {  	[sflag:s0] =	ssyncset.done $0x0  }
0x87: {  	s7 =	sadd.s32 $0x2B00, s5;
	[sflag:s0] =	ssyncadd.s32 $0xFFFFE800  }
0x88: {  	[spmem:s2] =	stream.indirect.scatter.add.f32 [tilespmem:s22], [sflag:$0x7], $0x30, s7, s18, $0xb8;
	[tilespmem:$0x19D00] =	vst v63  }
0x89: {  	_ =	swait.ge [sflag:s23], $0x1800  }
0x8a: {  	[sflag:s23] =	ssyncset.done $0x0  }
.Ltmp0:
0x8b: {  	s7 =	sadd.s32 $0x500, s5;
	[sflag:s23] =	ssyncadd.s32 $0xFFFFE800;
	(pc) =	sbr.rel @p1 .LBB2_2-.Ltmp0, $4  }
0x8c: {  	[tilespmem:s22], [sflag:$0x3] =	stream.indirect.gather [spmem:s3], $0x30, s7, s18, $0xb8;
	[tilespmem:$0x19D00] =	vst v63  }
0x8d: {  	_ =	swait.ge [sflag:s30], $0x1800  }
0x8e: {  	[sflag:s30] =	ssyncset.done $0x0  }
0x8f: {  	s5 =	sadd.s32 $0x2B80, s5;
	[sflag:s30] =	ssyncadd.s32 $0xFFFFE800  }
0x90: {  	[spmem:s2] =	stream.indirect.scatter.add.f32 [tilespmem:s24], [sflag:$0x8], $0x30, s5, s18, $0xb8;
	[tilespmem:$0x19D00] =	vst v63  }
0x91: {  	_ =	swait.ge [sflag:s21], $0x1800  }
0x92: {  	[sflag:s21] =	ssyncset.done $0x0  }
0x93: {  	s28 =	simm.s32 $0x2780;
	[sflag:s21] =	ssyncadd.s32 $0xFFFFE800  }
0x94: {  	[tilespmem:s24], [sflag:$0x4] =	stream.indirect.gather [spmem:s3], $0x30, s28, s18, $0xb8;
	[tilespmem:$0x19D00] =	vst v63  }
0x95: {  	_ =	swait.ge [sflag:s25], $0x1800  }
0x96: {  	[sflag:s25] =	ssyncset.done $0x0  }
0x97: {  	s7 =	simm.s32 $0x4E00;
	[sflag:s25] =	ssyncadd.s32 $0xFFFFE800  }
0x98: {  	[spmem:s2] =	stream.indirect.scatter.add.f32 [tilespmem:s19], [sflag:$0x5], $0x30, s7, s18, $0xb8;
	[tilespmem:$0x19D00] =	vst v63  }
0x99: {  	_ =	swait.ge [sflag:s29], $0x1800  }
0x9a: {  	[sflag:s29] =	ssyncset.done $0x0  }
0x9b: {  	s28 =	simm.s32 $0x4E80;
	[sflag:s29] =	ssyncadd.s32 $0xFFFFE800  }
0x9c: {  	[spmem:s2] =	stream.indirect.scatter.add.f32 [tilespmem:s20], [sflag:$0x6], $0x30, s28, s18, $0xb8;
	[tilespmem:$0x19D00] =	vst v63  }
0x9d: {  	_ =	swait.ge [sflag:s0], $0x1800  }
0x9e: {  	[sflag:s0] =	ssyncset.done $0x0  }
0x9f: {  	s7 =	simm.s32 $0x4F00;
	[sflag:s0] =	ssyncadd.s32 $0xFFFFE800  }
0xa0: {  	[spmem:s2] =	stream.indirect.scatter.add.f32 [tilespmem:s22], [sflag:$0x7], $0x30, s7, s18, $0xb8;
	[tilespmem:$0x19D00] =	vst v63  }
0xa1: {  	_ =	swait.ge [sflag:s30], $0x1800  }
0xa2: {  	[sflag:s30] =	ssyncset.done $0x0  }
0xa3: {  	s28 =	simm.s32 $0x4F80;
	[sflag:s30] =	ssyncadd.s32 $0xFFFFE800  }
0xa4: {  	[spmem:s2] =	stream.indirect.scatter.add.f32 [tilespmem:s24], [sflag:$0x8], $0x30, s28, s18, $0xb8;
	[tilespmem:$0x19D00] =	vst v63  }
0xa5: {  	_ =	swait.ge [sflag:s26], $0x1800  }
0xa6: {  	[sflag:s26] =	ssyncset.done $0x0  }
0xa7: {  	[sflag:s26] =	ssyncadd.s32 $0xFFFFE800  }
0xa8: {  	_ =	swait.ge [sflag:s31], $0x1800  }
0xa9: {  	[sflag:s31] =	ssyncset.done $0x0  }
0xaa: {  	[sflag:s31] =	ssyncadd.s32 $0xFFFFE800  }
0xab: {  	_ =	swait.ge [sflag:s23], $0x1800  }
0xac: {  	[sflag:s23] =	ssyncset.done $0x0  }
0xad: {  	[sflag:s23] =	ssyncadd.s32 $0xFFFFE800  }
0xae: {  	_ =	swait.ge [sflag:s21], $0x1800  }
0xaf: {  	s1 =	sadd.s32 $0x1, s1;
	[sflag:s21] =	ssyncset.done $0x0  }
0xb0: {  	p1 =	sne.s32 s1, s12;
	[sflag:s21] =	ssyncadd.s32 $0xFFFFE800  }
.Ltmp1:
0xb1: {  	[bflag:$0x0] =	sbarrier.arrive $0xFFFF;
	(pc) =	sbr.rel @p1 .LBB2_1-.Ltmp1, $4  }
0xb2: {  	[hbm:s11], [sflag:s6] =	dma.local [spmem:s13], $0xED0  }
0xb3: {  	_ =	swait.ge [sflag:s14], $0xED0  }
0xb4: {  	[sflag:s14] =	ssyncset.done $0x0  }
0xb5: {  	[sflag:s14] =	ssyncadd.s32 $0xFFFFF130  }
0xb6: {  	_ =	sfence.sel $0x180000  }
0xb7: {  	[bflag:$0x0] =	sbarrier.arrive $0xFFFF  }
0xb8: {  	_ =	strace $0x9000004A  }
0xb9: {  	s0 =	stileid.u32;
	[bflag:$0x2] =	sbarrier.arrive $0xFFFF  }
0xba: {  	p0 =	sne.s32 s0, $0x0;
	s0 =	rddreg [dreg:$0x3]  }
0xbb: {  	s0 =	sadd.s32 @!p0 $0x100000, s0  }
0xbc: {  	[sflag:s0] =	ssyncadd.tile.s32 @!p0 $0x1;
	_ =	shalt  }
.Lfunc_end2:
_tile_overlayer_lowered:
.L_overlay_start_2:
0xbd: {  	(tag) =	ssettag $0x2  }
0xbe: {  	s0 =	rddreg [dreg:$0x0];
	s2 =	stileid.u32  }
0xbf: {  	s1 =	rddreg [dreg:$0x1];
	p0 =	sne.s32 s2, $0x0  }
0xc0: {  	s3 =	rddreg [dreg:$0x2];
	[bflag:$0x3] =	sbarrier.arrive $0xFFFF;
	s2 =	simm.s32 @!p0 $0x1C09  }
0xc1: {  	[timem:s3], [sflag:s2] =	dma.local @!p0 [hbm:s0], s1  }
0xc2: {  	s0 =	simm.s32 @!p0 $0x9  }
0xc3: {  	_ =	swait.ge @!p0 [sflag:s0], s1  }
0xc4: {  	s1 =	ssub.s32 @!p0 $0x0, s1;
	[sflag:s0] =	ssyncset.done @!p0 $0x0  }
0xc5: {  	[sflag:s0] =	ssyncadd.s32 @!p0 s1  }
0xc6: {  	[bflag:$0x3] =	sbarrier.arrive $0xFFFF  }
0xc7: {  	_ =	shalt  }

// kernel: kernel.7.cloned.1.call-start
scs
__scs_entry_jumppad:
0x0: {  	(pc) =	sbr.rel $0x88, $3  }
0x1: {  	(tag) =	ssettag $0x0;
	lr =	simm.s32 $0x1  }
0x2: {  	[smem:$0x3F93] =	sst lr;
	_ =	strace $0xD0000000  }
0x3: {  	_ = 	snop  }
0x4: {  	_ = 	snop  }
0x5: {  	_ = 	snop  }
0x6: {  	_ = 	snop  }
0x7: {  	_ = 	snop  }
__scs_overlays_trampoline_lowered:
0x8: {  	[smem:$0x3FA2] =	sst s0  }
0x9: {  	[smem:$0x3FA3] =	sst s1  }
0xa: {  	[smem:$0x3FA4] =	sst s2  }
0xb: {  	[smem:$0x3FA5] =	sst s3  }
0xc: {  	[smem:$0x3FA6] =	sst s4  }
0xd: {  	[smem:$0x3FA7] =	sst s5  }
0xe: {  	[smem:$0x3FA8] =	sst s6  }
0xf: {  	[smem:$0x3FA9] =	sst s7  }
0x10: {  	[smem:$0x3FAA] =	sst s8  }
0x11: {  	[smem:$0x3FAB] =	sst s9;
	s0 =	simm.s32 @!p0 $0x0  }
0x12: {  	s1 =	sld [smem:$0x3F91];
	s0 =	simm.s32 @p0 $0x1  }
0x13: {  	[smem:$0x3FAC] =	sst s0;
	s0 =	simm.s32 @!p1 $0x0  }
0x14: {  	s2 =	sld [smem:$0x3F90];
	s0 =	simm.s32 @p1 $0x1  }
0x15: {  	[smem:$0x3FAD] =	sst s0;
	s0 =	simm.s32 @!p2 $0x0  }
0x16: {  	s3 =	sld [smem:$0x3FDB];
	s0 =	simm.s32 @p2 $0x1  }
0x17: {  	s4 =	simm.s32 $0x1BF5;
	[smem:$0x3FAF] =	sst s0  }
0x18: {  	s0 =	sld [smem:$0x3F92];
	_ =	swait.ge [sflag:s4], $0x0  }
0x19: {  	s7 =	sld [smem:$0x3F93]  }
0x1a: {  	s8 =	sadd.s32 $0xFFFFE003, lr  }
0x1b: {  	s9 =	sadd.s32 $0xFFFFFEF7, lr;
	s5 =	simm.s32 $0xFFFFFFFF;
	p2 =	slt.u32 s8, $0xFFFFF086  }
0x1c: {  	p1 =	slt.u32 s9, $0xF7A;
	s5 =	simm.s32 @!p2 $0x0  }
0x1d: {  	s5 =	simm.s32 @p1 $0x1;
	p0 =	seq.s32 s7, s2  }
0x1e: {  	s7 =	smul.u32 @!p0 $0xF7A, s2;
	p2 =	seq.s32 @!p0 s5, $0x0  }
0x1f: {  	s9 =	smul.u32 $0xF7A, s1;
	s8 =	simm.s32 @!p0 $0x1BF5;
	p2 =	por !p2, p0  }
0x20: {  	[sflag:s8] =	ssyncset.s32 @!p0 $0xFFFFF086;
	s6 =	sadd.s32 @!p0 s3, s7;
	s7 =	simm.s32 @!p0 $0x108  }
0x21: {  	s3 =	sadd.s32 s3, s9;
	s6 =	sadd.s32 @!p0 $0x88, s6;
	s7 =	simm.s32 @p2 $0x1082  }
0x22: {  	[simem:s7], [sflag:s8] =	dma.local @!p0 [hbm:s6], $0xF7A  }
0x23: {  	s9 =	sor.u32 $0xD0000000, s2;
	s6 =	simm.s32 $0x108;
	_ =	swait.ge @!p0 [sflag:s8], $0x0  }
0x24: {  	s3 =	sadd.s32 $0x88, s3;
	s6 =	simm.s32 @!p1 $0x1082;
	[sflag:s4] =	ssyncset.s32 $0xFFFFF086  }
0x25: {  	[simem:s6], [sflag:s4] =	dma.local [hbm:s3], $0xF7A  }
0x26: {  	[smem:$0x3F93] =	sst s1;
	(tag) =	ssettag s2;
	_ =	strace s9  }
0x27: {  	s1 =	sld [smem:$0x3FA3]  }
0x28: {  	s2 =	sld [smem:$0x3FA4]  }
0x29: {  	s4 =	sld [smem:$0x3FA6]  }
0x2a: {  	p0 =	seq.s32 s5, $0x0;
	s5 =	sld [smem:$0x3FA7]  }
0x2b: {  	s6 =	sld [smem:$0x3FA8]  }
0x2c: {  	s7 =	sld [smem:$0x3FA9]  }
0x2d: {  	s3 =	simm.s32 $0x108;
	s8 =	sld [smem:$0x3FAA]  }
0x2e: {  	s3 =	simm.s32 @!p0 $0x1082;
	s9 =	sld [smem:$0x3FAB]  }
0x2f: {  	lr =	sadd.s32 s0, s3;
	s0 =	sld [smem:$0x3FA2]  }
0x30: {  	s3 =	sld [smem:$0x3FA5]  }
0x31: {  	[smem:$0x3FAE] =	sst s10  }
0x32: {  	s10 =	sld [smem:$0x3FAC];
	_ =	sdelay $0x3  }
0x33: {  	p0 =	seq.s32 s10, $0x1;
	s10 =	sld [smem:$0x3FAE];
	_ =	sdelay $0x3  }
0x34: {  	[smem:$0x3FAE] =	sst s10  }
0x35: {  	s10 =	sld [smem:$0x3FAD];
	_ =	sdelay $0x3  }
0x36: {  	p1 =	seq.s32 s10, $0x1;
	s10 =	sld [smem:$0x3FAE];
	_ =	sdelay $0x3  }
0x37: {  	[smem:$0x3FAE] =	sst s10  }
0x38: {  	s10 =	sld [smem:$0x3FAF]  }
0x39: {  	_ = 	snop;
	(pc) =	sbr.ind lr, $3  }
0x3a: {  	_ = 	snop  }
0x3b: {  	_ = 	snop  }
0x3c: {  	p2 =	seq.s32 s10, $0x1;
	s10 =	sld [smem:$0x3FAE]  }
0x3d: {  	_ =	shalt  }
0x3e: {  	_ =	shalt  }
0x3f: {  	_ =	shalt  }
0x40: {  	_ =	shalt  }
0x41: {  	_ =	shalt  }
0x42: {  	_ =	shalt  }
0x43: {  	_ =	shalt  }
0x44: {  	_ =	shalt  }
0x45: {  	_ =	shalt  }
0x46: {  	_ =	shalt  }
0x47: {  	_ =	shalt  }
0x48: {  	_ =	shalt  }
0x49: {  	_ =	shalt  }
0x4a: {  	_ =	shalt  }
0x4b: {  	_ =	shalt  }
0x4c: {  	_ =	shalt  }
0x4d: {  	_ =	shalt  }
0x4e: {  	_ =	shalt  }
0x4f: {  	_ =	shalt  }
0x50: {  	_ =	shalt  }
0x51: {  	_ =	shalt  }
0x52: {  	_ =	shalt  }
0x53: {  	_ =	shalt  }
0x54: {  	_ =	shalt  }
0x55: {  	_ =	shalt  }
0x56: {  	_ =	shalt  }
0x57: {  	_ =	shalt  }
0x58: {  	_ =	shalt  }
0x59: {  	_ =	shalt  }
0x5a: {  	_ =	shalt  }
0x5b: {  	_ =	shalt  }
0x5c: {  	_ =	shalt  }
0x5d: {  	_ =	shalt  }
0x5e: {  	_ =	shalt  }
0x5f: {  	_ =	shalt  }
0x60: {  	_ =	shalt  }
0x61: {  	_ =	shalt  }
0x62: {  	_ =	shalt  }
0x63: {  	_ =	shalt  }
0x64: {  	_ =	shalt  }
0x65: {  	_ =	shalt  }
0x66: {  	_ =	shalt  }
0x67: {  	_ =	shalt  }
0x68: {  	_ =	shalt  }
0x69: {  	_ =	shalt  }
0x6a: {  	_ =	shalt  }
0x6b: {  	_ =	shalt  }
0x6c: {  	_ =	shalt  }
0x6d: {  	_ =	shalt  }
0x6e: {  	_ =	shalt  }
0x6f: {  	_ =	shalt  }
0x70: {  	_ =	shalt  }
0x71: {  	_ =	shalt  }
0x72: {  	_ =	shalt  }
0x73: {  	_ =	shalt  }
0x74: {  	_ =	shalt  }
0x75: {  	_ =	shalt  }
0x76: {  	_ =	shalt  }
0x77: {  	_ =	shalt  }
0x78: {  	_ =	shalt  }
0x79: {  	_ =	shalt  }
0x7a: {  	_ =	shalt  }
0x7b: {  	_ =	shalt  }
0x7c: {  	_ =	shalt  }
0x7d: {  	_ =	shalt  }
0x7e: {  	_ =	shalt  }
0x7f: {  	_ =	shalt  }
0x80: {  	_ =	shalt  }
0x81: {  	_ =	shalt  }
0x82: {  	_ =	shalt  }
0x83: {  	_ =	shalt  }
0x84: {  	_ =	shalt  }
0x85: {  	_ =	shalt  }
0x86: {  	_ =	shalt  }
0x87: {  	_ =	shalt  }
.Lfunc_end0:
.L_simem_size_0:
called_computation_lowered:
.L_overlay_start_0:
0x88: {  	s2 =	sld [smem:$0x3FD9]  }
0x89: {  	s3 =	sld [smem:$0x3FFE];
	_ =	sdelay $0x1  }
0x8a: {  	s1 =	srdreg.scid  }
0x8b: {  	s0 =	sand.u32 $0x1, s1  }
0x8c: {  	s17 =	sshll.u32 s0, $0xA;
	s2 =	sadd.s32 s3, s2  }
0x8d: {  	s2 =	sadd.s32 s2, s17  }
0x8e: {  	[smem:$0x3FBA] =	sst s2  }
0x8f: {  	_ = 	snop  }
0x90: {  	s2 =	sld [smem:$0x3FD0];
	(tm) =	ssettm $0x1  }
0x91: {  	s18 =	sld [smem:$0x3FFB];
	_ =	sdelay $0x3  }
0x92: {  	_ =	strace s18  }
0x93: {  	s3 =	sld [smem:$0x3FFC];
	_ =	sdelay $0x3  }
0x94: {  	_ =	strace s3  }
0x95: {  	s3 =	sld [smem:$0x3FFD];
	_ =	sdelay $0x3  }
0x96: {  	_ =	strace s3  }
0x97: {  	_ =	strace $0x8FFFFFFF  }
0x98: {  	s19 =	sld [smem:$0x3FDB];
	_ =	sdelay $0x1  }
0x99: {  	s4 =	simm.s32 $_scs_section_size  }
0x9a: {  	s5 =	simm.s32 $_size__tile_overlayer_lowered;
	s6 =	simm.s32 $_tile_overlayer_lowered  }
0x9b: {  	s22 =	simm.s32 $0x1BFF;
	s21 =	sshll.u32 s6, $0x1;
	s3 =	sadd.s32 s4, s19  }
0x9c: {  	s7 =	simm.s32 $0x0;
	s20 =	sshll.u32 s5, $0x1;
	s5 =	sadd.s32 s21, s3  }
0x9d: {  	[timem:s7], [sflag:s22] =	dma.local [hbm:s5], s20  }
0x9e: {  	_ =	swait.ge [sflag:s22], s20  }
0x9f: {  	s4 =	ssub.s32 $0x0, s20;
	[sflag:s22] =	ssyncset.done $0x0  }
0xa0: {  	[sflag:s22] =	ssyncadd.s32 s4;
	_ =	sdelay $0x1  }
0xa1: {  	s23 =	simm.s32 $0x1B8B  }
0xa2: {  	_ =	swait.ge [sflag:s23], $0x1  }
0xa3: {  	[sflag:s23] =	ssyncset.done $0x0  }
0xa4: {  	s25 =	simm.s32 $0x1B8E;
	s24 =	sld [smem:$0x3FFE];
	[sflag:s23] =	ssyncadd.s32 $0xFFFFFFFF  }
0xa5: {  	s26 =	simm.s32 $execute0_lowered;
	[smem:$0x3FD2] =	sst s25  }
0xa6: {  	s5 =	sshll.u32 s26, $0x1;
	_ =	strace $0x80000046;
	[dreg:$0x1] =	wrdreg $0xFFFFFFFF  }
0xa7: {  	s28 =	simm.s32 $_size_execute0_lowered;
	s3 =	sadd.s32 s3, s5;
	[dreg:$0x0] =	wrdreg $0x0  }
0xa8: {  	s5 =	sshll.u32 s28, $0x1;
	[dreg:$0x2] =	wrdreg s3  }
0xa9: {  	[dreg:$0x3] =	wrdreg s5  }
0xaa: {  	[dreg:$0x4] =	wrdreg $0xC0  }
0xab: {  	_ =	task [dreg:s7], $0x5FFFF  }
0xac: {  	[dreg:$0x1] =	wrdreg $0xFFFFFFFF  }
0xad: {  	[dreg:$0x0] =	wrdreg $0x60  }
0xae: {  	[dreg:$0x2] =	wrdreg s24  }
0xaf: {  	[dreg:$0x3] =	wrdreg s2  }
0xb0: {  	[dreg:$0x4] =	wrdreg $0xB0000  }
0xb1: {  	[dreg:$0x5] =	wrdreg $0x1C7800  }
0xb2: {  	[dreg:$0x6] =	wrdreg $0x126800  }
0xb3: {  	[dreg:$0x7] =	wrdreg $0x9  }
0xb4: {  	_ =	task.clear_ibuf [dreg:s7], $0x8FFFF;
	_ =	strace $0x90000046  }
0xb5: {  	s29 =	simm.s32 $0x9;
	_ =	strace $0x80000048  }
0xb6: {  	_ =	swait.ge [sflag:s29], $0x1  }
0xb7: {  	[sflag:s29] =	ssyncadd.s32 $0xFFFFFFFF  }
0xb8: {  	_ =	strace $0x90000048  }
0xb9: {  	_ =	sfence  }
0xba: {  	s30 =	sld [smem:$0x0];
	_ =	sdelay $0x2  }
0xbb: {  	s31 =	sshll.u32 s1, $0xD;
	s1 =	sshrl.u32 s1, $0x2  }
0xbc: {  	s3 =	sand.u32 $0x4000, s31;
	s1 =	sadd.s32 s1, s30  }
0xbd: {  	s0 =	sor.u32 s3, s0;
	s1 =	sshll.u32 s1, $0x11  }
0xbe: {  	s0 =	sor.u32 s1, s0  }
0xbf: {  	s0 =	sadd.s32 $0x8F2B, s0  }
0xc0: {  	[sflag:s0] =	ssyncadd.remote.s32 $0x1  }
0xc1: {  	_ =	sfence.sel $0xFFFF  }
0xc2: {  	[dreg:$0x0] =	wrdreg $0xFFFFFFFF;
	(pc) =	sbr.abs _section_cstart, $3  }
0xc3: {  	[dreg:$0x1] =	wrdreg $0xFFFFFFFF  }
0xc4: {  	_ =	task.clear_ibuf [dreg:s7], $0x2FFFF;
	_ =	strace $0x9FFFFFFF  }
0xc5: {  	(tm) =	ssettm $0x7FFFFFFF  }
tec
execute0_lowered:
.L_overlay_start_1:
0x0: {  	(tag) =	ssettag $0x1  }
0x1: {  	s1 =	rddreg [dreg:$0x0]  }
0x2: {  	s2 =	rddreg [dreg:$0x1]  }
0x3: {  	s0 =	rddreg [dreg:$0x2]  }
0x4: {  	s3 =	rddreg [dreg:$0x3]  }
0x5: {  	s5 =	srdreg.scid;
	s16 =	stileid.u32  }
0x6: {  	s4 =	rddreg [dreg:$0x4];
	s28 =	simm.s32 $0x5000;
	s8 =	smul.u32 $0x2800, s16  }
0x7: {  	s29 =	simm.s32 $0x6800;
	s31 =	simm.s32 $0x8000;
	s10 =	smul.u32 $0x7500, s16  }
0x8: {  	s30 =	simm.s32 $0x3;
	s6 =	sand.u32 $0x1, s5;
	s26 =	smul.u32 $0x7680, s16  }
0x9: {  	s5 =	simm.s32 $0x0;
	s17 =	sadd.s32 $0x25200, s1;
	s15 =	smul.u32 $0x280, s16  }
0xa: {  	s13 =	sadd.s32 $0x2400, s1;
	s20 =	sshll.u32 s16, $0x6;
	s7 =	smul.u32 $0x28000, s6  }
0xb: {  	p0 =	seq.s32 s16, $0xF;
	[smem:$0x7FF] =	sst s5;
	s11 =	smul.u32 $0x76800, s6  }
0xc: {  	s19 =	ssub.s32 $0x2, s6;
	s6 =	smul.u32 $0x2800, s6;
	_ =	strace $0x80000047  }
0xd: {  	s9 =	sshrl.u32 s10, $0x3;
	s18 =	sshrl.u32 s26, $0x3;
	[dreg:$0x7] =	wrdreg s13  }
0xe: {  	s14 =	sshrl.u32 s19, $0x1;
	s21 =	sshrl.u32 s15, $0x3;
	[dreg:$0x6] =	wrdreg s17  }
0xf: {  	s10 =	sadd.s32 s10, s4;
	s7 =	sadd.s32 s8, s7;
	s12 =	sadd.s32 s9, s1  }
0x10: {  	s9 =	sadd.s32 s18, s1;
	s11 =	sadd.s32 s26, s11;
	s13 =	ssub.s32 s19, s14  }
0x11: {  	s8 =	sadd.s32 s26, s0;
	s18 =	sadd.s32 s15, s3;
	s14 =	sadd.s32 s17, s21  }
0x12: {  	s23 =	sadd.s32 s15, s6;
	s21 =	simm.s32 $0x19D00;
	s15 =	simm.s32 $0x1C500  }
0x13: {  	s6 =	simm.s32 $0x5;
	s7 =	sshrl.u32 s7, $0x3;
	[dreg:$0x9] =	wrdreg s18  }
0x14: {  	s11 =	sshrl.u32 s11, $0x3;
	s9 =	sadd.s32 $0x25800, s9;
	[dreg:$0xa] =	wrdreg s14  }
0x15: {  	s12 =	sadd.s32 $0x2600, s12;
	s26 =	smax.u32 s13, $0x1;
	s19 =	sshrl.u32 s8, $0x3  }
0x16: {  	s8 =	simm.s32 $0x6;
	s7 =	sadd.s32 s7, s1;
	[dreg:$0x8] =	wrdreg s9  }
0x17: {  	s11 =	sadd.s32 s11, s1;
	s9 =	sor.u32 $0x1C09, s20;
	[dreg:$0xb] =	wrdreg s12  }
0x18: {  	s12 =	sadd.s32 $0x6DB00, s4;
	s1 =	sadd.s32 $0x10160, s1;
	[dreg:$0x11] =	wrdreg s26  }
0x19: {  	s20 =	simm.s32 $0x9;
	s26 =	simm.s32 $0x80;
	[dreg:$0xc] =	wrdreg s1  }
0x1a: {  	s22 =	sadd.s32 $0x1B200, s7;
	s24 =	sadd.s32 $0x11200, s7;
	s25 =	sadd.s32 $0x34600, s11  }
0x1b: {  	s1 =	sshrl.u32 s23, $0x3;
	s23 =	sshrl.u32 @p0 s12, $0x3;
	[dreg:$0xd] =	wrdreg s22  }
0x1c: {  	s7 =	simm.s32 $0x4;
	s11 =	simm.s32 $0x8;
	[dreg:$0xe] =	wrdreg s24  }
0x1d: {  	s12 =	simm.s32 $0x0;
	[dreg:$0xf] =	wrdreg s25;
	s1 =	sadd.s32 s2, s1  }
0x1e: {  	s24 =	sshrl.u32 @!p0 s10, $0x3;
	s2 =	simm.s32 $0x1;
	s25 =	simm.s32 $0x2  }
0x1f: {  	v0 =	vimm.f32 $1.000000000e+00;
	s10 =	simm.s32 $0x7;
	[dreg:$0x10] =	wrdreg s1;
	s1 =	simm.s32 $0x9800  }
.LBB2_1:
0x20: {  	s13 =	rddreg [dreg:$0x8]  }
0x21: {  	[spmem:s19], [sflag:s9] =	dma.local [hbm:s13], $0xED0  }
0x22: {  	_ =	swait.ge [sflag:s20], $0xED0  }
0x23: {  	[sflag:s20] =	ssyncset.done $0x0;
	s17 =	rddreg [dreg:$0x9]  }
0x24: {  	s14 =	rddreg [dreg:$0xa];
	[sflag:s20] =	ssyncadd.s32 $0xFFFFF130;
	s13 =	sshrl.u32 s17, $0x3  }
0x25: {  	[spmem:s13], [sflag:s9] =	dma.local [hbm:s14], $0x50  }
0x26: {  	_ =	swait.ge [sflag:s20], $0x50  }
0x27: {  	[sflag:s20] =	ssyncset.done $0x0  }
0x28: {  	s18 =	rddreg [dreg:$0x6];
	[sflag:s20] =	ssyncadd.s32 $0xFFFFFFB0  }
0x29: {  	[tilespmem:s21], [sflag:$0x9] =	stream.linear.gather [hbm4b:s18+s5], $0x2800, $0x38;
	[tilespmem:$0x1CA00] =	vst v63  }
0x2a: {  	_ =	swait.ge [sflag:s20], $0x2800  }
0x2b: {  	[sflag:s20] =	ssyncset.done $0x0  }
0x2c: {  	s22 =	rddreg [dreg:$0x7];
	[sflag:s20] =	ssyncadd.s32 $0xFFFFD800  }
0x2d: {  	[tilespmem:s15], [sflag:$0x9] =	stream.linear.gather [hbm4b:s22+s5], $0x280, $0x38;
	[tilespmem:$0x1CA00] =	vst v63  }
0x2e: {  	_ =	swait.ge [sflag:s20], $0x280  }
0x2f: {  	[sflag:s20] =	ssyncset.done $0x0  }
0x30: {  	s14 =	rddreg [dreg:$0xc];
	[sflag:s20] =	ssyncadd.s32 $0xFFFFFD80  }
0x31: {  	[spmem:s23], [sflag:s9] =	dma.local @p0 [hbm:s14], $0xF00  }
0x32: {  	s14 =	simm.s32 @p0 $0x9  }
0x33: {  	_ =	swait.ge @p0 [sflag:s14], $0xF00  }
0x34: {  	[sflag:s14] =	ssyncset.done @p0 $0x0  }
0x35: {  	[sflag:s14] =	ssyncadd.s32 @p0 $0xFFFFF100;
	s14 =	rddreg [dreg:$0xb]  }
0x36: {  	[spmem:s24], [sflag:s9] =	dma.local @!p0 [hbm:s14], $0xEA0  }
0x37: {  	s14 =	simm.s32 @!p0 $0x9  }
0x38: {  	_ =	swait.ge @!p0 [sflag:s14], $0xEA0  }
0x39: {  	[sflag:s14] =	ssyncset.done @!p0 $0x0  }
0x3a: {  	s16 =	rddreg [dreg:$0xd];
	[sflag:s14] =	ssyncadd.s32 @!p0 $0xFFFFF160  }
0x3b: {  	[tilespmem:s5], [sflag:$0x9] =	stream.linear.gather [hbm4b:s16+s5], $0x2800, $0x38;
	[tilespmem:$0x1CA00] =	vst v63  }
0x3c: {  	_ =	swait.ge [sflag:s20], $0x2800  }
0x3d: {  	[sflag:s20] =	ssyncset.done $0x0  }
0x3e: {  	s18 =	simm.s32 $0x2800;
	s17 =	rddreg [dreg:$0xe];
	[sflag:s20] =	ssyncadd.s32 $0xFFFFD800  }
0x3f: {  	[tilespmem:s18], [sflag:$0x9] =	stream.linear.gather [hbm4b:s17+s5], $0x2800, $0x38;
	[tilespmem:$0x1CA00] =	vst v63  }
0x40: {  	_ =	swait.ge [sflag:s20], $0x2800  }
0x41: {  	[sflag:s20] =	ssyncset.done $0x0  }
0x42: {  	[sflag:s20] =	ssyncadd.s32 $0xFFFFD800  }
0x43: {  	[bflag:$0x0] =	sbarrier.arrive $0xFFFF  }
0x44: {  	[tilespmem:s28], [sflag:$0x1] =	stream.indirect.gather [spmem:s4], $0x30, s5, s26, $0xb8;
	[tilespmem:$0x1CA00] =	vst v63  }
0x45: {  	_ = 	snop  }
0x46: {  	[tilespmem:s29], [sflag:$0x2] =	stream.indirect.gather [spmem:s4], $0x30, s26, s26, $0xb8;
	[tilespmem:$0x1CA00] =	vst v63  }
0x47: {  	s22 =	simm.s32 $0x100;
	s14 =	simm.s32 $0x0  }
0x48: {  	[tilespmem:s31], [sflag:$0x3] =	stream.indirect.gather [spmem:s4], $0x30, s22, s26, $0xb8;
	[tilespmem:$0x1CA00] =	vst v63  }
.LBB2_2:
0x49: {  	p1 =	seq.s32 s14, $0x0  }
0x4a: {  	s16 =	simm.s32 @!p1 $0x8  }
0x4b: {  	_ =	swait.ge @!p1 [sflag:s16], $0x1800  }
0x4c: {  	s15 =	sshra.s32 s14, $0x2;
	[sflag:s16] =	ssyncset.done @!p1 $0x0  }
0x4d: {  	s17 =	sadd.s32 $0x180, s15;
	[sflag:s16] =	ssyncadd.s32 @!p1 $0xFFFFE800  }
0x4e: {  	[tilespmem:s1], [sflag:$0x4] =	stream.indirect.gather [spmem:s4], $0x30, s17, s26, $0xb8;
	[tilespmem:$0x1CA00] =	vst v63  }
0x4f: {  	v1 =	vld [tilespmem:s15+$0x2800];
	_ =	sdelay $0x7  }
0x50: {  	[tilespmem:v1+s21+$0x0] =	vst.idx.add.f32.msk $0xffff, v0  }
0x51: {  	v1 =	vld [tilespmem:s15+$0x2810];
	_ =	sdelay $0x7  }
0x52: {  	[tilespmem:v1+s21+$0x0] =	vst.idx.add.f32.msk $0xffff, v0  }
0x53: {  	v1 =	vld [tilespmem:s15+$0x2820];
	_ =	sdelay $0x7  }
0x54: {  	[tilespmem:v1+s21+$0x0] =	vst.idx.add.f32.msk $0xffff, v0  }
0x55: {  	v1 =	vld [tilespmem:s15+$0x2830];
	_ =	sdelay $0x7  }
0x56: {  	[tilespmem:v1+s21+$0x0] =	vst.idx.add.f32.msk $0xffff, v0  }
0x57: {  	v1 =	vld [tilespmem:s15+$0x2840];
	_ =	sdelay $0x7  }
0x58: {  	[tilespmem:v1+s21+$0x0] =	vst.idx.add.f32.msk $0xffff, v0  }
0x59: {  	v1 =	vld [tilespmem:s15+$0x2850];
	_ =	sdelay $0x7  }
0x5a: {  	[tilespmem:v1+s21+$0x0] =	vst.idx.add.f32.msk $0xffff, v0  }
0x5b: {  	v1 =	vld [tilespmem:s15+$0x2860];
	_ =	sdelay $0x7  }
0x5c: {  	[tilespmem:v1+s21+$0x0] =	vst.idx.add.f32.msk $0xffff, v0  }
0x5d: {  	v1 =	vld [tilespmem:s15+$0x2870];
	_ =	sdelay $0x7  }
0x5e: {  	[tilespmem:v1+s21+$0x0] =	vst.idx.add.f32.msk $0xffff, v0  }
0x5f: {  	_ =	swait.ge [sflag:s2], $0x1800  }
0x60: {  	p1 =	seq.s32 s14, $0x9800;
	[sflag:s2] =	ssyncset.done $0x0  }
0x61: {  	s18 =	sadd.s32 $0x2800, s15;
	s16 =	simm.s32 @!p1 $0x5;
	[sflag:s2] =	ssyncadd.s32 $0xFFFFE800  }
0x62: {  	[spmem:s0] =	stream.indirect.scatter.add.f32 [tilespmem:s28], [sflag:$0x5], $0x30, s18, s26, $0xb8;
	[tilespmem:$0x1CA00] =	vst v63  }
0x63: {  	_ =	swait.ge @!p1 [sflag:s16], $0x1800  }
0x64: {  	[sflag:s16] =	ssyncset.done @!p1 $0x0  }
0x65: {  	[sflag:s16] =	ssyncadd.s32 @!p1 $0xFFFFE800;
	s16 =	sshra.s32 @!p1 s14, $0x2  }
0x66: {  	s22 =	simm.s32 @!p1 $0x5000;
	s18 =	simm.s32 @!p1 $0x80;
	s17 =	sadd.s32 @!p1 $0x200, s16  }
0x67: {  	[tilespmem:s22], [sflag:$0x1] =	stream.indirect.gather @!p1 [spmem:s4], $0x30, s17, s18, $0xb8;
	[tilespmem:$0x1CA00] =	vst v63  }
0x68: {  	v1 =	vld [tilespmem:s15+$0x2880];
	_ =	sdelay $0x7  }
0x69: {  	[tilespmem:v1+s21+$0x0] =	vst.idx.add.f32.msk $0xffff, v0  }
0x6a: {  	v1 =	vld [tilespmem:s15+$0x2890];
	_ =	sdelay $0x7  }
0x6b: {  	[tilespmem:v1+s21+$0x0] =	vst.idx.add.f32.msk $0xffff, v0  }
0x6c: {  	v1 =	vld [tilespmem:s15+$0x28A0];
	_ =	sdelay $0x7  }
0x6d: {  	[tilespmem:v1+s21+$0x0] =	vst.idx.add.f32.msk $0xffff, v0  }
0x6e: {  	v1 =	vld [tilespmem:s15+$0x28B0];
	_ =	sdelay $0x7  }
0x6f: {  	[tilespmem:v1+s21+$0x0] =	vst.idx.add.f32.msk $0xffff, v0  }
0x70: {  	v1 =	vld [tilespmem:s15+$0x28C0];
	_ =	sdelay $0x7  }
0x71: {  	[tilespmem:v1+s21+$0x0] =	vst.idx.add.f32.msk $0xffff, v0  }
0x72: {  	v1 =	vld [tilespmem:s15+$0x28D0];
	_ =	sdelay $0x7  }
0x73: {  	[tilespmem:v1+s21+$0x0] =	vst.idx.add.f32.msk $0xffff, v0  }
0x74: {  	v1 =	vld [tilespmem:s15+$0x28E0];
	_ =	sdelay $0x7  }
0x75: {  	[tilespmem:v1+s21+$0x0] =	vst.idx.add.f32.msk $0xffff, v0  }
0x76: {  	v1 =	vld [tilespmem:s15+$0x28F0];
	_ =	sdelay $0x7  }
0x77: {  	[tilespmem:v1+s21+$0x0] =	vst.idx.add.f32.msk $0xffff, v0  }
0x78: {  	_ =	swait.ge [sflag:s25], $0x1800  }
0x79: {  	[sflag:s25] =	ssyncset.done $0x0  }
0x7a: {  	s22 =	sadd.s32 $0x2880, s15;
	s17 =	simm.s32 @!p1 $0x6;
	[sflag:s25] =	ssyncadd.s32 $0xFFFFE800  }
0x7b: {  	[spmem:s0] =	stream.indirect.scatter.add.f32 [tilespmem:s29], [sflag:$0x6], $0x30, s22, s26, $0xb8;
	[tilespmem:$0x1CA00] =	vst v63  }
0x7c: {  	_ =	swait.ge @!p1 [sflag:s17], $0x1800  }
0x7d: {  	[sflag:s17] =	ssyncset.done @!p1 $0x0  }
0x7e: {  	s22 =	simm.s32 @!p1 $0x6800;
	[sflag:s17] =	ssyncadd.s32 @!p1 $0xFFFFE800;
	s17 =	sadd.s32 @!p1 $0x280, s16  }
0x7f: {  	[tilespmem:s22], [sflag:$0x2] =	stream.indirect.gather @!p1 [spmem:s4], $0x30, s17, s18, $0xb8;
	[tilespmem:$0x1CA00] =	vst v63  }
0x80: {  	v1 =	vld [tilespmem:s15+$0x2900];
	_ =	sdelay $0x7  }
0x81: {  	[tilespmem:v1+s21+$0x0] =	vst.idx.add.f32.msk $0xffff, v0  }
0x82: {  	v1 =	vld [tilespmem:s15+$0x2910];
	_ =	sdelay $0x7  }
0x83: {  	[tilespmem:v1+s21+$0x0] =	vst.idx.add.f32.msk $0xffff, v0  }
0x84: {  	v1 =	vld [tilespmem:s15+$0x2920];
	_ =	sdelay $0x7  }
0x85: {  	[tilespmem:v1+s21+$0x0] =	vst.idx.add.f32.msk $0xffff, v0  }
0x86: {  	v1 =	vld [tilespmem:s15+$0x2930];
	_ =	sdelay $0x7  }
0x87: {  	[tilespmem:v1+s21+$0x0] =	vst.idx.add.f32.msk $0xffff, v0  }
0x88: {  	v1 =	vld [tilespmem:s15+$0x2940];
	_ =	sdelay $0x7  }
0x89: {  	[tilespmem:v1+s21+$0x0] =	vst.idx.add.f32.msk $0xffff, v0  }
0x8a: {  	v1 =	vld [tilespmem:s15+$0x2950];
	_ =	sdelay $0x7  }
0x8b: {  	[tilespmem:v1+s21+$0x0] =	vst.idx.add.f32.msk $0xffff, v0  }
0x8c: {  	v1 =	vld [tilespmem:s15+$0x2960];
	_ =	sdelay $0x7  }
0x8d: {  	[tilespmem:v1+s21+$0x0] =	vst.idx.add.f32.msk $0xffff, v0  }
0x8e: {  	v1 =	vld [tilespmem:s15+$0x2970];
	_ =	sdelay $0x7  }
0x8f: {  	[tilespmem:v1+s21+$0x0] =	vst.idx.add.f32.msk $0xffff, v0  }
0x90: {  	_ =	swait.ge [sflag:s30], $0x1800  }
0x91: {  	[sflag:s30] =	ssyncset.done $0x0  }
0x92: {  	s22 =	sadd.s32 $0x2900, s15;
	s17 =	simm.s32 @!p1 $0x7;
	[sflag:s30] =	ssyncadd.s32 $0xFFFFE800  }
0x93: {  	[spmem:s0] =	stream.indirect.scatter.add.f32 [tilespmem:s31], [sflag:$0x7], $0x30, s22, s26, $0xb8;
	[tilespmem:$0x1CA00] =	vst v63  }
0x94: {  	_ =	swait.ge @!p1 [sflag:s17], $0x1800  }
0x95: {  	[sflag:s17] =	ssyncset.done @!p1 $0x0  }
0x96: {  	s16 =	sadd.s32 @!p1 $0x300, s16;
	[sflag:s17] =	ssyncadd.s32 @!p1 $0xFFFFE800;
	s17 =	simm.s32 @!p1 $0x8000  }
0x97: {  	[tilespmem:s17], [sflag:$0x3] =	stream.indirect.gather @!p1 [spmem:s4], $0x30, s16, s18, $0xb8;
	[tilespmem:$0x1CA00] =	vst v63  }
0x98: {  	v1 =	vld [tilespmem:s15+$0x2980];
	_ =	sdelay $0x7  }
0x99: {  	[tilespmem:v1+s21+$0x0] =	vst.idx.add.f32.msk $0xffff, v0  }
0x9a: {  	v1 =	vld [tilespmem:s15+$0x2990];
	_ =	sdelay $0x7  }
0x9b: {  	[tilespmem:v1+s21+$0x0] =	vst.idx.add.f32.msk $0xffff, v0  }
0x9c: {  	v1 =	vld [tilespmem:s15+$0x29A0];
	_ =	sdelay $0x7  }
0x9d: {  	[tilespmem:v1+s21+$0x0] =	vst.idx.add.f32.msk $0xffff, v0  }
0x9e: {  	v1 =	vld [tilespmem:s15+$0x29B0];
	_ =	sdelay $0x7  }
0x9f: {  	[tilespmem:v1+s21+$0x0] =	vst.idx.add.f32.msk $0xffff, v0  }
0xa0: {  	v1 =	vld [tilespmem:s15+$0x29C0];
	_ =	sdelay $0x7  }
0xa1: {  	[tilespmem:v1+s21+$0x0] =	vst.idx.add.f32.msk $0xffff, v0  }
0xa2: {  	v1 =	vld [tilespmem:s15+$0x29D0];
	_ =	sdelay $0x7  }
0xa3: {  	[tilespmem:v1+s21+$0x0] =	vst.idx.add.f32.msk $0xffff, v0  }
0xa4: {  	v1 =	vld [tilespmem:s15+$0x29E0];
	_ =	sdelay $0x7  }
0xa5: {  	[tilespmem:v1+s21+$0x0] =	vst.idx.add.f32.msk $0xffff, v0  }
0xa6: {  	v1 =	vld [tilespmem:s15+$0x29F0];
	_ =	sdelay $0x5  }
0xa7: {  	s14 =	sadd.s32 $0x800, s14  }
0xa8: {  	p1 =	sne.s32 s14, $0xA000  }
.Ltmp0:
0xa9: {  	[tilespmem:v1+s21+$0x0] =	vst.idx.add.f32.msk $0xffff, v0;
	(pc) =	sbr.rel @p1 .LBB2_2-.Ltmp0, $4  }
0xaa: {  	_ =	swait.ge [sflag:s7], $0x1800  }
0xab: {  	[sflag:s7] =	ssyncset.done $0x0  }
0xac: {  	s15 =	sadd.s32 $0x2980, s15;
	[sflag:s7] =	ssyncadd.s32 $0xFFFFE800  }
0xad: {  	[spmem:s0] =	stream.indirect.scatter.add.f32 [tilespmem:s1], [sflag:$0x8], $0x30, s15, s26, $0xb8;
	[tilespmem:$0x1CA00] =	vst v63  }
0xae: {  	_ =	swait.ge [sflag:s6], $0x1800  }
0xaf: {  	[sflag:s6] =	ssyncset.done $0x0  }
0xb0: {  	[sflag:s6] =	ssyncadd.s32 $0xFFFFE800  }
0xb1: {  	_ =	swait.ge [sflag:s8], $0x1800  }
0xb2: {  	[sflag:s8] =	ssyncset.done $0x0  }
0xb3: {  	[sflag:s8] =	ssyncadd.s32 $0xFFFFE800  }
0xb4: {  	_ =	swait.ge [sflag:s10], $0x1800  }
0xb5: {  	[sflag:s10] =	ssyncset.done $0x0  }
0xb6: {  	[sflag:s10] =	ssyncadd.s32 $0xFFFFE800  }
0xb7: {  	_ =	swait.ge [sflag:s11], $0x1800  }
0xb8: {  	[sflag:s11] =	ssyncset.done $0x0  }
0xb9: {  	s15 =	simm.s32 $0x1C500;
	[sflag:s11] =	ssyncadd.s32 $0xFFFFE800  }
0xba: {  	[spmem:s3] =	stream.indirect.scatter.add.f32 [tilespmem:s21], [sflag:$0x9], $0x10, s15, s26, $0xb8;
	[tilespmem:$0x1CA00] =	vst v63  }
0xbb: {  	_ =	swait.ge [sflag:s20], $0x800  }
0xbc: {  	[sflag:s20] =	ssyncset.done $0x0  }
0xbd: {  	s14 =	simm.s32 $0x1C580;
	s16 =	simm.s32 $0x1A500;
	[sflag:s20] =	ssyncadd.s32 $0xFFFFF800  }
0xbe: {  	[spmem:s3] =	stream.indirect.scatter.add.f32 [tilespmem:s16], [sflag:$0x9], $0x10, s14, s26, $0xb8;
	[tilespmem:$0x1CA00] =	vst v63  }
0xbf: {  	_ =	swait.ge [sflag:s20], $0x800  }
0xc0: {  	[sflag:s20] =	ssyncset.done $0x0  }
0xc1: {  	s18 =	simm.s32 $0x1C600;
	s22 =	simm.s32 $0x1AD00;
	[sflag:s20] =	ssyncadd.s32 $0xFFFFF800  }
0xc2: {  	[spmem:s3] =	stream.indirect.scatter.add.f32 [tilespmem:s22], [sflag:$0x9], $0x10, s18, s26, $0xb8;
	[tilespmem:$0x1CA00] =	vst v63  }
0xc3: {  	_ =	swait.ge [sflag:s20], $0x800  }
0xc4: {  	[sflag:s20] =	ssyncset.done $0x0  }
0xc5: {  	s17 =	simm.s32 $0x1B500;
	s16 =	simm.s32 $0x1C680;
	[sflag:s20] =	ssyncadd.s32 $0xFFFFF800  }
0xc6: {  	[spmem:s3] =	stream.indirect.scatter.add.f32 [tilespmem:s17], [sflag:$0x9], $0x10, s16, s26, $0xb8;
	[tilespmem:$0x1CA00] =	vst v63  }
0xc7: {  	_ =	swait.ge [sflag:s20], $0x800  }
0xc8: {  	[sflag:s20] =	ssyncset.done $0x0  }
0xc9: {  	s18 =	simm.s32 $0x1C700;
	s22 =	simm.s32 $0x1BD00;
	[sflag:s20] =	ssyncadd.s32 $0xFFFFF800  }
0xca: {  	[spmem:s3] =	stream.indirect.scatter.add.f32 [tilespmem:s22], [sflag:$0x9], $0x10, s18, s26, $0xb8;
	[tilespmem:$0x1CA00] =	vst v63  }
0xcb: {  	_ =	swait.ge [sflag:s20], $0x800  }
0xcc: {  	[sflag:s20] =	ssyncset.done $0x0  }
0xcd: {  	[sflag:s20] =	ssyncadd.s32 $0xFFFFF800  }
0xce: {  	[bflag:$0x0] =	sbarrier.arrive $0xFFFF  }
0xcf: {  	s17 =	rddreg [dreg:$0xf]  }
0xd0: {  	[hbm:s17], [sflag:s9] =	dma.local [spmem:s19], $0xED0  }
0xd1: {  	_ =	swait.ge [sflag:s20], $0xED0  }
0xd2: {  	[sflag:s20] =	ssyncset.done $0x0  }
0xd3: {  	s18 =	rddreg [dreg:$0x10];
	[sflag:s20] =	ssyncadd.s32 $0xFFFFF130  }
0xd4: {  	[hbm:s18], [sflag:s9] =	dma.local [spmem:s13], $0x50  }
0xd5: {  	_ =	swait.ge [sflag:s20], $0x50  }
0xd6: {  	s12 =	sadd.s32 $0x1, s12;
	s22 =	rddreg [dreg:$0x11]  }
0xd7: {  	p1 =	sne.s32 s12, s22  }
.Ltmp1:
0xd8: {  	_ = 	snop;
	(pc) =	sbr.rel @p1 .LBB2_1-.Ltmp1, $3  }
0xd9: {  	_ =	sdelay $0x1  }
0xda: {  	[sflag:s20] =	ssyncset.done $0x0  }
0xdb: {  	[sflag:s20] =	ssyncadd.s32 $0xFFFFFFB0  }
0xdc: {  	_ =	sfence.sel $0x180000  }
0xdd: {  	[bflag:$0x0] =	sbarrier.arrive $0xFFFF  }
0xde: {  	_ =	strace $0x90000047  }
0xdf: {  	s0 =	stileid.u32;
	[bflag:$0x2] =	sbarrier.arrive $0xFFFF  }
0xe0: {  	p0 =	sne.s32 s0, $0x0;
	s0 =	rddreg [dreg:$0x5]  }
0xe1: {  	s0 =	sadd.s32 @!p0 $0x100000, s0  }
0xe2: {  	[sflag:s0] =	ssyncadd.tile.s32 @!p0 $0x1;
	_ =	shalt  }
.Lfunc_end2:
_tile_overlayer_lowered:
.L_overlay_start_2:
0xe3: {  	(tag) =	ssettag $0x2  }
0xe4: {  	s0 =	rddreg [dreg:$0x0];
	s2 =	stileid.u32  }
0xe5: {  	s1 =	rddreg [dreg:$0x1];
	p0 =	sne.s32 s2, $0x0  }
0xe6: {  	s3 =	rddreg [dreg:$0x2];
	[bflag:$0x3] =	sbarrier.arrive $0xFFFF;
	s2 =	simm.s32 @!p0 $0x1C09  }
0xe7: {  	[timem:s3], [sflag:s2] =	dma.local @!p0 [hbm:s0], s1  }
0xe8: {  	s0 =	simm.s32 @!p0 $0x9  }
0xe9: {  	_ =	swait.ge @!p0 [sflag:s0], s1  }
0xea: {  	s1 =	ssub.s32 @!p0 $0x0, s1;
	[sflag:s0] =	ssyncset.done @!p0 $0x0  }
0xeb: {  	[sflag:s0] =	ssyncadd.s32 @!p0 s1  }
0xec: {  	[bflag:$0x3] =	sbarrier.arrive $0xFFFF  }
0xed: {  	_ =	shalt  }

</sc_bundles>
